<compile_context>
chip_gen: v7x
topology: tpu7x:2x2x1
jax: 0.10.2.dev20260603
libtpu: 0.0.44.dev20260713+nightly
codegen_flags: <defaults>
</compile_context>

<pallas_src>
import functools

import jax
import jax.numpy as jnp
from jax import lax
from jax.experimental import pallas as pl
from jax.experimental.pallas import tpu as pltpu
from jax.experimental.pallas import tpu_sc as plsc

D = 32
B = 16384
L = 16
NW = 32
BPW = B // NW
KCH = 8
NKCH = BPW // KCH
ICH = 128


def _make_k1():
    mesh = plsc.VectorSubcoreMesh(core_axis_name="c", subcore_axis_name="s")

    @functools.partial(
        pl.kernel,
        mesh=mesh,
        out_type=jax.ShapeDtypeStruct((B * D,), jnp.float32),
        compiler_params=pltpu.CompilerParams(
            needs_layout_passes=False, use_tc_tiling_on_sc=True),
        scratch_types=[
            pltpu.VMEM((BPW,), jnp.int32),
            pltpu.VMEM((2, KCH, D, 128), jnp.float32),
            pltpu.VMEM((BPW * D,), jnp.float32),
            pltpu.SemaphoreType.DMA,
            pltpu.SemaphoreType.DMA,
        ],
    )
    def k1(model_hbm, mt_hbm, mout_hbm, idx_m, cols, rows, sem0, sem1):
        wid = lax.axis_index("s") * 2 + lax.axis_index("c")
        base = wid * BPW

        pltpu.sync_copy(model_hbm.at[pl.ds(base, BPW)], idx_m)
        iota = lax.iota(jnp.int32, L)
        sems = (sem0, sem1)

        def load_idx(p):
            return idx_m[pl.ds(pl.multiple_of(p * 2 * KCH, 2 * KCH), L)]

        def fire(col_base, parity):
            for i in range(KCH):
                cb = pl.multiple_of(col_base[parity * KCH + i], 128)
                pltpu.async_copy(
                    mt_hbm.at[:, pl.ds(cb, 128)],
                    cols.at[parity, i], sems[parity])

        def drain_extract(p, lane, parity):
            for i in range(KCH):
                pltpu.make_async_copy(
                    mt_hbm.at[:, pl.ds(0, 128)],
                    cols.at[parity, i], sems[parity]).wait()
            c0 = pl.multiple_of((p * 2 + parity) * KCH, KCH)
            for i in range(KCH):
                lane_col = jnp.full((L,), lane[parity * KCH + i], jnp.int32)
                v0 = plsc.load_gather(cols.at[parity, i], [iota, lane_col])
                v1 = plsc.load_gather(cols.at[parity, i], [iota + L, lane_col])
                r0 = pl.multiple_of((c0 + i) * D, D)
                rows[pl.ds(r0, L)] = v0
                rows[pl.ds(r0 + L, L)] = v1

        idx0 = load_idx(0)
        fire((idx0 >> 7) << 7, 0)

        def pair_body(p, carry):
            idx_vec = load_idx(p)
            col_base = (idx_vec >> 7) << 7
            lane = idx_vec & 127
            fire(col_base, 1)
            drain_extract(p, lane, 0)

            @pl.when(p + 1 < NKCH // 2)
            def _():
                idx_nxt = load_idx(p + 1)
                fire((idx_nxt >> 7) << 7, 0)

            drain_extract(p, lane, 1)
            return carry

        lax.fori_loop(0, NKCH // 2, pair_body, 0)
        pltpu.sync_copy(rows, mout_hbm.at[pl.ds(base * D, BPW * D)])

    return k1


def _make_k2():
    mesh = plsc.VectorSubcoreMesh(core_axis_name="c", subcore_axis_name="s")

    @functools.partial(
        pl.kernel,
        mesh=mesh,
        out_type=jax.ShapeDtypeStruct((B,), jnp.float32),
        compiler_params=pltpu.CompilerParams(
            needs_layout_passes=False, use_tc_tiling_on_sc=False),
        scratch_types=[
            pltpu.VMEM((BPW // ICH, ICH), jnp.int32),
            pltpu.VMEM((BPW, D), jnp.float32),
            pltpu.VMEM((BPW * D,), jnp.float32),
            pltpu.VMEM((BPW,), jnp.float32),
            pltpu.SemaphoreType.DMA,
        ],
    )
    def k2(task_hbm, tf_hbm, mvec_hbm, out_hbm,
           idx_t, trows, mrows, out_v, sem):
        wid = lax.axis_index("s") * 2 + lax.axis_index("c")
        base = wid * BPW

        for j in range(BPW // ICH):
            pltpu.sync_copy(task_hbm.at[pl.ds(base + j * ICH, ICH)],
                            idx_t.at[j])
        copies = [pltpu.async_copy(
            mvec_hbm.at[pl.ds(base * D, BPW * D)], mrows, sem)]
        for j in range(BPW // ICH):
            copies.append(pltpu.async_copy(
                tf_hbm.at[idx_t.at[j]],
                trows.at[pl.ds(j * ICH, ICH)], sem))
        for cpy in copies:
            cpy.wait()

        iota = lax.iota(jnp.int32, L)

        def group_body(g, carry):
            row = pl.multiple_of(g * L, L) + iota
            flat = row * D
            acc = jnp.zeros((L,), jnp.float32)
            for d in range(D):
                col = jnp.full((L,), d, jnp.int32)
                mv = plsc.load_gather(mrows, [flat + d])
                tv = plsc.load_gather(trows, [row, col])
                acc = acc + mv * tv
            out_v[pl.ds(pl.multiple_of(g * L, L), L)] = acc
            return carry

        lax.fori_loop(0, BPW // L, group_body, 0)
        pltpu.sync_copy(out_v, out_hbm.at[pl.ds(base, BPW)])

    return k2


_k1 = _make_k1()
_k2 = _make_k2()


def kernel(model, task, model_factors, task_factors):
    model = model.astype(jnp.int32)
    task = task.astype(jnp.int32)
    mvec = _k1(model, model_factors.T)
    return _k2(task, task_factors, mvec)

# --- scband reference (transcript-rebuilt; emitter-appended) ---
"""Pipeline reference for scband-matrix-factorization-82222853914828 (READ-ONLY COPY).

The authoritative reference and input builder live on the scoring server;
editing this copy changes nothing except your own understanding.
"""

import jax, jax.numpy as jnp
import numpy as np

NUM_MODELS = 1000000
NUM_TASKS = 100000
NUM_FACTORS = 32
BATCH = 16384


def setup_inputs(seed: int = 0) -> dict:
    key = jax.random.key(seed)
    k1, k2, k3, k4 = jax.random.split(key, 4)
    model = jax.random.randint(k1, (BATCH,), 0, NUM_MODELS, dtype=jnp.int64) if jax.config.jax_enable_x64 else jax.random.randint(k1, (BATCH,), 0, NUM_MODELS).astype(jnp.int32)
    task = jax.random.randint(k2, (BATCH,), 0, NUM_TASKS).astype(model.dtype)
    model_factors = jax.random.normal(k3, (NUM_MODELS, NUM_FACTORS), dtype=jnp.float32) * 0.01
    task_factors = jax.random.normal(k4, (NUM_TASKS, NUM_FACTORS), dtype=jnp.float32) * 0.01
    return {"model": model, "task": task, "model_factors": model_factors, "task_factors": task_factors}


def reference(model, task, model_factors, task_factors):
    # embedding lookups (gather)
    model_embedding = jnp.take(model_factors, model, axis=0)
    task_embedding = jnp.take(task_factors, task, axis=0)
    # elementwise product + reduce over factor dim
    return (model_embedding * task_embedding).sum(axis=1)

if __name__ == "__main__":
    import jax
    _d = setup_inputs()
    print(jax.jit(kernel)(*tuple(_d.values())))

</pallas_src>

<mosaic_0001>
#map = affine_map<(d0, d1) -> (0)>
#map1 = affine_map<(d0, d1) -> (0, 0)>
module attributes {stable_mosaic.version = 14 : i64} {
  func.func @k2(%arg0: i32, %arg1: i32, %arg2: memref<16384xi32, #tpu.memory_space<hbm>>, %arg3: memref<100000x32xf32, #tpu.memory_space<hbm>>, %arg4: memref<524288xf32, #tpu.memory_space<hbm>>, %arg5: memref<16384xf32, #tpu.memory_space<hbm>>, %arg6: memref<4x128xi32, #tpu.memory_space<vmem>>, %arg7: memref<512x32xf32, #tpu.memory_space<vmem>>, %arg8: memref<16384xf32, #tpu.memory_space<vmem>>, %arg9: memref<512xf32, #tpu.memory_space<vmem>>, %arg10: memref<!tpu.dma_semaphore, #tpu.memory_space<semaphore_mem>>) attributes {dimension_semantics = [#tpu.dimension_semantics<core_parallel>, #tpu.dimension_semantics<subcore_parallel>], iteration_bounds = array<i64: 2, 16>, scalar_prefetch = 0 : i64, scratch_operands = 5 : i64, tpu.core_type = #tpu.core_type<sc_vector_subcore>, window_params = [{transform_indices = #map}, {transform_indices = #map1}, {transform_indices = #map}, {transform_indices = #map}]} {
    %mul3A = arith.constant 2 : i32
    %mul3A_0 = arith.muli %arg1, %mul3A : i32
    %add3A = arith.addi %mul3A_0, %arg0 : i32
    %mul3A_1 = arith.constant 512 : i32
    %mul3A_2 = arith.muli %add3A, %mul3A_1 : i32
    %add3A_3 = arith.constant 0 : i32
    %add3A_4 = arith.addi %mul3A_2, %add3A_3 : i32
    %run_scoped3A = arith.constant 0 : i32
    "tpu.region"() ({
      %run_scoped3A_103 = tpu.sem_alloc : memref<!tpu.dma_semaphore, #tpu.memory_space<semaphore_mem>>
      %dma_start3A_104 = arith.constant 0 : i32
      %dma_start3A_105 = tpu.memref_slice %arg6[%run_scoped3A, %dma_start3A_104] : memref<4x128xi32, #tpu.memory_space<vmem>> -> memref<1x128xi32, #tpu.memory_space<vmem>>
      %dma_start3A_106 = tpu.memref_squeeze %dma_start3A_105 : memref<1x128xi32, #tpu.memory_space<vmem>> -> memref<128xi32, #tpu.memory_space<vmem>>
      %dma_start3A_107 = tpu.memref_slice %arg2[%add3A_4] : memref<16384xi32, #tpu.memory_space<hbm>> -> memref<128xi32, #tpu.memory_space<hbm>>
      %dma_start3A_108 = arith.constant 0 : i32
      %dma_start3A_109 = tpu.memref_slice %arg6[%run_scoped3A, %dma_start3A_108] : memref<4x128xi32, #tpu.memory_space<vmem>> -> memref<1x128xi32, #tpu.memory_space<vmem>>
      %dma_start3A_110 = tpu.memref_squeeze %dma_start3A_109 : memref<1x128xi32, #tpu.memory_space<vmem>> -> memref<128xi32, #tpu.memory_space<vmem>>
      %dma_start3A_111 = tpu.memref_slice %arg2[%add3A_4] : memref<16384xi32, #tpu.memory_space<hbm>> -> memref<128xi32, #tpu.memory_space<hbm>>
      tpu.enqueue_dma source(%dma_start3A_111 : memref<128xi32, #tpu.memory_space<hbm>>) target(%dma_start3A_110 : memref<128xi32, #tpu.memory_space<vmem>>) target_semaphore(%run_scoped3A_103 : memref<!tpu.dma_semaphore, #tpu.memory_space<semaphore_mem>>)
      %dma_wait3A_112 = arith.constant 0 : i32
      %dma_wait3A_113 = tpu.memref_slice %arg6[%run_scoped3A, %dma_wait3A_112] : memref<4x128xi32, #tpu.memory_space<vmem>> -> memref<1x128xi32, #tpu.memory_space<vmem>>
      %dma_wait3A_114 = tpu.memref_squeeze %dma_wait3A_113 : memref<1x128xi32, #tpu.memory_space<vmem>> -> memref<128xi32, #tpu.memory_space<vmem>>
      %dma_wait3A_115 = tpu.memref_slice %arg2[%add3A_4] : memref<16384xi32, #tpu.memory_space<hbm>> -> memref<128xi32, #tpu.memory_space<hbm>>
      %dma_wait3A_116 = arith.constant 0 : i32
      %dma_wait3A_117 = tpu.memref_slice %arg6[%run_scoped3A, %dma_wait3A_116] : memref<4x128xi32, #tpu.memory_space<vmem>> -> memref<1x128xi32, #tpu.memory_space<vmem>>
      %dma_wait3A_118 = tpu.memref_squeeze %dma_wait3A_117 : memref<1x128xi32, #tpu.memory_space<vmem>> -> memref<128xi32, #tpu.memory_space<vmem>>
      %dma_wait3A_119 = tpu.memref_slice %arg2[%add3A_4] : memref<16384xi32, #tpu.memory_space<hbm>> -> memref<128xi32, #tpu.memory_space<hbm>>
      tpu.wait_dma2 semaphore(%run_scoped3A_103 : memref<!tpu.dma_semaphore, #tpu.memory_space<semaphore_mem>>) src(%dma_wait3A_119 : memref<128xi32, #tpu.memory_space<hbm>>) dst(%dma_wait3A_118 : memref<128xi32, #tpu.memory_space<vmem>>)
      tpu.yield
    }) : () -> ()
    %add3A_5 = arith.constant 128 : i32
    %add3A_6 = arith.addi %mul3A_2, %add3A_5 : i32
    %run_scoped3A_7 = arith.constant 1 : i32
    "tpu.region"() ({
      %run_scoped3A_103 = tpu.sem_alloc : memref<!tpu.dma_semaphore, #tpu.memory_space<semaphore_mem>>
      %dma_start3A_104 = arith.constant 0 : i32
      %dma_start3A_105 = tpu.memref_slice %arg6[%run_scoped3A_7, %dma_start3A_104] : memref<4x128xi32, #tpu.memory_space<vmem>> -> memref<1x128xi32, #tpu.memory_space<vmem>>
      %dma_start3A_106 = tpu.memref_squeeze %dma_start3A_105 : memref<1x128xi32, #tpu.memory_space<vmem>> -> memref<128xi32, #tpu.memory_space<vmem>>
      %dma_start3A_107 = tpu.memref_slice %arg2[%add3A_6] : memref<16384xi32, #tpu.memory_space<hbm>> -> memref<128xi32, #tpu.memory_space<hbm>>
      %dma_start3A_108 = arith.constant 0 : i32
      %dma_start3A_109 = tpu.memref_slice %arg6[%run_scoped3A_7, %dma_start3A_108] : memref<4x128xi32, #tpu.memory_space<vmem>> -> memref<1x128xi32, #tpu.memory_space<vmem>>
      %dma_start3A_110 = tpu.memref_squeeze %dma_start3A_109 : memref<1x128xi32, #tpu.memory_space<vmem>> -> memref<128xi32, #tpu.memory_space<vmem>>
      %dma_start3A_111 = tpu.memref_slice %arg2[%add3A_6] : memref<16384xi32, #tpu.memory_space<hbm>> -> memref<128xi32, #tpu.memory_space<hbm>>
      tpu.enqueue_dma source(%dma_start3A_111 : memref<128xi32, #tpu.memory_space<hbm>>) target(%dma_start3A_110 : memref<128xi32, #tpu.memory_space<vmem>>) target_semaphore(%run_scoped3A_103 : memref<!tpu.dma_semaphore, #tpu.memory_space<semaphore_mem>>)
      %dma_wait3A_112 = arith.constant 0 : i32
      %dma_wait3A_113 = tpu.memref_slice %arg6[%run_scoped3A_7, %dma_wait3A_112] : memref<4x128xi32, #tpu.memory_space<vmem>> -> memref<1x128xi32, #tpu.memory_space<vmem>>
      %dma_wait3A_114 = tpu.memref_squeeze %dma_wait3A_113 : memref<1x128xi32, #tpu.memory_space<vmem>> -> memref<128xi32, #tpu.memory_space<vmem>>
      %dma_wait3A_115 = tpu.memref_slice %arg2[%add3A_6] : memref<16384xi32, #tpu.memory_space<hbm>> -> memref<128xi32, #tpu.memory_space<hbm>>
      %dma_wait3A_116 = arith.constant 0 : i32
      %dma_wait3A_117 = tpu.memref_slice %arg6[%run_scoped3A_7, %dma_wait3A_116] : memref<4x128xi32, #tpu.memory_space<vmem>> -> memref<1x128xi32, #tpu.memory_space<vmem>>
      %dma_wait3A_118 = tpu.memref_squeeze %dma_wait3A_117 : memref<1x128xi32, #tpu.memory_space<vmem>> -> memref<128xi32, #tpu.memory_space<vmem>>
      %dma_wait3A_119 = tpu.memref_slice %arg2[%add3A_6] : memref<16384xi32, #tpu.memory_space<hbm>> -> memref<128xi32, #tpu.memory_space<hbm>>
      tpu.wait_dma2 semaphore(%run_scoped3A_103 : memref<!tpu.dma_semaphore, #tpu.memory_space<semaphore_mem>>) src(%dma_wait3A_119 : memref<128xi32, #tpu.memory_space<hbm>>) dst(%dma_wait3A_118 : memref<128xi32, #tpu.memory_space<vmem>>)
      tpu.yield
    }) : () -> ()
    %add3A_8 = arith.constant 256 : i32
    %add3A_9 = arith.addi %mul3A_2, %add3A_8 : i32
    %run_scoped3A_10 = arith.constant 2 : i32
    "tpu.region"() ({
      %run_scoped3A_103 = tpu.sem_alloc : memref<!tpu.dma_semaphore, #tpu.memory_space<semaphore_mem>>
      %dma_start3A_104 = arith.constant 0 : i32
      %dma_start3A_105 = tpu.memref_slice %arg6[%run_scoped3A_10, %dma_start3A_104] : memref<4x128xi32, #tpu.memory_space<vmem>> -> memref<1x128xi32, #tpu.memory_space<vmem>>
      %dma_start3A_106 = tpu.memref_squeeze %dma_start3A_105 : memref<1x128xi32, #tpu.memory_space<vmem>> -> memref<128xi32, #tpu.memory_space<vmem>>
      %dma_start3A_107 = tpu.memref_slice %arg2[%add3A_9] : memref<16384xi32, #tpu.memory_space<hbm>> -> memref<128xi32, #tpu.memory_space<hbm>>
      %dma_start3A_108 = arith.constant 0 : i32
      %dma_start3A_109 = tpu.memref_slice %arg6[%run_scoped3A_10, %dma_start3A_108] : memref<4x128xi32, #tpu.memory_space<vmem>> -> memref<1x128xi32, #tpu.memory_space<vmem>>
      %dma_start3A_110 = tpu.memref_squeeze %dma_start3A_109 : memref<1x128xi32, #tpu.memory_space<vmem>> -> memref<128xi32, #tpu.memory_space<vmem>>
      %dma_start3A_111 = tpu.memref_slice %arg2[%add3A_9] : memref<16384xi32, #tpu.memory_space<hbm>> -> memref<128xi32, #tpu.memory_space<hbm>>
      tpu.enqueue_dma source(%dma_start3A_111 : memref<128xi32, #tpu.memory_space<hbm>>) target(%dma_start3A_110 : memref<128xi32, #tpu.memory_space<vmem>>) target_semaphore(%run_scoped3A_103 : memref<!tpu.dma_semaphore, #tpu.memory_space<semaphore_mem>>)
      %dma_wait3A_112 = arith.constant 0 : i32
      %dma_wait3A_113 = tpu.memref_slice %arg6[%run_scoped3A_10, %dma_wait3A_112] : memref<4x128xi32, #tpu.memory_space<vmem>> -> memref<1x128xi32, #tpu.memory_space<vmem>>
      %dma_wait3A_114 = tpu.memref_squeeze %dma_wait3A_113 : memref<1x128xi32, #tpu.memory_space<vmem>> -> memref<128xi32, #tpu.memory_space<vmem>>
      %dma_wait3A_115 = tpu.memref_slice %arg2[%add3A_9] : memref<16384xi32, #tpu.memory_space<hbm>> -> memref<128xi32, #tpu.memory_space<hbm>>
      %dma_wait3A_116 = arith.constant 0 : i32
      %dma_wait3A_117 = tpu.memref_slice %arg6[%run_scoped3A_10, %dma_wait3A_116] : memref<4x128xi32, #tpu.memory_space<vmem>> -> memref<1x128xi32, #tpu.memory_space<vmem>>
      %dma_wait3A_118 = tpu.memref_squeeze %dma_wait3A_117 : memref<1x128xi32, #tpu.memory_space<vmem>> -> memref<128xi32, #tpu.memory_space<vmem>>
      %dma_wait3A_119 = tpu.memref_slice %arg2[%add3A_9] : memref<16384xi32, #tpu.memory_space<hbm>> -> memref<128xi32, #tpu.memory_space<hbm>>
      tpu.wait_dma2 semaphore(%run_scoped3A_103 : memref<!tpu.dma_semaphore, #tpu.memory_space<semaphore_mem>>) src(%dma_wait3A_119 : memref<128xi32, #tpu.memory_space<hbm>>) dst(%dma_wait3A_118 : memref<128xi32, #tpu.memory_space<vmem>>)
      tpu.yield
    }) : () -> ()
    %add3A_11 = arith.constant 384 : i32
    %add3A_12 = arith.addi %mul3A_2, %add3A_11 : i32
    %run_scoped3A_13 = arith.constant 3 : i32
    "tpu.region"() ({
      %run_scoped3A_103 = tpu.sem_alloc : memref<!tpu.dma_semaphore, #tpu.memory_space<semaphore_mem>>
      %dma_start3A_104 = arith.constant 0 : i32
      %dma_start3A_105 = tpu.memref_slice %arg6[%run_scoped3A_13, %dma_start3A_104] : memref<4x128xi32, #tpu.memory_space<vmem>> -> memref<1x128xi32, #tpu.memory_space<vmem>>
      %dma_start3A_106 = tpu.memref_squeeze %dma_start3A_105 : memref<1x128xi32, #tpu.memory_space<vmem>> -> memref<128xi32, #tpu.memory_space<vmem>>
      %dma_start3A_107 = tpu.memref_slice %arg2[%add3A_12] : memref<16384xi32, #tpu.memory_space<hbm>> -> memref<128xi32, #tpu.memory_space<hbm>>
      %dma_start3A_108 = arith.constant 0 : i32
      %dma_start3A_109 = tpu.memref_slice %arg6[%run_scoped3A_13, %dma_start3A_108] : memref<4x128xi32, #tpu.memory_space<vmem>> -> memref<1x128xi32, #tpu.memory_space<vmem>>
      %dma_start3A_110 = tpu.memref_squeeze %dma_start3A_109 : memref<1x128xi32, #tpu.memory_space<vmem>> -> memref<128xi32, #tpu.memory_space<vmem>>
      %dma_start3A_111 = tpu.memref_slice %arg2[%add3A_12] : memref<16384xi32, #tpu.memory_space<hbm>> -> memref<128xi32, #tpu.memory_space<hbm>>
      tpu.enqueue_dma source(%dma_start3A_111 : memref<128xi32, #tpu.memory_space<hbm>>) target(%dma_start3A_110 : memref<128xi32, #tpu.memory_space<vmem>>) target_semaphore(%run_scoped3A_103 : memref<!tpu.dma_semaphore, #tpu.memory_space<semaphore_mem>>)
      %dma_wait3A_112 = arith.constant 0 : i32
      %dma_wait3A_113 = tpu.memref_slice %arg6[%run_scoped3A_13, %dma_wait3A_112] : memref<4x128xi32, #tpu.memory_space<vmem>> -> memref<1x128xi32, #tpu.memory_space<vmem>>
      %dma_wait3A_114 = tpu.memref_squeeze %dma_wait3A_113 : memref<1x128xi32, #tpu.memory_space<vmem>> -> memref<128xi32, #tpu.memory_space<vmem>>
      %dma_wait3A_115 = tpu.memref_slice %arg2[%add3A_12] : memref<16384xi32, #tpu.memory_space<hbm>> -> memref<128xi32, #tpu.memory_space<hbm>>
      %dma_wait3A_116 = arith.constant 0 : i32
      %dma_wait3A_117 = tpu.memref_slice %arg6[%run_scoped3A_13, %dma_wait3A_116] : memref<4x128xi32, #tpu.memory_space<vmem>> -> memref<1x128xi32, #tpu.memory_space<vmem>>
      %dma_wait3A_118 = tpu.memref_squeeze %dma_wait3A_117 : memref<1x128xi32, #tpu.memory_space<vmem>> -> memref<128xi32, #tpu.memory_space<vmem>>
      %dma_wait3A_119 = tpu.memref_slice %arg2[%add3A_12] : memref<16384xi32, #tpu.memory_space<hbm>> -> memref<128xi32, #tpu.memory_space<hbm>>
      tpu.wait_dma2 semaphore(%run_scoped3A_103 : memref<!tpu.dma_semaphore, #tpu.memory_space<semaphore_mem>>) src(%dma_wait3A_119 : memref<128xi32, #tpu.memory_space<hbm>>) dst(%dma_wait3A_118 : memref<128xi32, #tpu.memory_space<vmem>>)
      tpu.yield
    }) : () -> ()
    %mul3A_14 = arith.constant 32 : i32
    %mul3A_15 = arith.muli %mul3A_2, %mul3A_14 : i32
    %dma_start3A = tpu.memref_slice %arg4[%mul3A_15] : memref<524288xf32, #tpu.memory_space<hbm>> -> memref<16384xf32, #tpu.memory_space<hbm>>
    %dma_start3A_16 = tpu.memref_slice %arg4[%mul3A_15] : memref<524288xf32, #tpu.memory_space<hbm>> -> memref<16384xf32, #tpu.memory_space<hbm>>
    tpu.enqueue_dma source(%dma_start3A_16 : memref<16384xf32, #tpu.memory_space<hbm>>) target(%arg8 : memref<16384xf32, #tpu.memory_space<vmem>>) target_semaphore(%arg10 : memref<!tpu.dma_semaphore, #tpu.memory_space<semaphore_mem>>)
    %dma_start3A_17 = arith.constant 0 : i32
    %dma_start3A_18 = arith.constant 0 : i32
    %dma_start3A_19 = arith.constant 0 : i32
    %dma_start3A_20 = tpu.memref_slice %arg7[%dma_start3A_18, %dma_start3A_19] : memref<512x32xf32, #tpu.memory_space<vmem>> -> memref<128x32xf32, #tpu.memory_space<vmem>>
    %dma_start3A_21 = arith.constant 0 : i32
    %dma_start3A_22 = tpu.memref_slice %arg6[%dma_start3A_17, %dma_start3A_21] : memref<4x128xi32, #tpu.memory_space<vmem>> -> memref<1x128xi32, #tpu.memory_space<vmem>>
    %dma_start3A_23 = tpu.memref_squeeze %dma_start3A_22 : memref<1x128xi32, #tpu.memory_space<vmem>> -> memref<128xi32, #tpu.memory_space<vmem>>
    %dma_start3A_24 = arith.constant 0 : i32
    %dma_start3A_25 = arith.constant 0 : i32
    %dma_start3A_26 = tpu.memref_slice %arg3[%dma_start3A_24, %dma_start3A_25] : memref<100000x32xf32, #tpu.memory_space<hbm>> -> memref<100000x32xf32, #tpu.memory_space<hbm>>
    tpu.enqueue_indirect_dma source(%dma_start3A_26 : memref<100000x32xf32, #tpu.memory_space<hbm>>) target(%dma_start3A_20 : memref<128x32xf32, #tpu.memory_space<vmem>>) offsets(%dma_start3A_23 : memref<128xi32, #tpu.memory_space<vmem>>) semaphore(%arg10 : memref<!tpu.dma_semaphore, #tpu.memory_space<semaphore_mem>>)
    %dma_start3A_27 = arith.constant 1 : i32
    %dma_start3A_28 = arith.constant 128 : i32
    %dma_start3A_29 = arith.constant 0 : i32
    %dma_start3A_30 = tpu.memref_slice %arg7[%dma_start3A_28, %dma_start3A_29] : memref<512x32xf32, #tpu.memory_space<vmem>> -> memref<128x32xf32, #tpu.memory_space<vmem>>
    %dma_start3A_31 = arith.constant 0 : i32
    %dma_start3A_32 = tpu.memref_slice %arg6[%dma_start3A_27, %dma_start3A_31] : memref<4x128xi32, #tpu.memory_space<vmem>> -> memref<1x128xi32, #tpu.memory_space<vmem>>
    %dma_start3A_33 = tpu.memref_squeeze %dma_start3A_32 : memref<1x128xi32, #tpu.memory_space<vmem>> -> memref<128xi32, #tpu.memory_space<vmem>>
    %dma_start3A_34 = arith.constant 0 : i32
    %dma_start3A_35 = arith.constant 0 : i32
    %dma_start3A_36 = tpu.memref_slice %arg3[%dma_start3A_34, %dma_start3A_35] : memref<100000x32xf32, #tpu.memory_space<hbm>> -> memref<100000x32xf32, #tpu.memory_space<hbm>>
    tpu.enqueue_indirect_dma source(%dma_start3A_36 : memref<100000x32xf32, #tpu.memory_space<hbm>>) target(%dma_start3A_30 : memref<128x32xf32, #tpu.memory_space<vmem>>) offsets(%dma_start3A_33 : memref<128xi32, #tpu.memory_space<vmem>>) semaphore(%arg10 : memref<!tpu.dma_semaphore, #tpu.memory_space<semaphore_mem>>)
    %dma_start3A_37 = arith.constant 2 : i32
    %dma_start3A_38 = arith.constant 256 : i32
    %dma_start3A_39 = arith.constant 0 : i32
    %dma_start3A_40 = tpu.memref_slice %arg7[%dma_start3A_38, %dma_start3A_39] : memref<512x32xf32, #tpu.memory_space<vmem>> -> memref<128x32xf32, #tpu.memory_space<vmem>>
    %dma_start3A_41 = arith.constant 0 : i32
    %dma_start3A_42 = tpu.memref_slice %arg6[%dma_start3A_37, %dma_start3A_41] : memref<4x128xi32, #tpu.memory_space<vmem>> -> memref<1x128xi32, #tpu.memory_space<vmem>>
    %dma_start3A_43 = tpu.memref_squeeze %dma_start3A_42 : memref<1x128xi32, #tpu.memory_space<vmem>> -> memref<128xi32, #tpu.memory_space<vmem>>
    %dma_start3A_44 = arith.constant 0 : i32
    %dma_start3A_45 = arith.constant 0 : i32
    %dma_start3A_46 = tpu.memref_slice %arg3[%dma_start3A_44, %dma_start3A_45] : memref<100000x32xf32, #tpu.memory_space<hbm>> -> memref<100000x32xf32, #tpu.memory_space<hbm>>
    tpu.enqueue_indirect_dma source(%dma_start3A_46 : memref<100000x32xf32, #tpu.memory_space<hbm>>) target(%dma_start3A_40 : memref<128x32xf32, #tpu.memory_space<vmem>>) offsets(%dma_start3A_43 : memref<128xi32, #tpu.memory_space<vmem>>) semaphore(%arg10 : memref<!tpu.dma_semaphore, #tpu.memory_space<semaphore_mem>>)
    %dma_start3A_47 = arith.constant 3 : i32
    %dma_start3A_48 = arith.constant 384 : i32
    %dma_start3A_49 = arith.constant 0 : i32
    %dma_start3A_50 = tpu.memref_slice %arg7[%dma_start3A_48, %dma_start3A_49] : memref<512x32xf32, #tpu.memory_space<vmem>> -> memref<128x32xf32, #tpu.memory_space<vmem>>
    %dma_start3A_51 = arith.constant 0 : i32
    %dma_start3A_52 = tpu.memref_slice %arg6[%dma_start3A_47, %dma_start3A_51] : memref<4x128xi32, #tpu.memory_space<vmem>> -> memref<1x128xi32, #tpu.memory_space<vmem>>
    %dma_start3A_53 = tpu.memref_squeeze %dma_start3A_52 : memref<1x128xi32, #tpu.memory_space<vmem>> -> memref<128xi32, #tpu.memory_space<vmem>>
    %dma_start3A_54 = arith.constant 0 : i32
    %dma_start3A_55 = arith.constant 0 : i32
    %dma_start3A_56 = tpu.memref_slice %arg3[%dma_start3A_54, %dma_start3A_55] : memref<100000x32xf32, #tpu.memory_space<hbm>> -> memref<100000x32xf32, #tpu.memory_space<hbm>>
    tpu.enqueue_indirect_dma source(%dma_start3A_56 : memref<100000x32xf32, #tpu.memory_space<hbm>>) target(%dma_start3A_50 : memref<128x32xf32, #tpu.memory_space<vmem>>) offsets(%dma_start3A_53 : memref<128xi32, #tpu.memory_space<vmem>>) semaphore(%arg10 : memref<!tpu.dma_semaphore, #tpu.memory_space<semaphore_mem>>)
    %dma_wait3A = tpu.memref_slice %arg4[%mul3A_15] : memref<524288xf32, #tpu.memory_space<hbm>> -> memref<16384xf32, #tpu.memory_space<hbm>>
    %dma_wait3A_57 = tpu.memref_slice %arg4[%mul3A_15] : memref<524288xf32, #tpu.memory_space<hbm>> -> memref<16384xf32, #tpu.memory_space<hbm>>
    tpu.wait_dma2 semaphore(%arg10 : memref<!tpu.dma_semaphore, #tpu.memory_space<semaphore_mem>>) src(%dma_wait3A_57 : memref<16384xf32, #tpu.memory_space<hbm>>) dst(%arg8 : memref<16384xf32, #tpu.memory_space<vmem>>)
    %dma_wait3A_58 = arith.constant 0 : i32
    %dma_wait3A_59 = arith.constant 0 : i32
    %dma_wait3A_60 = arith.constant 0 : i32
    %dma_wait3A_61 = tpu.memref_slice %arg7[%dma_wait3A_59, %dma_wait3A_60] : memref<512x32xf32, #tpu.memory_space<vmem>> -> memref<128x32xf32, #tpu.memory_space<vmem>>
    %dma_wait3A_62 = arith.constant 0 : i32
    %dma_wait3A_63 = tpu.memref_slice %arg6[%dma_wait3A_58, %dma_wait3A_62] : memref<4x128xi32, #tpu.memory_space<vmem>> -> memref<1x128xi32, #tpu.memory_space<vmem>>
    %dma_wait3A_64 = tpu.memref_squeeze %dma_wait3A_63 : memref<1x128xi32, #tpu.memory_space<vmem>> -> memref<128xi32, #tpu.memory_space<vmem>>
    %dma_wait3A_65 = arith.constant 0 : i32
    %dma_wait3A_66 = arith.constant 0 : i32
    %dma_wait3A_67 = tpu.memref_slice %arg3[%dma_wait3A_65, %dma_wait3A_66] : memref<100000x32xf32, #tpu.memory_space<hbm>> -> memref<100000x32xf32, #tpu.memory_space<hbm>>
    tpu.wait_indirect_dma semaphore(%arg10 : memref<!tpu.dma_semaphore, #tpu.memory_space<semaphore_mem>>) src(%dma_wait3A_67 : memref<100000x32xf32, #tpu.memory_space<hbm>>) dst(%dma_wait3A_61 : memref<128x32xf32, #tpu.memory_space<vmem>>)
    %dma_wait3A_68 = arith.constant 1 : i32
    %dma_wait3A_69 = arith.constant 128 : i32
    %dma_wait3A_70 = arith.constant 0 : i32
    %dma_wait3A_71 = tpu.memref_slice %arg7[%dma_wait3A_69, %dma_wait3A_70] : memref<512x32xf32, #tpu.memory_space<vmem>> -> memref<128x32xf32, #tpu.memory_space<vmem>>
    %dma_wait3A_72 = arith.constant 0 : i32
    %dma_wait3A_73 = tpu.memref_slice %arg6[%dma_wait3A_68, %dma_wait3A_72] : memref<4x128xi32, #tpu.memory_space<vmem>> -> memref<1x128xi32, #tpu.memory_space<vmem>>
    %dma_wait3A_74 = tpu.memref_squeeze %dma_wait3A_73 : memref<1x128xi32, #tpu.memory_space<vmem>> -> memref<128xi32, #tpu.memory_space<vmem>>
    %dma_wait3A_75 = arith.constant 0 : i32
    %dma_wait3A_76 = arith.constant 0 : i32
    %dma_wait3A_77 = tpu.memref_slice %arg3[%dma_wait3A_75, %dma_wait3A_76] : memref<100000x32xf32, #tpu.memory_space<hbm>> -> memref<100000x32xf32, #tpu.memory_space<hbm>>
    tpu.wait_indirect_dma semaphore(%arg10 : memref<!tpu.dma_semaphore, #tpu.memory_space<semaphore_mem>>) src(%dma_wait3A_77 : memref<100000x32xf32, #tpu.memory_space<hbm>>) dst(%dma_wait3A_71 : memref<128x32xf32, #tpu.memory_space<vmem>>)
    %dma_wait3A_78 = arith.constant 2 : i32
    %dma_wait3A_79 = arith.constant 256 : i32
    %dma_wait3A_80 = arith.constant 0 : i32
    %dma_wait3A_81 = tpu.memref_slice %arg7[%dma_wait3A_79, %dma_wait3A_80] : memref<512x32xf32, #tpu.memory_space<vmem>> -> memref<128x32xf32, #tpu.memory_space<vmem>>
    %dma_wait3A_82 = arith.constant 0 : i32
    %dma_wait3A_83 = tpu.memref_slice %arg6[%dma_wait3A_78, %dma_wait3A_82] : memref<4x128xi32, #tpu.memory_space<vmem>> -> memref<1x128xi32, #tpu.memory_space<vmem>>
    %dma_wait3A_84 = tpu.memref_squeeze %dma_wait3A_83 : memref<1x128xi32, #tpu.memory_space<vmem>> -> memref<128xi32, #tpu.memory_space<vmem>>
    %dma_wait3A_85 = arith.constant 0 : i32
    %dma_wait3A_86 = arith.constant 0 : i32
    %dma_wait3A_87 = tpu.memref_slice %arg3[%dma_wait3A_85, %dma_wait3A_86] : memref<100000x32xf32, #tpu.memory_space<hbm>> -> memref<100000x32xf32, #tpu.memory_space<hbm>>
    tpu.wait_indirect_dma semaphore(%arg10 : memref<!tpu.dma_semaphore, #tpu.memory_space<semaphore_mem>>) src(%dma_wait3A_87 : memref<100000x32xf32, #tpu.memory_space<hbm>>) dst(%dma_wait3A_81 : memref<128x32xf32, #tpu.memory_space<vmem>>)
    %dma_wait3A_88 = arith.constant 3 : i32
    %dma_wait3A_89 = arith.constant 384 : i32
    %dma_wait3A_90 = arith.constant 0 : i32
    %dma_wait3A_91 = tpu.memref_slice %arg7[%dma_wait3A_89, %dma_wait3A_90] : memref<512x32xf32, #tpu.memory_space<vmem>> -> memref<128x32xf32, #tpu.memory_space<vmem>>
    %dma_wait3A_92 = arith.constant 0 : i32
    %dma_wait3A_93 = tpu.memref_slice %arg6[%dma_wait3A_88, %dma_wait3A_92] : memref<4x128xi32, #tpu.memory_space<vmem>> -> memref<1x128xi32, #tpu.memory_space<vmem>>
    %dma_wait3A_94 = tpu.memref_squeeze %dma_wait3A_93 : memref<1x128xi32, #tpu.memory_space<vmem>> -> memref<128xi32, #tpu.memory_space<vmem>>
    %dma_wait3A_95 = arith.constant 0 : i32
    %dma_wait3A_96 = arith.constant 0 : i32
    %dma_wait3A_97 = tpu.memref_slice %arg3[%dma_wait3A_95, %dma_wait3A_96] : memref<100000x32xf32, #tpu.memory_space<hbm>> -> memref<100000x32xf32, #tpu.memory_space<hbm>>
    tpu.wait_indirect_dma semaphore(%arg10 : memref<!tpu.dma_semaphore, #tpu.memory_space<semaphore_mem>>) src(%dma_wait3A_97 : memref<100000x32xf32, #tpu.memory_space<hbm>>) dst(%dma_wait3A_91 : memref<128x32xf32, #tpu.memory_space<vmem>>)
    %iota3A = tpu.iota {dimensions = array<i32: 0>} : vector<16xi32>
    %scan3A = arith.constant 0 : i32
    %scan3A_98 = arith.constant 0 : i32
    %scan3A_99 = arith.constant 32 : i32
    %scan3A_100 = arith.addi %scan3A_98, %scan3A_99 : i32
    %scan3A_101 = arith.constant 1 : i32
    scf.for %scan3A_103 = %scan3A_98 to %scan3A_100 step %scan3A_101  : i32 {
      %mul3A_104 = arith.constant 16 : i32
      %mul3A_105 = arith.muli %scan3A_103, %mul3A_104 : i32
      %multiple_of3A = tpu.assume_multiple %mul3A_105, 16 : i32
      %add3A_106 = vector.broadcast %multiple_of3A : i32 to vector<16xi32>
      %add3A_107 = arith.addi %add3A_106, %iota3A : vector<16xi32>
      %mul3A_108 = arith.constant 32 : i32
      %mul3A_109 = vector.broadcast %mul3A_108 : i32 to vector<16xi32>
      %mul3A_110 = arith.muli %add3A_107, %mul3A_109 : vector<16xi32>
      %broadcast_in_dim3A = arith.constant 0.000000e+00 : f32
      %broadcast_in_dim3A_111 = vector.broadcast %broadcast_in_dim3A : f32 to vector<16xf32>
      %broadcast_in_dim3A_112 = arith.constant 0 : i32
      %broadcast_in_dim3A_113 = vector.broadcast %broadcast_in_dim3A_112 : i32 to vector<16xi32>
      %add3A_114 = arith.constant 0 : i32
      %add3A_115 = vector.broadcast %add3A_114 : i32 to vector<16xi32>
      %add3A_116 = arith.addi %mul3A_110, %add3A_115 : vector<16xi32>
      %gather3A = tpu.vector_load_idx %arg8[%add3A_116] : memref<16384xf32, #tpu.memory_space<vmem>>[vector<16xi32>], vector<16xf32>,
      %gather3A_117 = tpu.vector_load_idx %arg7[%add3A_107, %broadcast_in_dim3A_113] : memref<512x32xf32, #tpu.memory_space<vmem>>[vector<16xi32>, vector<16xi32>], vector<16xf32>,
      %mul3A_118 = arith.mulf %gather3A, %gather3A_117 : vector<16xf32>
      %add3A_119 = arith.addf %broadcast_in_dim3A_111, %mul3A_118 : vector<16xf32>
      %broadcast_in_dim3A_120 = arith.constant 1 : i32
      %broadcast_in_dim3A_121 = vector.broadcast %broadcast_in_dim3A_120 : i32 to vector<16xi32>
      %add3A_122 = arith.constant 1 : i32
      %add3A_123 = vector.broadcast %add3A_122 : i32 to vector<16xi32>
      %add3A_124 = arith.addi %mul3A_110, %add3A_123 : vector<16xi32>
      %gather3A_125 = tpu.vector_load_idx %arg8[%add3A_124] : memref<16384xf32, #tpu.memory_space<vmem>>[vector<16xi32>], vector<16xf32>,
      %gather3A_126 = tpu.vector_load_idx %arg7[%add3A_107, %broadcast_in_dim3A_121] : memref<512x32xf32, #tpu.memory_space<vmem>>[vector<16xi32>, vector<16xi32>], vector<16xf32>,
      %mul3A_127 = arith.mulf %gather3A_125, %gather3A_126 : vector<16xf32>
      %add3A_128 = arith.addf %add3A_119, %mul3A_127 : vector<16xf32>
      %broadcast_in_dim3A_129 = arith.constant 2 : i32
      %broadcast_in_dim3A_130 = vector.broadcast %broadcast_in_dim3A_129 : i32 to vector<16xi32>
      %add3A_131 = arith.constant 2 : i32
      %add3A_132 = vector.broadcast %add3A_131 : i32 to vector<16xi32>
      %add3A_133 = arith.addi %mul3A_110, %add3A_132 : vector<16xi32>
      %gather3A_134 = tpu.vector_load_idx %arg8[%add3A_133] : memref<16384xf32, #tpu.memory_space<vmem>>[vector<16xi32>], vector<16xf32>,
      %gather3A_135 = tpu.vector_load_idx %arg7[%add3A_107, %broadcast_in_dim3A_130] : memref<512x32xf32, #tpu.memory_space<vmem>>[vector<16xi32>, vector<16xi32>], vector<16xf32>,
      %mul3A_136 = arith.mulf %gather3A_134, %gather3A_135 : vector<16xf32>
      %add3A_137 = arith.addf %add3A_128, %mul3A_136 : vector<16xf32>
      %broadcast_in_dim3A_138 = arith.constant 3 : i32
      %broadcast_in_dim3A_139 = vector.broadcast %broadcast_in_dim3A_138 : i32 to vector<16xi32>
      %add3A_140 = arith.constant 3 : i32
      %add3A_141 = vector.broadcast %add3A_140 : i32 to vector<16xi32>
      %add3A_142 = arith.addi %mul3A_110, %add3A_141 : vector<16xi32>
      %gather3A_143 = tpu.vector_load_idx %arg8[%add3A_142] : memref<16384xf32, #tpu.memory_space<vmem>>[vector<16xi32>], vector<16xf32>,
      %gather3A_144 = tpu.vector_load_idx %arg7[%add3A_107, %broadcast_in_dim3A_139] : memref<512x32xf32, #tpu.memory_space<vmem>>[vector<16xi32>, vector<16xi32>], vector<16xf32>,
      %mul3A_145 = arith.mulf %gather3A_143, %gather3A_144 : vector<16xf32>
      %add3A_146 = arith.addf %add3A_137, %mul3A_145 : vector<16xf32>
      %broadcast_in_dim3A_147 = arith.constant 4 : i32
      %broadcast_in_dim3A_148 = vector.broadcast %broadcast_in_dim3A_147 : i32 to vector<16xi32>
      %add3A_149 = arith.constant 4 : i32
      %add3A_150 = vector.broadcast %add3A_149 : i32 to vector<16xi32>
      %add3A_151 = arith.addi %mul3A_110, %add3A_150 : vector<16xi32>
      %gather3A_152 = tpu.vector_load_idx %arg8[%add3A_151] : memref<16384xf32, #tpu.memory_space<vmem>>[vector<16xi32>], vector<16xf32>,
      %gather3A_153 = tpu.vector_load_idx %arg7[%add3A_107, %broadcast_in_dim3A_148] : memref<512x32xf32, #tpu.memory_space<vmem>>[vector<16xi32>, vector<16xi32>], vector<16xf32>,
      %mul3A_154 = arith.mulf %gather3A_152, %gather3A_153 : vector<16xf32>
      %add3A_155 = arith.addf %add3A_146, %mul3A_154 : vector<16xf32>
      %broadcast_in_dim3A_156 = arith.constant 5 : i32
      %broadcast_in_dim3A_157 = vector.broadcast %broadcast_in_dim3A_156 : i32 to vector<16xi32>
      %add3A_158 = arith.constant 5 : i32
      %add3A_159 = vector.broadcast %add3A_158 : i32 to vector<16xi32>
      %add3A_160 = arith.addi %mul3A_110, %add3A_159 : vector<16xi32>
      %gather3A_161 = tpu.vector_load_idx %arg8[%add3A_160] : memref<16384xf32, #tpu.memory_space<vmem>>[vector<16xi32>], vector<16xf32>,
      %gather3A_162 = tpu.vector_load_idx %arg7[%add3A_107, %broadcast_in_dim3A_157] : memref<512x32xf32, #tpu.memory_space<vmem>>[vector<16xi32>, vector<16xi32>], vector<16xf32>,
      %mul3A_163 = arith.mulf %gather3A_161, %gather3A_162 : vector<16xf32>
      %add3A_164 = arith.addf %add3A_155, %mul3A_163 : vector<16xf32>
      %broadcast_in_dim3A_165 = arith.constant 6 : i32
      %broadcast_in_dim3A_166 = vector.broadcast %broadcast_in_dim3A_165 : i32 to vector<16xi32>
      %add3A_167 = arith.constant 6 : i32
      %add3A_168 = vector.broadcast %add3A_167 : i32 to vector<16xi32>
      %add3A_169 = arith.addi %mul3A_110, %add3A_168 : vector<16xi32>
      %gather3A_170 = tpu.vector_load_idx %arg8[%add3A_169] : memref<16384xf32, #tpu.memory_space<vmem>>[vector<16xi32>], vector<16xf32>,
      %gather3A_171 = tpu.vector_load_idx %arg7[%add3A_107, %broadcast_in_dim3A_166] : memref<512x32xf32, #tpu.memory_space<vmem>>[vector<16xi32>, vector<16xi32>], vector<16xf32>,
      %mul3A_172 = arith.mulf %gather3A_170, %gather3A_171 : vector<16xf32>
      %add3A_173 = arith.addf %add3A_164, %mul3A_172 : vector<16xf32>
      %broadcast_in_dim3A_174 = arith.constant 7 : i32
      %broadcast_in_dim3A_175 = vector.broadcast %broadcast_in_dim3A_174 : i32 to vector<16xi32>
      %add3A_176 = arith.constant 7 : i32
      %add3A_177 = vector.broadcast %add3A_176 : i32 to vector<16xi32>
      %add3A_178 = arith.addi %mul3A_110, %add3A_177 : vector<16xi32>
      %gather3A_179 = tpu.vector_load_idx %arg8[%add3A_178] : memref<16384xf32, #tpu.memory_space<vmem>>[vector<16xi32>], vector<16xf32>,
      %gather3A_180 = tpu.vector_load_idx %arg7[%add3A_107, %broadcast_in_dim3A_175] : memref<512x32xf32, #tpu.memory_space<vmem>>[vector<16xi32>, vector<16xi32>], vector<16xf32>,
      %mul3A_181 = arith.mulf %gather3A_179, %gather3A_180 : vector<16xf32>
      %add3A_182 = arith.addf %add3A_173, %mul3A_181 : vector<16xf32>
      %broadcast_in_dim3A_183 = arith.constant 8 : i32
      %broadcast_in_dim3A_184 = vector.broadcast %broadcast_in_dim3A_183 : i32 to vector<16xi32>
      %add3A_185 = arith.constant 8 : i32
      %add3A_186 = vector.broadcast %add3A_185 : i32 to vector<16xi32>
      %add3A_187 = arith.addi %mul3A_110, %add3A_186 : vector<16xi32>
      %gather3A_188 = tpu.vector_load_idx %arg8[%add3A_187] : memref<16384xf32, #tpu.memory_space<vmem>>[vector<16xi32>], vector<16xf32>,
      %gather3A_189 = tpu.vector_load_idx %arg7[%add3A_107, %broadcast_in_dim3A_184] : memref<512x32xf32, #tpu.memory_space<vmem>>[vector<16xi32>, vector<16xi32>], vector<16xf32>,
      %mul3A_190 = arith.mulf %gather3A_188, %gather3A_189 : vector<16xf32>
      %add3A_191 = arith.addf %add3A_182, %mul3A_190 : vector<16xf32>
      %broadcast_in_dim3A_192 = arith.constant 9 : i32
      %broadcast_in_dim3A_193 = vector.broadcast %broadcast_in_dim3A_192 : i32 to vector<16xi32>
      %add3A_194 = arith.constant 9 : i32
      %add3A_195 = vector.broadcast %add3A_194 : i32 to vector<16xi32>
      %add3A_196 = arith.addi %mul3A_110, %add3A_195 : vector<16xi32>
      %gather3A_197 = tpu.vector_load_idx %arg8[%add3A_196] : memref<16384xf32, #tpu.memory_space<vmem>>[vector<16xi32>], vector<16xf32>,
      %gather3A_198 = tpu.vector_load_idx %arg7[%add3A_107, %broadcast_in_dim3A_193] : memref<512x32xf32, #tpu.memory_space<vmem>>[vector<16xi32>, vector<16xi32>], vector<16xf32>,
      %mul3A_199 = arith.mulf %gather3A_197, %gather3A_198 : vector<16xf32>
      %add3A_200 = arith.addf %add3A_191, %mul3A_199 : vector<16xf32>
      %broadcast_in_dim3A_201 = arith.constant 10 : i32
      %broadcast_in_dim3A_202 = vector.broadcast %broadcast_in_dim3A_201 : i32 to vector<16xi32>
      %add3A_203 = arith.constant 10 : i32
      %add3A_204 = vector.broadcast %add3A_203 : i32 to vector<16xi32>
      %add3A_205 = arith.addi %mul3A_110, %add3A_204 : vector<16xi32>
      %gather3A_206 = tpu.vector_load_idx %arg8[%add3A_205] : memref<16384xf32, #tpu.memory_space<vmem>>[vector<16xi32>], vector<16xf32>,
      %gather3A_207 = tpu.vector_load_idx %arg7[%add3A_107, %broadcast_in_dim3A_202] : memref<512x32xf32, #tpu.memory_space<vmem>>[vector<16xi32>, vector<16xi32>], vector<16xf32>,
      %mul3A_208 = arith.mulf %gather3A_206, %gather3A_207 : vector<16xf32>
      %add3A_209 = arith.addf %add3A_200, %mul3A_208 : vector<16xf32>
      %broadcast_in_dim3A_210 = arith.constant 11 : i32
      %broadcast_in_dim3A_211 = vector.broadcast %broadcast_in_dim3A_210 : i32 to vector<16xi32>
      %add3A_212 = arith.constant 11 : i32
      %add3A_213 = vector.broadcast %add3A_212 : i32 to vector<16xi32>
      %add3A_214 = arith.addi %mul3A_110, %add3A_213 : vector<16xi32>
      %gather3A_215 = tpu.vector_load_idx %arg8[%add3A_214] : memref<16384xf32, #tpu.memory_space<vmem>>[vector<16xi32>], vector<16xf32>,
      %gather3A_216 = tpu.vector_load_idx %arg7[%add3A_107, %broadcast_in_dim3A_211] : memref<512x32xf32, #tpu.memory_space<vmem>>[vector<16xi32>, vector<16xi32>], vector<16xf32>,
      %mul3A_217 = arith.mulf %gather3A_215, %gather3A_216 : vector<16xf32>
      %add3A_218 = arith.addf %add3A_209, %mul3A_217 : vector<16xf32>
      %broadcast_in_dim3A_219 = arith.constant 12 : i32
      %broadcast_in_dim3A_220 = vector.broadcast %broadcast_in_dim3A_219 : i32 to vector<16xi32>
      %add3A_221 = arith.constant 12 : i32
      %add3A_222 = vector.broadcast %add3A_221 : i32 to vector<16xi32>
      %add3A_223 = arith.addi %mul3A_110, %add3A_222 : vector<16xi32>
      %gather3A_224 = tpu.vector_load_idx %arg8[%add3A_223] : memref<16384xf32, #tpu.memory_space<vmem>>[vector<16xi32>], vector<16xf32>,
      %gather3A_225 = tpu.vector_load_idx %arg7[%add3A_107, %broadcast_in_dim3A_220] : memref<512x32xf32, #tpu.memory_space<vmem>>[vector<16xi32>, vector<16xi32>], vector<16xf32>,
      %mul3A_226 = arith.mulf %gather3A_224, %gather3A_225 : vector<16xf32>
      %add3A_227 = arith.addf %add3A_218, %mul3A_226 : vector<16xf32>
      %broadcast_in_dim3A_228 = arith.constant 13 : i32
      %broadcast_in_dim3A_229 = vector.broadcast %broadcast_in_dim3A_228 : i32 to vector<16xi32>
      %add3A_230 = arith.constant 13 : i32
      %add3A_231 = vector.broadcast %add3A_230 : i32 to vector<16xi32>
      %add3A_232 = arith.addi %mul3A_110, %add3A_231 : vector<16xi32>
      %gather3A_233 = tpu.vector_load_idx %arg8[%add3A_232] : memref<16384xf32, #tpu.memory_space<vmem>>[vector<16xi32>], vector<16xf32>,
      %gather3A_234 = tpu.vector_load_idx %arg7[%add3A_107, %broadcast_in_dim3A_229] : memref<512x32xf32, #tpu.memory_space<vmem>>[vector<16xi32>, vector<16xi32>], vector<16xf32>,
      %mul3A_235 = arith.mulf %gather3A_233, %gather3A_234 : vector<16xf32>
      %add3A_236 = arith.addf %add3A_227, %mul3A_235 : vector<16xf32>
      %broadcast_in_dim3A_237 = arith.constant 14 : i32
      %broadcast_in_dim3A_238 = vector.broadcast %broadcast_in_dim3A_237 : i32 to vector<16xi32>
      %add3A_239 = arith.constant 14 : i32
      %add3A_240 = vector.broadcast %add3A_239 : i32 to vector<16xi32>
      %add3A_241 = arith.addi %mul3A_110, %add3A_240 : vector<16xi32>
      %gather3A_242 = tpu.vector_load_idx %arg8[%add3A_241] : memref<16384xf32, #tpu.memory_space<vmem>>[vector<16xi32>], vector<16xf32>,
      %gather3A_243 = tpu.vector_load_idx %arg7[%add3A_107, %broadcast_in_dim3A_238] : memref<512x32xf32, #tpu.memory_space<vmem>>[vector<16xi32>, vector<16xi32>], vector<16xf32>,
      %mul3A_244 = arith.mulf %gather3A_242, %gather3A_243 : vector<16xf32>
      %add3A_245 = arith.addf %add3A_236, %mul3A_244 : vector<16xf32>
      %broadcast_in_dim3A_246 = arith.constant 15 : i32
      %broadcast_in_dim3A_247 = vector.broadcast %broadcast_in_dim3A_246 : i32 to vector<16xi32>
      %add3A_248 = arith.constant 15 : i32
      %add3A_249 = vector.broadcast %add3A_248 : i32 to vector<16xi32>
      %add3A_250 = arith.addi %mul3A_110, %add3A_249 : vector<16xi32>
      %gather3A_251 = tpu.vector_load_idx %arg8[%add3A_250] : memref<16384xf32, #tpu.memory_space<vmem>>[vector<16xi32>], vector<16xf32>,
      %gather3A_252 = tpu.vector_load_idx %arg7[%add3A_107, %broadcast_in_dim3A_247] : memref<512x32xf32, #tpu.memory_space<vmem>>[vector<16xi32>, vector<16xi32>], vector<16xf32>,
      %mul3A_253 = arith.mulf %gather3A_251, %gather3A_252 : vector<16xf32>
      %add3A_254 = arith.addf %add3A_245, %mul3A_253 : vector<16xf32>
      %broadcast_in_dim3A_255 = arith.constant 16 : i32
      %broadcast_in_dim3A_256 = vector.broadcast %broadcast_in_dim3A_255 : i32 to vector<16xi32>
      %add3A_257 = arith.constant 16 : i32
      %add3A_258 = vector.broadcast %add3A_257 : i32 to vector<16xi32>
      %add3A_259 = arith.addi %mul3A_110, %add3A_258 : vector<16xi32>
      %gather3A_260 = tpu.vector_load_idx %arg8[%add3A_259] : memref<16384xf32, #tpu.memory_space<vmem>>[vector<16xi32>], vector<16xf32>,
      %gather3A_261 = tpu.vector_load_idx %arg7[%add3A_107, %broadcast_in_dim3A_256] : memref<512x32xf32, #tpu.memory_space<vmem>>[vector<16xi32>, vector<16xi32>], vector<16xf32>,
      %mul3A_262 = arith.mulf %gather3A_260, %gather3A_261 : vector<16xf32>
      %add3A_263 = arith.addf %add3A_254, %mul3A_262 : vector<16xf32>
      %broadcast_in_dim3A_264 = arith.constant 17 : i32
      %broadcast_in_dim3A_265 = vector.broadcast %broadcast_in_dim3A_264 : i32 to vector<16xi32>
      %add3A_266 = arith.constant 17 : i32
      %add3A_267 = vector.broadcast %add3A_266 : i32 to vector<16xi32>
      %add3A_268 = arith.addi %mul3A_110, %add3A_267 : vector<16xi32>
      %gather3A_269 = tpu.vector_load_idx %arg8[%add3A_268] : memref<16384xf32, #tpu.memory_space<vmem>>[vector<16xi32>], vector<16xf32>,
      %gather3A_270 = tpu.vector_load_idx %arg7[%add3A_107, %broadcast_in_dim3A_265] : memref<512x32xf32, #tpu.memory_space<vmem>>[vector<16xi32>, vector<16xi32>], vector<16xf32>,
      %mul3A_271 = arith.mulf %gather3A_269, %gather3A_270 : vector<16xf32>
      %add3A_272 = arith.addf %add3A_263, %mul3A_271 : vector<16xf32>
      %broadcast_in_dim3A_273 = arith.constant 18 : i32
      %broadcast_in_dim3A_274 = vector.broadcast %broadcast_in_dim3A_273 : i32 to vector<16xi32>
      %add3A_275 = arith.constant 18 : i32
      %add3A_276 = vector.broadcast %add3A_275 : i32 to vector<16xi32>
      %add3A_277 = arith.addi %mul3A_110, %add3A_276 : vector<16xi32>
      %gather3A_278 = tpu.vector_load_idx %arg8[%add3A_277] : memref<16384xf32, #tpu.memory_space<vmem>>[vector<16xi32>], vector<16xf32>,
      %gather3A_279 = tpu.vector_load_idx %arg7[%add3A_107, %broadcast_in_dim3A_274] : memref<512x32xf32, #tpu.memory_space<vmem>>[vector<16xi32>, vector<16xi32>], vector<16xf32>,
      %mul3A_280 = arith.mulf %gather3A_278, %gather3A_279 : vector<16xf32>
      %add3A_281 = arith.addf %add3A_272, %mul3A_280 : vector<16xf32>
      %broadcast_in_dim3A_282 = arith.constant 19 : i32
      %broadcast_in_dim3A_283 = vector.broadcast %broadcast_in_dim3A_282 : i32 to vector<16xi32>
      %add3A_284 = arith.constant 19 : i32
      %add3A_285 = vector.broadcast %add3A_284 : i32 to vector<16xi32>
      %add3A_286 = arith.addi %mul3A_110, %add3A_285 : vector<16xi32>
      %gather3A_287 = tpu.vector_load_idx %arg8[%add3A_286] : memref<16384xf32, #tpu.memory_space<vmem>>[vector<16xi32>], vector<16xf32>,
      %gather3A_288 = tpu.vector_load_idx %arg7[%add3A_107, %broadcast_in_dim3A_283] : memref<512x32xf32, #tpu.memory_space<vmem>>[vector<16xi32>, vector<16xi32>], vector<16xf32>,
      %mul3A_289 = arith.mulf %gather3A_287, %gather3A_288 : vector<16xf32>
      %add3A_290 = arith.addf %add3A_281, %mul3A_289 : vector<16xf32>
      %broadcast_in_dim3A_291 = arith.constant 20 : i32
      %broadcast_in_dim3A_292 = vector.broadcast %broadcast_in_dim3A_291 : i32 to vector<16xi32>
      %add3A_293 = arith.constant 20 : i32
      %add3A_294 = vector.broadcast %add3A_293 : i32 to vector<16xi32>
      %add3A_295 = arith.addi %mul3A_110, %add3A_294 : vector<16xi32>
      %gather3A_296 = tpu.vector_load_idx %arg8[%add3A_295] : memref<16384xf32, #tpu.memory_space<vmem>>[vector<16xi32>], vector<16xf32>,
      %gather3A_297 = tpu.vector_load_idx %arg7[%add3A_107, %broadcast_in_dim3A_292] : memref<512x32xf32, #tpu.memory_space<vmem>>[vector<16xi32>, vector<16xi32>], vector<16xf32>,
      %mul3A_298 = arith.mulf %gather3A_296, %gather3A_297 : vector<16xf32>
      %add3A_299 = arith.addf %add3A_290, %mul3A_298 : vector<16xf32>
      %broadcast_in_dim3A_300 = arith.constant 21 : i32
      %broadcast_in_dim3A_301 = vector.broadcast %broadcast_in_dim3A_300 : i32 to vector<16xi32>
      %add3A_302 = arith.constant 21 : i32
      %add3A_303 = vector.broadcast %add3A_302 : i32 to vector<16xi32>
      %add3A_304 = arith.addi %mul3A_110, %add3A_303 : vector<16xi32>
      %gather3A_305 = tpu.vector_load_idx %arg8[%add3A_304] : memref<16384xf32, #tpu.memory_space<vmem>>[vector<16xi32>], vector<16xf32>,
      %gather3A_306 = tpu.vector_load_idx %arg7[%add3A_107, %broadcast_in_dim3A_301] : memref<512x32xf32, #tpu.memory_space<vmem>>[vector<16xi32>, vector<16xi32>], vector<16xf32>,
      %mul3A_307 = arith.mulf %gather3A_305, %gather3A_306 : vector<16xf32>
      %add3A_308 = arith.addf %add3A_299, %mul3A_307 : vector<16xf32>
      %broadcast_in_dim3A_309 = arith.constant 22 : i32
      %broadcast_in_dim3A_310 = vector.broadcast %broadcast_in_dim3A_309 : i32 to vector<16xi32>
      %add3A_311 = arith.constant 22 : i32
      %add3A_312 = vector.broadcast %add3A_311 : i32 to vector<16xi32>
      %add3A_313 = arith.addi %mul3A_110, %add3A_312 : vector<16xi32>
      %gather3A_314 = tpu.vector_load_idx %arg8[%add3A_313] : memref<16384xf32, #tpu.memory_space<vmem>>[vector<16xi32>], vector<16xf32>,
      %gather3A_315 = tpu.vector_load_idx %arg7[%add3A_107, %broadcast_in_dim3A_310] : memref<512x32xf32, #tpu.memory_space<vmem>>[vector<16xi32>, vector<16xi32>], vector<16xf32>,
      %mul3A_316 = arith.mulf %gather3A_314, %gather3A_315 : vector<16xf32>
      %add3A_317 = arith.addf %add3A_308, %mul3A_316 : vector<16xf32>
      %broadcast_in_dim3A_318 = arith.constant 23 : i32
      %broadcast_in_dim3A_319 = vector.broadcast %broadcast_in_dim3A_318 : i32 to vector<16xi32>
      %add3A_320 = arith.constant 23 : i32
      %add3A_321 = vector.broadcast %add3A_320 : i32 to vector<16xi32>
      %add3A_322 = arith.addi %mul3A_110, %add3A_321 : vector<16xi32>
      %gather3A_323 = tpu.vector_load_idx %arg8[%add3A_322] : memref<16384xf32, #tpu.memory_space<vmem>>[vector<16xi32>], vector<16xf32>,
      %gather3A_324 = tpu.vector_load_idx %arg7[%add3A_107, %broadcast_in_dim3A_319] : memref<512x32xf32, #tpu.memory_space<vmem>>[vector<16xi32>, vector<16xi32>], vector<16xf32>,
      %mul3A_325 = arith.mulf %gather3A_323, %gather3A_324 : vector<16xf32>
      %add3A_326 = arith.addf %add3A_317, %mul3A_325 : vector<16xf32>
      %broadcast_in_dim3A_327 = arith.constant 24 : i32
      %broadcast_in_dim3A_328 = vector.broadcast %broadcast_in_dim3A_327 : i32 to vector<16xi32>
      %add3A_329 = arith.constant 24 : i32
      %add3A_330 = vector.broadcast %add3A_329 : i32 to vector<16xi32>
      %add3A_331 = arith.addi %mul3A_110, %add3A_330 : vector<16xi32>
      %gather3A_332 = tpu.vector_load_idx %arg8[%add3A_331] : memref<16384xf32, #tpu.memory_space<vmem>>[vector<16xi32>], vector<16xf32>,
      %gather3A_333 = tpu.vector_load_idx %arg7[%add3A_107, %broadcast_in_dim3A_328] : memref<512x32xf32, #tpu.memory_space<vmem>>[vector<16xi32>, vector<16xi32>], vector<16xf32>,
      %mul3A_334 = arith.mulf %gather3A_332, %gather3A_333 : vector<16xf32>
      %add3A_335 = arith.addf %add3A_326, %mul3A_334 : vector<16xf32>
      %broadcast_in_dim3A_336 = arith.constant 25 : i32
      %broadcast_in_dim3A_337 = vector.broadcast %broadcast_in_dim3A_336 : i32 to vector<16xi32>
      %add3A_338 = arith.constant 25 : i32
      %add3A_339 = vector.broadcast %add3A_338 : i32 to vector<16xi32>
      %add3A_340 = arith.addi %mul3A_110, %add3A_339 : vector<16xi32>
      %gather3A_341 = tpu.vector_load_idx %arg8[%add3A_340] : memref<16384xf32, #tpu.memory_space<vmem>>[vector<16xi32>], vector<16xf32>,
      %gather3A_342 = tpu.vector_load_idx %arg7[%add3A_107, %broadcast_in_dim3A_337] : memref<512x32xf32, #tpu.memory_space<vmem>>[vector<16xi32>, vector<16xi32>], vector<16xf32>,
      %mul3A_343 = arith.mulf %gather3A_341, %gather3A_342 : vector<16xf32>
      %add3A_344 = arith.addf %add3A_335, %mul3A_343 : vector<16xf32>
      %broadcast_in_dim3A_345 = arith.constant 26 : i32
      %broadcast_in_dim3A_346 = vector.broadcast %broadcast_in_dim3A_345 : i32 to vector<16xi32>
      %add3A_347 = arith.constant 26 : i32
      %add3A_348 = vector.broadcast %add3A_347 : i32 to vector<16xi32>
      %add3A_349 = arith.addi %mul3A_110, %add3A_348 : vector<16xi32>
      %gather3A_350 = tpu.vector_load_idx %arg8[%add3A_349] : memref<16384xf32, #tpu.memory_space<vmem>>[vector<16xi32>], vector<16xf32>,
      %gather3A_351 = tpu.vector_load_idx %arg7[%add3A_107, %broadcast_in_dim3A_346] : memref<512x32xf32, #tpu.memory_space<vmem>>[vector<16xi32>, vector<16xi32>], vector<16xf32>,
      %mul3A_352 = arith.mulf %gather3A_350, %gather3A_351 : vector<16xf32>
      %add3A_353 = arith.addf %add3A_344, %mul3A_352 : vector<16xf32>
      %broadcast_in_dim3A_354 = arith.constant 27 : i32
      %broadcast_in_dim3A_355 = vector.broadcast %broadcast_in_dim3A_354 : i32 to vector<16xi32>
      %add3A_356 = arith.constant 27 : i32
      %add3A_357 = vector.broadcast %add3A_356 : i32 to vector<16xi32>
      %add3A_358 = arith.addi %mul3A_110, %add3A_357 : vector<16xi32>
      %gather3A_359 = tpu.vector_load_idx %arg8[%add3A_358] : memref<16384xf32, #tpu.memory_space<vmem>>[vector<16xi32>], vector<16xf32>,
      %gather3A_360 = tpu.vector_load_idx %arg7[%add3A_107, %broadcast_in_dim3A_355] : memref<512x32xf32, #tpu.memory_space<vmem>>[vector<16xi32>, vector<16xi32>], vector<16xf32>,
      %mul3A_361 = arith.mulf %gather3A_359, %gather3A_360 : vector<16xf32>
      %add3A_362 = arith.addf %add3A_353, %mul3A_361 : vector<16xf32>
      %broadcast_in_dim3A_363 = arith.constant 28 : i32
      %broadcast_in_dim3A_364 = vector.broadcast %broadcast_in_dim3A_363 : i32 to vector<16xi32>
      %add3A_365 = arith.constant 28 : i32
      %add3A_366 = vector.broadcast %add3A_365 : i32 to vector<16xi32>
      %add3A_367 = arith.addi %mul3A_110, %add3A_366 : vector<16xi32>
      %gather3A_368 = tpu.vector_load_idx %arg8[%add3A_367] : memref<16384xf32, #tpu.memory_space<vmem>>[vector<16xi32>], vector<16xf32>,
      %gather3A_369 = tpu.vector_load_idx %arg7[%add3A_107, %broadcast_in_dim3A_364] : memref<512x32xf32, #tpu.memory_space<vmem>>[vector<16xi32>, vector<16xi32>], vector<16xf32>,
      %mul3A_370 = arith.mulf %gather3A_368, %gather3A_369 : vector<16xf32>
      %add3A_371 = arith.addf %add3A_362, %mul3A_370 : vector<16xf32>
      %broadcast_in_dim3A_372 = arith.constant 29 : i32
      %broadcast_in_dim3A_373 = vector.broadcast %broadcast_in_dim3A_372 : i32 to vector<16xi32>
      %add3A_374 = arith.constant 29 : i32
      %add3A_375 = vector.broadcast %add3A_374 : i32 to vector<16xi32>
      %add3A_376 = arith.addi %mul3A_110, %add3A_375 : vector<16xi32>
      %gather3A_377 = tpu.vector_load_idx %arg8[%add3A_376] : memref<16384xf32, #tpu.memory_space<vmem>>[vector<16xi32>], vector<16xf32>,
      %gather3A_378 = tpu.vector_load_idx %arg7[%add3A_107, %broadcast_in_dim3A_373] : memref<512x32xf32, #tpu.memory_space<vmem>>[vector<16xi32>, vector<16xi32>], vector<16xf32>,
      %mul3A_379 = arith.mulf %gather3A_377, %gather3A_378 : vector<16xf32>
      %add3A_380 = arith.addf %add3A_371, %mul3A_379 : vector<16xf32>
      %broadcast_in_dim3A_381 = arith.constant 30 : i32
      %broadcast_in_dim3A_382 = vector.broadcast %broadcast_in_dim3A_381 : i32 to vector<16xi32>
      %add3A_383 = arith.constant 30 : i32
      %add3A_384 = vector.broadcast %add3A_383 : i32 to vector<16xi32>
      %add3A_385 = arith.addi %mul3A_110, %add3A_384 : vector<16xi32>
      %gather3A_386 = tpu.vector_load_idx %arg8[%add3A_385] : memref<16384xf32, #tpu.memory_space<vmem>>[vector<16xi32>], vector<16xf32>,
      %gather3A_387 = tpu.vector_load_idx %arg7[%add3A_107, %broadcast_in_dim3A_382] : memref<512x32xf32, #tpu.memory_space<vmem>>[vector<16xi32>, vector<16xi32>], vector<16xf32>,
      %mul3A_388 = arith.mulf %gather3A_386, %gather3A_387 : vector<16xf32>
      %add3A_389 = arith.addf %add3A_380, %mul3A_388 : vector<16xf32>
      %broadcast_in_dim3A_390 = arith.constant 31 : i32
      %broadcast_in_dim3A_391 = vector.broadcast %broadcast_in_dim3A_390 : i32 to vector<16xi32>
      %add3A_392 = arith.constant 31 : i32
      %add3A_393 = vector.broadcast %add3A_392 : i32 to vector<16xi32>
      %add3A_394 = arith.addi %mul3A_110, %add3A_393 : vector<16xi32>
      %gather3A_395 = tpu.vector_load_idx %arg8[%add3A_394] : memref<16384xf32, #tpu.memory_space<vmem>>[vector<16xi32>], vector<16xf32>,
      %gather3A_396 = tpu.vector_load_idx %arg7[%add3A_107, %broadcast_in_dim3A_391] : memref<512x32xf32, #tpu.memory_space<vmem>>[vector<16xi32>, vector<16xi32>], vector<16xf32>,
      %mul3A_397 = arith.mulf %gather3A_395, %gather3A_396 : vector<16xf32>
      %add3A_398 = arith.addf %add3A_389, %mul3A_397 : vector<16xf32>
      %mul3A_399 = arith.constant 16 : i32
      %mul3A_400 = arith.muli %scan3A_103, %mul3A_399 : i32
      %multiple_of3A_401 = tpu.assume_multiple %mul3A_400, 16 : i32
      %swap3A = arith.index_cast %multiple_of3A_401 : i32 to index
      %swap3A_402 = tpu.vector_load %arg9[%swap3A] {strides = array<i32>} : memref<512xf32, #tpu.memory_space<vmem>>, vector<16xf32>,
      tpu.vector_store %arg9[%swap3A], %add3A_398 {strides = array<i32>} : memref<512xf32, #tpu.memory_space<vmem>>, vector<16xf32>,
    }
    %scan3A_102 = arith.constant 32 : i32
    "tpu.region"() ({
      %run_scoped3A_103 = tpu.sem_alloc : memref<!tpu.dma_semaphore, #tpu.memory_space<semaphore_mem>>
      %dma_start3A_104 = tpu.memref_slice %arg5[%mul3A_2] : memref<16384xf32, #tpu.memory_space<hbm>> -> memref<512xf32, #tpu.memory_space<hbm>>
      %dma_start3A_105 = tpu.memref_slice %arg5[%mul3A_2] : memref<16384xf32, #tpu.memory_space<hbm>> -> memref<512xf32, #tpu.memory_space<hbm>>
      tpu.enqueue_dma source(%arg9 : memref<512xf32, #tpu.memory_space<vmem>>) target(%dma_start3A_105 : memref<512xf32, #tpu.memory_space<hbm>>) target_semaphore(%run_scoped3A_103 : memref<!tpu.dma_semaphore, #tpu.memory_space<semaphore_mem>>)
      %dma_wait3A_106 = tpu.memref_slice %arg5[%mul3A_2] : memref<16384xf32, #tpu.memory_space<hbm>> -> memref<512xf32, #tpu.memory_space<hbm>>
      %dma_wait3A_107 = tpu.memref_slice %arg5[%mul3A_2] : memref<16384xf32, #tpu.memory_space<hbm>> -> memref<512xf32, #tpu.memory_space<hbm>>
      tpu.wait_dma2 semaphore(%run_scoped3A_103 : memref<!tpu.dma_semaphore, #tpu.memory_space<semaphore_mem>>) src(%arg9 : memref<512xf32, #tpu.memory_space<vmem>>) dst(%dma_wait3A_107 : memref<512xf32, #tpu.memory_space<hbm>>)
      tpu.yield
    }) : () -> ()
    return
  }
}

#map = affine_map<(d0, d1) -> (0)>
#map1 = affine_map<(d0, d1) -> (0, 0)>
module attributes {stable_mosaic.version = 14 : i64} {
  func.func @k1(%arg0: i32, %arg1: i32, %arg2: memref<16384xi32, #tpu.memory_space<hbm>>, %arg3: memref<32x1000000xf32, #tpu.memory_space<hbm>>, %arg4: memref<524288xf32, #tpu.memory_space<hbm>>, %arg5: memref<512xi32, #tpu.memory_space<vmem>>, %arg6: memref<2x8x32x128xf32, #tpu.memory_space<vmem>>, %arg7: memref<16384xf32, #tpu.memory_space<vmem>>, %arg8: memref<!tpu.dma_semaphore, #tpu.memory_space<semaphore_mem>>, %arg9: memref<!tpu.dma_semaphore, #tpu.memory_space<semaphore_mem>>) attributes {dimension_semantics = [#tpu.dimension_semantics<core_parallel>, #tpu.dimension_semantics<subcore_parallel>], iteration_bounds = array<i64: 2, 16>, scalar_prefetch = 0 : i64, scratch_operands = 5 : i64, tpu.core_type = #tpu.core_type<sc_vector_subcore>, window_params = [{transform_indices = #map}, {transform_indices = #map1}, {transform_indices = #map}]} {
    %mul3A = arith.constant 2 : i32
    %mul3A_0 = arith.muli %arg1, %mul3A : i32
    %add3A = arith.addi %mul3A_0, %arg0 : i32
    %mul3A_1 = arith.constant 512 : i32
    %mul3A_2 = arith.muli %add3A, %mul3A_1 : i32
    "tpu.region"() ({
      %run_scoped3A = tpu.sem_alloc : memref<!tpu.dma_semaphore, #tpu.memory_space<semaphore_mem>>
      %dma_start3A_149 = tpu.memref_slice %arg2[%mul3A_2] : memref<16384xi32, #tpu.memory_space<hbm>> -> memref<512xi32, #tpu.memory_space<hbm>>
      %dma_start3A_150 = tpu.memref_slice %arg2[%mul3A_2] : memref<16384xi32, #tpu.memory_space<hbm>> -> memref<512xi32, #tpu.memory_space<hbm>>
      tpu.enqueue_dma source(%dma_start3A_150 : memref<512xi32, #tpu.memory_space<hbm>>) target(%arg5 : memref<512xi32, #tpu.memory_space<vmem>>) target_semaphore(%run_scoped3A : memref<!tpu.dma_semaphore, #tpu.memory_space<semaphore_mem>>)
      %dma_wait3A = tpu.memref_slice %arg2[%mul3A_2] : memref<16384xi32, #tpu.memory_space<hbm>> -> memref<512xi32, #tpu.memory_space<hbm>>
      %dma_wait3A_151 = tpu.memref_slice %arg2[%mul3A_2] : memref<16384xi32, #tpu.memory_space<hbm>> -> memref<512xi32, #tpu.memory_space<hbm>>
      tpu.wait_dma2 semaphore(%run_scoped3A : memref<!tpu.dma_semaphore, #tpu.memory_space<semaphore_mem>>) src(%dma_wait3A_151 : memref<512xi32, #tpu.memory_space<hbm>>) dst(%arg5 : memref<512xi32, #tpu.memory_space<vmem>>)
      tpu.yield
    }) : () -> ()
    %iota3A = tpu.iota {dimensions = array<i32: 0>} : vector<16xi32>
    %multiple_of3A = arith.constant 0 : i32
    %multiple_of3A_3 = tpu.assume_multiple %multiple_of3A, 16 : i32
    %get3A = arith.index_cast %multiple_of3A_3 : i32 to index
    %get3A_4 = tpu.vector_load %arg5[%get3A] {strides = array<i32>} : memref<512xi32, #tpu.memory_space<vmem>>, vector<16xi32>,
    %shift_right_arithmetic3A = arith.constant 7 : i32
    %shift_right_arithmetic3A_5 = vector.broadcast %shift_right_arithmetic3A : i32 to vector<16xi32>
    %shift_right_arithmetic3A_6 = arith.shrsi %get3A_4, %shift_right_arithmetic3A_5 : vector<16xi32>
    %shift_left3A = arith.constant 7 : i32
    %shift_left3A_7 = vector.broadcast %shift_left3A : i32 to vector<16xi32>
    %shift_left3A_8 = arith.shli %shift_right_arithmetic3A_6, %shift_left3A_7 : vector<16xi32>
    %slice3A = vector.extract_strided_slice %shift_left3A_8 {offsets = [0], sizes = [1], strides = [1]} : vector<16xi32> to vector<1xi32>
    %squeeze3A = vector.extract %slice3A[0] : i32 from vector<1xi32>
    %multiple_of3A_9 = tpu.assume_multiple %squeeze3A, 128 : i32
    %dma_start3A = arith.constant 0 : i32
    %dma_start3A_10 = arith.constant 0 : i32
    %dma_start3A_11 = arith.constant 0 : i32
    %dma_start3A_12 = arith.constant 0 : i32
    %dma_start3A_13 = tpu.memref_slice %arg6[%dma_start3A, %dma_start3A_10, %dma_start3A_11, %dma_start3A_12] : memref<2x8x32x128xf32, #tpu.memory_space<vmem>> -> memref<1x1x32x128xf32, #tpu.memory_space<vmem>>
    %dma_start3A_14 = tpu.memref_squeeze %dma_start3A_13 : memref<1x1x32x128xf32, #tpu.memory_space<vmem>> -> memref<32x128xf32, #tpu.memory_space<vmem>>
    %dma_start3A_15 = arith.constant 0 : i32
    %dma_start3A_16 = tpu.memref_slice %arg3[%dma_start3A_15, %multiple_of3A_9] : memref<32x1000000xf32, #tpu.memory_space<hbm>> -> memref<32x128xf32, #tpu.memory_space<hbm>>
    %dma_start3A_17 = arith.constant 0 : i32
    %dma_start3A_18 = arith.constant 0 : i32
    %dma_start3A_19 = tpu.memref_slice %arg6[%dma_start3A, %dma_start3A_10, %dma_start3A_17, %dma_start3A_18] : memref<2x8x32x128xf32, #tpu.memory_space<vmem>> -> memref<1x1x32x128xf32, #tpu.memory_space<vmem>>
    %dma_start3A_20 = tpu.memref_squeeze %dma_start3A_19 : memref<1x1x32x128xf32, #tpu.memory_space<vmem>> -> memref<32x128xf32, #tpu.memory_space<vmem>>
    %dma_start3A_21 = arith.constant 0 : i32
    %dma_start3A_22 = tpu.memref_slice %arg3[%dma_start3A_21, %multiple_of3A_9] : memref<32x1000000xf32, #tpu.memory_space<hbm>> -> memref<32x128xf32, #tpu.memory_space<hbm>>
    tpu.enqueue_dma source(%dma_start3A_22 : memref<32x128xf32, #tpu.memory_space<hbm>>) target(%dma_start3A_20 : memref<32x128xf32, #tpu.memory_space<vmem>>) target_semaphore(%arg8 : memref<!tpu.dma_semaphore, #tpu.memory_space<semaphore_mem>>)
    %slice3A_23 = vector.extract_strided_slice %shift_left3A_8 {offsets = [1], sizes = [1], strides = [1]} : vector<16xi32> to vector<1xi32>
    %squeeze3A_24 = vector.extract %slice3A_23[0] : i32 from vector<1xi32>
    %multiple_of3A_25 = tpu.assume_multiple %squeeze3A_24, 128 : i32
    %dma_start3A_26 = arith.constant 0 : i32
    %dma_start3A_27 = arith.constant 1 : i32
    %dma_start3A_28 = arith.constant 0 : i32
    %dma_start3A_29 = arith.constant 0 : i32
    %dma_start3A_30 = tpu.memref_slice %arg6[%dma_start3A_26, %dma_start3A_27, %dma_start3A_28, %dma_start3A_29] : memref<2x8x32x128xf32, #tpu.memory_space<vmem>> -> memref<1x1x32x128xf32, #tpu.memory_space<vmem>>
    %dma_start3A_31 = tpu.memref_squeeze %dma_start3A_30 : memref<1x1x32x128xf32, #tpu.memory_space<vmem>> -> memref<32x128xf32, #tpu.memory_space<vmem>>
    %dma_start3A_32 = arith.constant 0 : i32
    %dma_start3A_33 = tpu.memref_slice %arg3[%dma_start3A_32, %multiple_of3A_25] : memref<32x1000000xf32, #tpu.memory_space<hbm>> -> memref<32x128xf32, #tpu.memory_space<hbm>>
    %dma_start3A_34 = arith.constant 0 : i32
    %dma_start3A_35 = arith.constant 0 : i32
    %dma_start3A_36 = tpu.memref_slice %arg6[%dma_start3A_26, %dma_start3A_27, %dma_start3A_34, %dma_start3A_35] : memref<2x8x32x128xf32, #tpu.memory_space<vmem>> -> memref<1x1x32x128xf32, #tpu.memory_space<vmem>>
    %dma_start3A_37 = tpu.memref_squeeze %dma_start3A_36 : memref<1x1x32x128xf32, #tpu.memory_space<vmem>> -> memref<32x128xf32, #tpu.memory_space<vmem>>
    %dma_start3A_38 = arith.constant 0 : i32
    %dma_start3A_39 = tpu.memref_slice %arg3[%dma_start3A_38, %multiple_of3A_25] : memref<32x1000000xf32, #tpu.memory_space<hbm>> -> memref<32x128xf32, #tpu.memory_space<hbm>>
    tpu.enqueue_dma source(%dma_start3A_39 : memref<32x128xf32, #tpu.memory_space<hbm>>) target(%dma_start3A_37 : memref<32x128xf32, #tpu.memory_space<vmem>>) target_semaphore(%arg8 : memref<!tpu.dma_semaphore, #tpu.memory_space<semaphore_mem>>)
    %slice3A_40 = vector.extract_strided_slice %shift_left3A_8 {offsets = [2], sizes = [1], strides = [1]} : vector<16xi32> to vector<1xi32>
    %squeeze3A_41 = vector.extract %slice3A_40[0] : i32 from vector<1xi32>
    %multiple_of3A_42 = tpu.assume_multiple %squeeze3A_41, 128 : i32
    %dma_start3A_43 = arith.constant 0 : i32
    %dma_start3A_44 = arith.constant 2 : i32
    %dma_start3A_45 = arith.constant 0 : i32
    %dma_start3A_46 = arith.constant 0 : i32
    %dma_start3A_47 = tpu.memref_slice %arg6[%dma_start3A_43, %dma_start3A_44, %dma_start3A_45, %dma_start3A_46] : memref<2x8x32x128xf32, #tpu.memory_space<vmem>> -> memref<1x1x32x128xf32, #tpu.memory_space<vmem>>
    %dma_start3A_48 = tpu.memref_squeeze %dma_start3A_47 : memref<1x1x32x128xf32, #tpu.memory_space<vmem>> -> memref<32x128xf32, #tpu.memory_space<vmem>>
    %dma_start3A_49 = arith.constant 0 : i32
    %dma_start3A_50 = tpu.memref_slice %arg3[%dma_start3A_49, %multiple_of3A_42] : memref<32x1000000xf32, #tpu.memory_space<hbm>> -> memref<32x128xf32, #tpu.memory_space<hbm>>
    %dma_start3A_51 = arith.constant 0 : i32
    %dma_start3A_52 = arith.constant 0 : i32
    %dma_start3A_53 = tpu.memref_slice %arg6[%dma_start3A_43, %dma_start3A_44, %dma_start3A_51, %dma_start3A_52] : memref<2x8x32x128xf32, #tpu.memory_space<vmem>> -> memref<1x1x32x128xf32, #tpu.memory_space<vmem>>
    %dma_start3A_54 = tpu.memref_squeeze %dma_start3A_53 : memref<1x1x32x128xf32, #tpu.memory_space<vmem>> -> memref<32x128xf32, #tpu.memory_space<vmem>>
    %dma_start3A_55 = arith.constant 0 : i32
    %dma_start3A_56 = tpu.memref_slice %arg3[%dma_start3A_55, %multiple_of3A_42] : memref<32x1000000xf32, #tpu.memory_space<hbm>> -> memref<32x128xf32, #tpu.memory_space<hbm>>
    tpu.enqueue_dma source(%dma_start3A_56 : memref<32x128xf32, #tpu.memory_space<hbm>>) target(%dma_start3A_54 : memref<32x128xf32, #tpu.memory_space<vmem>>) target_semaphore(%arg8 : memref<!tpu.dma_semaphore, #tpu.memory_space<semaphore_mem>>)
    %slice3A_57 = vector.extract_strided_slice %shift_left3A_8 {offsets = [3], sizes = [1], strides = [1]} : vector<16xi32> to vector<1xi32>
    %squeeze3A_58 = vector.extract %slice3A_57[0] : i32 from vector<1xi32>
    %multiple_of3A_59 = tpu.assume_multiple %squeeze3A_58, 128 : i32
    %dma_start3A_60 = arith.constant 0 : i32
    %dma_start3A_61 = arith.constant 3 : i32
    %dma_start3A_62 = arith.constant 0 : i32
    %dma_start3A_63 = arith.constant 0 : i32
    %dma_start3A_64 = tpu.memref_slice %arg6[%dma_start3A_60, %dma_start3A_61, %dma_start3A_62, %dma_start3A_63] : memref<2x8x32x128xf32, #tpu.memory_space<vmem>> -> memref<1x1x32x128xf32, #tpu.memory_space<vmem>>
    %dma_start3A_65 = tpu.memref_squeeze %dma_start3A_64 : memref<1x1x32x128xf32, #tpu.memory_space<vmem>> -> memref<32x128xf32, #tpu.memory_space<vmem>>
    %dma_start3A_66 = arith.constant 0 : i32
    %dma_start3A_67 = tpu.memref_slice %arg3[%dma_start3A_66, %multiple_of3A_59] : memref<32x1000000xf32, #tpu.memory_space<hbm>> -> memref<32x128xf32, #tpu.memory_space<hbm>>
    %dma_start3A_68 = arith.constant 0 : i32
    %dma_start3A_69 = arith.constant 0 : i32
    %dma_start3A_70 = tpu.memref_slice %arg6[%dma_start3A_60, %dma_start3A_61, %dma_start3A_68, %dma_start3A_69] : memref<2x8x32x128xf32, #tpu.memory_space<vmem>> -> memref<1x1x32x128xf32, #tpu.memory_space<vmem>>
    %dma_start3A_71 = tpu.memref_squeeze %dma_start3A_70 : memref<1x1x32x128xf32, #tpu.memory_space<vmem>> -> memref<32x128xf32, #tpu.memory_space<vmem>>
    %dma_start3A_72 = arith.constant 0 : i32
    %dma_start3A_73 = tpu.memref_slice %arg3[%dma_start3A_72, %multiple_of3A_59] : memref<32x1000000xf32, #tpu.memory_space<hbm>> -> memref<32x128xf32, #tpu.memory_space<hbm>>
    tpu.enqueue_dma source(%dma_start3A_73 : memref<32x128xf32, #tpu.memory_space<hbm>>) target(%dma_start3A_71 : memref<32x128xf32, #tpu.memory_space<vmem>>) target_semaphore(%arg8 : memref<!tpu.dma_semaphore, #tpu.memory_space<semaphore_mem>>)
    %slice3A_74 = vector.extract_strided_slice %shift_left3A_8 {offsets = [4], sizes = [1], strides = [1]} : vector<16xi32> to vector<1xi32>
    %squeeze3A_75 = vector.extract %slice3A_74[0] : i32 from vector<1xi32>
    %multiple_of3A_76 = tpu.assume_multiple %squeeze3A_75, 128 : i32
    %dma_start3A_77 = arith.constant 0 : i32
    %dma_start3A_78 = arith.constant 4 : i32
    %dma_start3A_79 = arith.constant 0 : i32
    %dma_start3A_80 = arith.constant 0 : i32
    %dma_start3A_81 = tpu.memref_slice %arg6[%dma_start3A_77, %dma_start3A_78, %dma_start3A_79, %dma_start3A_80] : memref<2x8x32x128xf32, #tpu.memory_space<vmem>> -> memref<1x1x32x128xf32, #tpu.memory_space<vmem>>
    %dma_start3A_82 = tpu.memref_squeeze %dma_start3A_81 : memref<1x1x32x128xf32, #tpu.memory_space<vmem>> -> memref<32x128xf32, #tpu.memory_space<vmem>>
    %dma_start3A_83 = arith.constant 0 : i32
    %dma_start3A_84 = tpu.memref_slice %arg3[%dma_start3A_83, %multiple_of3A_76] : memref<32x1000000xf32, #tpu.memory_space<hbm>> -> memref<32x128xf32, #tpu.memory_space<hbm>>
    %dma_start3A_85 = arith.constant 0 : i32
    %dma_start3A_86 = arith.constant 0 : i32
    %dma_start3A_87 = tpu.memref_slice %arg6[%dma_start3A_77, %dma_start3A_78, %dma_start3A_85, %dma_start3A_86] : memref<2x8x32x128xf32, #tpu.memory_space<vmem>> -> memref<1x1x32x128xf32, #tpu.memory_space<vmem>>
    %dma_start3A_88 = tpu.memref_squeeze %dma_start3A_87 : memref<1x1x32x128xf32, #tpu.memory_space<vmem>> -> memref<32x128xf32, #tpu.memory_space<vmem>>
    %dma_start3A_89 = arith.constant 0 : i32
    %dma_start3A_90 = tpu.memref_slice %arg3[%dma_start3A_89, %multiple_of3A_76] : memref<32x1000000xf32, #tpu.memory_space<hbm>> -> memref<32x128xf32, #tpu.memory_space<hbm>>
    tpu.enqueue_dma source(%dma_start3A_90 : memref<32x128xf32, #tpu.memory_space<hbm>>) target(%dma_start3A_88 : memref<32x128xf32, #tpu.memory_space<vmem>>) target_semaphore(%arg8 : memref<!tpu.dma_semaphore, #tpu.memory_space<semaphore_mem>>)
    %slice3A_91 = vector.extract_strided_slice %shift_left3A_8 {offsets = [5], sizes = [1], strides = [1]} : vector<16xi32> to vector<1xi32>
    %squeeze3A_92 = vector.extract %slice3A_91[0] : i32 from vector<1xi32>
    %multiple_of3A_93 = tpu.assume_multiple %squeeze3A_92, 128 : i32
    %dma_start3A_94 = arith.constant 0 : i32
    %dma_start3A_95 = arith.constant 5 : i32
    %dma_start3A_96 = arith.constant 0 : i32
    %dma_start3A_97 = arith.constant 0 : i32
    %dma_start3A_98 = tpu.memref_slice %arg6[%dma_start3A_94, %dma_start3A_95, %dma_start3A_96, %dma_start3A_97] : memref<2x8x32x128xf32, #tpu.memory_space<vmem>> -> memref<1x1x32x128xf32, #tpu.memory_space<vmem>>
    %dma_start3A_99 = tpu.memref_squeeze %dma_start3A_98 : memref<1x1x32x128xf32, #tpu.memory_space<vmem>> -> memref<32x128xf32, #tpu.memory_space<vmem>>
    %dma_start3A_100 = arith.constant 0 : i32
    %dma_start3A_101 = tpu.memref_slice %arg3[%dma_start3A_100, %multiple_of3A_93] : memref<32x1000000xf32, #tpu.memory_space<hbm>> -> memref<32x128xf32, #tpu.memory_space<hbm>>
    %dma_start3A_102 = arith.constant 0 : i32
    %dma_start3A_103 = arith.constant 0 : i32
    %dma_start3A_104 = tpu.memref_slice %arg6[%dma_start3A_94, %dma_start3A_95, %dma_start3A_102, %dma_start3A_103] : memref<2x8x32x128xf32, #tpu.memory_space<vmem>> -> memref<1x1x32x128xf32, #tpu.memory_space<vmem>>
    %dma_start3A_105 = tpu.memref_squeeze %dma_start3A_104 : memref<1x1x32x128xf32, #tpu.memory_space<vmem>> -> memref<32x128xf32, #tpu.memory_space<vmem>>
    %dma_start3A_106 = arith.constant 0 : i32
    %dma_start3A_107 = tpu.memref_slice %arg3[%dma_start3A_106, %multiple_of3A_93] : memref<32x1000000xf32, #tpu.memory_space<hbm>> -> memref<32x128xf32, #tpu.memory_space<hbm>>
    tpu.enqueue_dma source(%dma_start3A_107 : memref<32x128xf32, #tpu.memory_space<hbm>>) target(%dma_start3A_105 : memref<32x128xf32, #tpu.memory_space<vmem>>) target_semaphore(%arg8 : memref<!tpu.dma_semaphore, #tpu.memory_space<semaphore_mem>>)
    %slice3A_108 = vector.extract_strided_slice %shift_left3A_8 {offsets = [6], sizes = [1], strides = [1]} : vector<16xi32> to vector<1xi32>
    %squeeze3A_109 = vector.extract %slice3A_108[0] : i32 from vector<1xi32>
    %multiple_of3A_110 = tpu.assume_multiple %squeeze3A_109, 128 : i32
    %dma_start3A_111 = arith.constant 0 : i32
    %dma_start3A_112 = arith.constant 6 : i32
    %dma_start3A_113 = arith.constant 0 : i32
    %dma_start3A_114 = arith.constant 0 : i32
    %dma_start3A_115 = tpu.memref_slice %arg6[%dma_start3A_111, %dma_start3A_112, %dma_start3A_113, %dma_start3A_114] : memref<2x8x32x128xf32, #tpu.memory_space<vmem>> -> memref<1x1x32x128xf32, #tpu.memory_space<vmem>>
    %dma_start3A_116 = tpu.memref_squeeze %dma_start3A_115 : memref<1x1x32x128xf32, #tpu.memory_space<vmem>> -> memref<32x128xf32, #tpu.memory_space<vmem>>
    %dma_start3A_117 = arith.constant 0 : i32
    %dma_start3A_118 = tpu.memref_slice %arg3[%dma_start3A_117, %multiple_of3A_110] : memref<32x1000000xf32, #tpu.memory_space<hbm>> -> memref<32x128xf32, #tpu.memory_space<hbm>>
    %dma_start3A_119 = arith.constant 0 : i32
    %dma_start3A_120 = arith.constant 0 : i32
    %dma_start3A_121 = tpu.memref_slice %arg6[%dma_start3A_111, %dma_start3A_112, %dma_start3A_119, %dma_start3A_120] : memref<2x8x32x128xf32, #tpu.memory_space<vmem>> -> memref<1x1x32x128xf32, #tpu.memory_space<vmem>>
    %dma_start3A_122 = tpu.memref_squeeze %dma_start3A_121 : memref<1x1x32x128xf32, #tpu.memory_space<vmem>> -> memref<32x128xf32, #tpu.memory_space<vmem>>
    %dma_start3A_123 = arith.constant 0 : i32
    %dma_start3A_124 = tpu.memref_slice %arg3[%dma_start3A_123, %multiple_of3A_110] : memref<32x1000000xf32, #tpu.memory_space<hbm>> -> memref<32x128xf32, #tpu.memory_space<hbm>>
    tpu.enqueue_dma source(%dma_start3A_124 : memref<32x128xf32, #tpu.memory_space<hbm>>) target(%dma_start3A_122 : memref<32x128xf32, #tpu.memory_space<vmem>>) target_semaphore(%arg8 : memref<!tpu.dma_semaphore, #tpu.memory_space<semaphore_mem>>)
    %slice3A_125 = vector.extract_strided_slice %shift_left3A_8 {offsets = [7], sizes = [1], strides = [1]} : vector<16xi32> to vector<1xi32>
    %squeeze3A_126 = vector.extract %slice3A_125[0] : i32 from vector<1xi32>
    %multiple_of3A_127 = tpu.assume_multiple %squeeze3A_126, 128 : i32
    %dma_start3A_128 = arith.constant 0 : i32
    %dma_start3A_129 = arith.constant 7 : i32
    %dma_start3A_130 = arith.constant 0 : i32
    %dma_start3A_131 = arith.constant 0 : i32
    %dma_start3A_132 = tpu.memref_slice %arg6[%dma_start3A_128, %dma_start3A_129, %dma_start3A_130, %dma_start3A_131] : memref<2x8x32x128xf32, #tpu.memory_space<vmem>> -> memref<1x1x32x128xf32, #tpu.memory_space<vmem>>
    %dma_start3A_133 = tpu.memref_squeeze %dma_start3A_132 : memref<1x1x32x128xf32, #tpu.memory_space<vmem>> -> memref<32x128xf32, #tpu.memory_space<vmem>>
    %dma_start3A_134 = arith.constant 0 : i32
    %dma_start3A_135 = tpu.memref_slice %arg3[%dma_start3A_134, %multiple_of3A_127] : memref<32x1000000xf32, #tpu.memory_space<hbm>> -> memref<32x128xf32, #tpu.memory_space<hbm>>
    %dma_start3A_136 = arith.constant 0 : i32
    %dma_start3A_137 = arith.constant 0 : i32
    %dma_start3A_138 = tpu.memref_slice %arg6[%dma_start3A_128, %dma_start3A_129, %dma_start3A_136, %dma_start3A_137] : memref<2x8x32x128xf32, #tpu.memory_space<vmem>> -> memref<1x1x32x128xf32, #tpu.memory_space<vmem>>
    %dma_start3A_139 = tpu.memref_squeeze %dma_start3A_138 : memref<1x1x32x128xf32, #tpu.memory_space<vmem>> -> memref<32x128xf32, #tpu.memory_space<vmem>>
    %dma_start3A_140 = arith.constant 0 : i32
    %dma_start3A_141 = tpu.memref_slice %arg3[%dma_start3A_140, %multiple_of3A_127] : memref<32x1000000xf32, #tpu.memory_space<hbm>> -> memref<32x128xf32, #tpu.memory_space<hbm>>
    tpu.enqueue_dma source(%dma_start3A_141 : memref<32x128xf32, #tpu.memory_space<hbm>>) target(%dma_start3A_139 : memref<32x128xf32, #tpu.memory_space<vmem>>) target_semaphore(%arg8 : memref<!tpu.dma_semaphore, #tpu.memory_space<semaphore_mem>>)
    %scan3A = arith.constant 0 : i32
    %scan3A_142 = arith.constant 0 : i32
    %scan3A_143 = arith.constant 32 : i32
    %scan3A_144 = arith.addi %scan3A_142, %scan3A_143 : i32
    %scan3A_145 = arith.constant 1 : i32
    scf.for %scan3A_149 = %scan3A_142 to %scan3A_144 step %scan3A_145  : i32 {
      %mul3A_150 = arith.constant 2 : i32
      %mul3A_151 = arith.muli %scan3A_149, %mul3A_150 : i32
      %mul3A_152 = arith.constant 8 : i32
      %mul3A_153 = arith.muli %mul3A_151, %mul3A_152 : i32
      %multiple_of3A_154 = tpu.assume_multiple %mul3A_153, 16 : i32
      %get3A_155 = arith.index_cast %multiple_of3A_154 : i32 to index
      %get3A_156 = tpu.vector_load %arg5[%get3A_155] {strides = array<i32>} : memref<512xi32, #tpu.memory_space<vmem>>, vector<16xi32>,
      %shift_right_arithmetic3A_157 = arith.constant 7 : i32
      %shift_right_arithmetic3A_158 = vector.broadcast %shift_right_arithmetic3A_157 : i32 to vector<16xi32>
      %shift_right_arithmetic3A_159 = arith.shrsi %get3A_156, %shift_right_arithmetic3A_158 : vector<16xi32>
      %shift_left3A_160 = arith.constant 7 : i32
      %shift_left3A_161 = vector.broadcast %shift_left3A_160 : i32 to vector<16xi32>
      %shift_left3A_162 = arith.shli %shift_right_arithmetic3A_159, %shift_left3A_161 : vector<16xi32>
      %and3A = arith.constant 127 : i32
      %and3A_163 = vector.broadcast %and3A : i32 to vector<16xi32>
      %and3A_164 = arith.andi %get3A_156, %and3A_163 : vector<16xi32>
      %slice3A_165 = vector.extract_strided_slice %shift_left3A_162 {offsets = [8], sizes = [1], strides = [1]} : vector<16xi32> to vector<1xi32>
      %squeeze3A_166 = vector.extract %slice3A_165[0] : i32 from vector<1xi32>
      %multiple_of3A_167 = tpu.assume_multiple %squeeze3A_166, 128 : i32
      %dma_start3A_168 = arith.constant 1 : i32
      %dma_start3A_169 = arith.constant 0 : i32
      %dma_start3A_170 = arith.constant 0 : i32
      %dma_start3A_171 = arith.constant 0 : i32
      %dma_start3A_172 = tpu.memref_slice %arg6[%dma_start3A_168, %dma_start3A_169, %dma_start3A_170, %dma_start3A_171] : memref<2x8x32x128xf32, #tpu.memory_space<vmem>> -> memref<1x1x32x128xf32, #tpu.memory_space<vmem>>
      %dma_start3A_173 = tpu.memref_squeeze %dma_start3A_172 : memref<1x1x32x128xf32, #tpu.memory_space<vmem>> -> memref<32x128xf32, #tpu.memory_space<vmem>>
      %dma_start3A_174 = arith.constant 0 : i32
      %dma_start3A_175 = tpu.memref_slice %arg3[%dma_start3A_174, %multiple_of3A_167] : memref<32x1000000xf32, #tpu.memory_space<hbm>> -> memref<32x128xf32, #tpu.memory_space<hbm>>
      %dma_start3A_176 = arith.constant 0 : i32
      %dma_start3A_177 = arith.constant 0 : i32
      %dma_start3A_178 = tpu.memref_slice %arg6[%dma_start3A_168, %dma_start3A_169, %dma_start3A_176, %dma_start3A_177] : memref<2x8x32x128xf32, #tpu.memory_space<vmem>> -> memref<1x1x32x128xf32, #tpu.memory_space<vmem>>
      %dma_start3A_179 = tpu.memref_squeeze %dma_start3A_178 : memref<1x1x32x128xf32, #tpu.memory_space<vmem>> -> memref<32x128xf32, #tpu.memory_space<vmem>>
      %dma_start3A_180 = arith.constant 0 : i32
      %dma_start3A_181 = tpu.memref_slice %arg3[%dma_start3A_180, %multiple_of3A_167] : memref<32x1000000xf32, #tpu.memory_space<hbm>> -> memref<32x128xf32, #tpu.memory_space<hbm>>
      tpu.enqueue_dma source(%dma_start3A_181 : memref<32x128xf32, #tpu.memory_space<hbm>>) target(%dma_start3A_179 : memref<32x128xf32, #tpu.memory_space<vmem>>) target_semaphore(%arg9 : memref<!tpu.dma_semaphore, #tpu.memory_space<semaphore_mem>>)
      %slice3A_182 = vector.extract_strided_slice %shift_left3A_162 {offsets = [9], sizes = [1], strides = [1]} : vector<16xi32> to vector<1xi32>
      %squeeze3A_183 = vector.extract %slice3A_182[0] : i32 from vector<1xi32>
      %multiple_of3A_184 = tpu.assume_multiple %squeeze3A_183, 128 : i32
      %dma_start3A_185 = arith.constant 1 : i32
      %dma_start3A_186 = arith.constant 1 : i32
      %dma_start3A_187 = arith.constant 0 : i32
      %dma_start3A_188 = arith.constant 0 : i32
      %dma_start3A_189 = tpu.memref_slice %arg6[%dma_start3A_185, %dma_start3A_186, %dma_start3A_187, %dma_start3A_188] : memref<2x8x32x128xf32, #tpu.memory_space<vmem>> -> memref<1x1x32x128xf32, #tpu.memory_space<vmem>>
      %dma_start3A_190 = tpu.memref_squeeze %dma_start3A_189 : memref<1x1x32x128xf32, #tpu.memory_space<vmem>> -> memref<32x128xf32, #tpu.memory_space<vmem>>
      %dma_start3A_191 = arith.constant 0 : i32
      %dma_start3A_192 = tpu.memref_slice %arg3[%dma_start3A_191, %multiple_of3A_184] : memref<32x1000000xf32, #tpu.memory_space<hbm>> -> memref<32x128xf32, #tpu.memory_space<hbm>>
      %dma_start3A_193 = arith.constant 0 : i32
      %dma_start3A_194 = arith.constant 0 : i32
      %dma_start3A_195 = tpu.memref_slice %arg6[%dma_start3A_185, %dma_start3A_186, %dma_start3A_193, %dma_start3A_194] : memref<2x8x32x128xf32, #tpu.memory_space<vmem>> -> memref<1x1x32x128xf32, #tpu.memory_space<vmem>>
      %dma_start3A_196 = tpu.memref_squeeze %dma_start3A_195 : memref<1x1x32x128xf32, #tpu.memory_space<vmem>> -> memref<32x128xf32, #tpu.memory_space<vmem>>
      %dma_start3A_197 = arith.constant 0 : i32
      %dma_start3A_198 = tpu.memref_slice %arg3[%dma_start3A_197, %multiple_of3A_184] : memref<32x1000000xf32, #tpu.memory_space<hbm>> -> memref<32x128xf32, #tpu.memory_space<hbm>>
      tpu.enqueue_dma source(%dma_start3A_198 : memref<32x128xf32, #tpu.memory_space<hbm>>) target(%dma_start3A_196 : memref<32x128xf32, #tpu.memory_space<vmem>>) target_semaphore(%arg9 : memref<!tpu.dma_semaphore, #tpu.memory_space<semaphore_mem>>)
      %slice3A_199 = vector.extract_strided_slice %shift_left3A_162 {offsets = [10], sizes = [1], strides = [1]} : vector<16xi32> to vector<1xi32>
      %squeeze3A_200 = vector.extract %slice3A_199[0] : i32 from vector<1xi32>
      %multiple_of3A_201 = tpu.assume_multiple %squeeze3A_200, 128 : i32
      %dma_start3A_202 = arith.constant 1 : i32
      %dma_start3A_203 = arith.constant 2 : i32
      %dma_start3A_204 = arith.constant 0 : i32
      %dma_start3A_205 = arith.constant 0 : i32
      %dma_start3A_206 = tpu.memref_slice %arg6[%dma_start3A_202, %dma_start3A_203, %dma_start3A_204, %dma_start3A_205] : memref<2x8x32x128xf32, #tpu.memory_space<vmem>> -> memref<1x1x32x128xf32, #tpu.memory_space<vmem>>
      %dma_start3A_207 = tpu.memref_squeeze %dma_start3A_206 : memref<1x1x32x128xf32, #tpu.memory_space<vmem>> -> memref<32x128xf32, #tpu.memory_space<vmem>>
      %dma_start3A_208 = arith.constant 0 : i32
      %dma_start3A_209 = tpu.memref_slice %arg3[%dma_start3A_208, %multiple_of3A_201] : memref<32x1000000xf32, #tpu.memory_space<hbm>> -> memref<32x128xf32, #tpu.memory_space<hbm>>
      %dma_start3A_210 = arith.constant 0 : i32
      %dma_start3A_211 = arith.constant 0 : i32
      %dma_start3A_212 = tpu.memref_slice %arg6[%dma_start3A_202, %dma_start3A_203, %dma_start3A_210, %dma_start3A_211] : memref<2x8x32x128xf32, #tpu.memory_space<vmem>> -> memref<1x1x32x128xf32, #tpu.memory_space<vmem>>
      %dma_start3A_213 = tpu.memref_squeeze %dma_start3A_212 : memref<1x1x32x128xf32, #tpu.memory_space<vmem>> -> memref<32x128xf32, #tpu.memory_space<vmem>>
      %dma_start3A_214 = arith.constant 0 : i32
      %dma_start3A_215 = tpu.memref_slice %arg3[%dma_start3A_214, %multiple_of3A_201] : memref<32x1000000xf32, #tpu.memory_space<hbm>> -> memref<32x128xf32, #tpu.memory_space<hbm>>
      tpu.enqueue_dma source(%dma_start3A_215 : memref<32x128xf32, #tpu.memory_space<hbm>>) target(%dma_start3A_213 : memref<32x128xf32, #tpu.memory_space<vmem>>) target_semaphore(%arg9 : memref<!tpu.dma_semaphore, #tpu.memory_space<semaphore_mem>>)
      %slice3A_216 = vector.extract_strided_slice %shift_left3A_162 {offsets = [11], sizes = [1], strides = [1]} : vector<16xi32> to vector<1xi32>
      %squeeze3A_217 = vector.extract %slice3A_216[0] : i32 from vector<1xi32>
      %multiple_of3A_218 = tpu.assume_multiple %squeeze3A_217, 128 : i32
      %dma_start3A_219 = arith.constant 1 : i32
      %dma_start3A_220 = arith.constant 3 : i32
      %dma_start3A_221 = arith.constant 0 : i32
      %dma_start3A_222 = arith.constant 0 : i32
      %dma_start3A_223 = tpu.memref_slice %arg6[%dma_start3A_219, %dma_start3A_220, %dma_start3A_221, %dma_start3A_222] : memref<2x8x32x128xf32, #tpu.memory_space<vmem>> -> memref<1x1x32x128xf32, #tpu.memory_space<vmem>>
      %dma_start3A_224 = tpu.memref_squeeze %dma_start3A_223 : memref<1x1x32x128xf32, #tpu.memory_space<vmem>> -> memref<32x128xf32, #tpu.memory_space<vmem>>
      %dma_start3A_225 = arith.constant 0 : i32
      %dma_start3A_226 = tpu.memref_slice %arg3[%dma_start3A_225, %multiple_of3A_218] : memref<32x1000000xf32, #tpu.memory_space<hbm>> -> memref<32x128xf32, #tpu.memory_space<hbm>>
      %dma_start3A_227 = arith.constant 0 : i32
      %dma_start3A_228 = arith.constant 0 : i32
      %dma_start3A_229 = tpu.memref_slice %arg6[%dma_start3A_219, %dma_start3A_220, %dma_start3A_227, %dma_start3A_228] : memref<2x8x32x128xf32, #tpu.memory_space<vmem>> -> memref<1x1x32x128xf32, #tpu.memory_space<vmem>>
      %dma_start3A_230 = tpu.memref_squeeze %dma_start3A_229 : memref<1x1x32x128xf32, #tpu.memory_space<vmem>> -> memref<32x128xf32, #tpu.memory_space<vmem>>
      %dma_start3A_231 = arith.constant 0 : i32
      %dma_start3A_232 = tpu.memref_slice %arg3[%dma_start3A_231, %multiple_of3A_218] : memref<32x1000000xf32, #tpu.memory_space<hbm>> -> memref<32x128xf32, #tpu.memory_space<hbm>>
      tpu.enqueue_dma source(%dma_start3A_232 : memref<32x128xf32, #tpu.memory_space<hbm>>) target(%dma_start3A_230 : memref<32x128xf32, #tpu.memory_space<vmem>>) target_semaphore(%arg9 : memref<!tpu.dma_semaphore, #tpu.memory_space<semaphore_mem>>)
      %slice3A_233 = vector.extract_strided_slice %shift_left3A_162 {offsets = [12], sizes = [1], strides = [1]} : vector<16xi32> to vector<1xi32>
      %squeeze3A_234 = vector.extract %slice3A_233[0] : i32 from vector<1xi32>
      %multiple_of3A_235 = tpu.assume_multiple %squeeze3A_234, 128 : i32
      %dma_start3A_236 = arith.constant 1 : i32
      %dma_start3A_237 = arith.constant 4 : i32
      %dma_start3A_238 = arith.constant 0 : i32
      %dma_start3A_239 = arith.constant 0 : i32
      %dma_start3A_240 = tpu.memref_slice %arg6[%dma_start3A_236, %dma_start3A_237, %dma_start3A_238, %dma_start3A_239] : memref<2x8x32x128xf32, #tpu.memory_space<vmem>> -> memref<1x1x32x128xf32, #tpu.memory_space<vmem>>
      %dma_start3A_241 = tpu.memref_squeeze %dma_start3A_240 : memref<1x1x32x128xf32, #tpu.memory_space<vmem>> -> memref<32x128xf32, #tpu.memory_space<vmem>>
      %dma_start3A_242 = arith.constant 0 : i32
      %dma_start3A_243 = tpu.memref_slice %arg3[%dma_start3A_242, %multiple_of3A_235] : memref<32x1000000xf32, #tpu.memory_space<hbm>> -> memref<32x128xf32, #tpu.memory_space<hbm>>
      %dma_start3A_244 = arith.constant 0 : i32
      %dma_start3A_245 = arith.constant 0 : i32
      %dma_start3A_246 = tpu.memref_slice %arg6[%dma_start3A_236, %dma_start3A_237, %dma_start3A_244, %dma_start3A_245] : memref<2x8x32x128xf32, #tpu.memory_space<vmem>> -> memref<1x1x32x128xf32, #tpu.memory_space<vmem>>
      %dma_start3A_247 = tpu.memref_squeeze %dma_start3A_246 : memref<1x1x32x128xf32, #tpu.memory_space<vmem>> -> memref<32x128xf32, #tpu.memory_space<vmem>>
      %dma_start3A_248 = arith.constant 0 : i32
      %dma_start3A_249 = tpu.memref_slice %arg3[%dma_start3A_248, %multiple_of3A_235] : memref<32x1000000xf32, #tpu.memory_space<hbm>> -> memref<32x128xf32, #tpu.memory_space<hbm>>
      tpu.enqueue_dma source(%dma_start3A_249 : memref<32x128xf32, #tpu.memory_space<hbm>>) target(%dma_start3A_247 : memref<32x128xf32, #tpu.memory_space<vmem>>) target_semaphore(%arg9 : memref<!tpu.dma_semaphore, #tpu.memory_space<semaphore_mem>>)
      %slice3A_250 = vector.extract_strided_slice %shift_left3A_162 {offsets = [13], sizes = [1], strides = [1]} : vector<16xi32> to vector<1xi32>
      %squeeze3A_251 = vector.extract %slice3A_250[0] : i32 from vector<1xi32>
      %multiple_of3A_252 = tpu.assume_multiple %squeeze3A_251, 128 : i32
      %dma_start3A_253 = arith.constant 1 : i32
      %dma_start3A_254 = arith.constant 5 : i32
      %dma_start3A_255 = arith.constant 0 : i32
      %dma_start3A_256 = arith.constant 0 : i32
      %dma_start3A_257 = tpu.memref_slice %arg6[%dma_start3A_253, %dma_start3A_254, %dma_start3A_255, %dma_start3A_256] : memref<2x8x32x128xf32, #tpu.memory_space<vmem>> -> memref<1x1x32x128xf32, #tpu.memory_space<vmem>>
      %dma_start3A_258 = tpu.memref_squeeze %dma_start3A_257 : memref<1x1x32x128xf32, #tpu.memory_space<vmem>> -> memref<32x128xf32, #tpu.memory_space<vmem>>
      %dma_start3A_259 = arith.constant 0 : i32
      %dma_start3A_260 = tpu.memref_slice %arg3[%dma_start3A_259, %multiple_of3A_252] : memref<32x1000000xf32, #tpu.memory_space<hbm>> -> memref<32x128xf32, #tpu.memory_space<hbm>>
      %dma_start3A_261 = arith.constant 0 : i32
      %dma_start3A_262 = arith.constant 0 : i32
      %dma_start3A_263 = tpu.memref_slice %arg6[%dma_start3A_253, %dma_start3A_254, %dma_start3A_261, %dma_start3A_262] : memref<2x8x32x128xf32, #tpu.memory_space<vmem>> -> memref<1x1x32x128xf32, #tpu.memory_space<vmem>>
      %dma_start3A_264 = tpu.memref_squeeze %dma_start3A_263 : memref<1x1x32x128xf32, #tpu.memory_space<vmem>> -> memref<32x128xf32, #tpu.memory_space<vmem>>
      %dma_start3A_265 = arith.constant 0 : i32
      %dma_start3A_266 = tpu.memref_slice %arg3[%dma_start3A_265, %multiple_of3A_252] : memref<32x1000000xf32, #tpu.memory_space<hbm>> -> memref<32x128xf32, #tpu.memory_space<hbm>>
      tpu.enqueue_dma source(%dma_start3A_266 : memref<32x128xf32, #tpu.memory_space<hbm>>) target(%dma_start3A_264 : memref<32x128xf32, #tpu.memory_space<vmem>>) target_semaphore(%arg9 : memref<!tpu.dma_semaphore, #tpu.memory_space<semaphore_mem>>)
      %slice3A_267 = vector.extract_strided_slice %shift_left3A_162 {offsets = [14], sizes = [1], strides = [1]} : vector<16xi32> to vector<1xi32>
      %squeeze3A_268 = vector.extract %slice3A_267[0] : i32 from vector<1xi32>
      %multiple_of3A_269 = tpu.assume_multiple %squeeze3A_268, 128 : i32
      %dma_start3A_270 = arith.constant 1 : i32
      %dma_start3A_271 = arith.constant 6 : i32
      %dma_start3A_272 = arith.constant 0 : i32
      %dma_start3A_273 = arith.constant 0 : i32
      %dma_start3A_274 = tpu.memref_slice %arg6[%dma_start3A_270, %dma_start3A_271, %dma_start3A_272, %dma_start3A_273] : memref<2x8x32x128xf32, #tpu.memory_space<vmem>> -> memref<1x1x32x128xf32, #tpu.memory_space<vmem>>
      %dma_start3A_275 = tpu.memref_squeeze %dma_start3A_274 : memref<1x1x32x128xf32, #tpu.memory_space<vmem>> -> memref<32x128xf32, #tpu.memory_space<vmem>>
      %dma_start3A_276 = arith.constant 0 : i32
      %dma_start3A_277 = tpu.memref_slice %arg3[%dma_start3A_276, %multiple_of3A_269] : memref<32x1000000xf32, #tpu.memory_space<hbm>> -> memref<32x128xf32, #tpu.memory_space<hbm>>
      %dma_start3A_278 = arith.constant 0 : i32
      %dma_start3A_279 = arith.constant 0 : i32
      %dma_start3A_280 = tpu.memref_slice %arg6[%dma_start3A_270, %dma_start3A_271, %dma_start3A_278, %dma_start3A_279] : memref<2x8x32x128xf32, #tpu.memory_space<vmem>> -> memref<1x1x32x128xf32, #tpu.memory_space<vmem>>
      %dma_start3A_281 = tpu.memref_squeeze %dma_start3A_280 : memref<1x1x32x128xf32, #tpu.memory_space<vmem>> -> memref<32x128xf32, #tpu.memory_space<vmem>>
      %dma_start3A_282 = arith.constant 0 : i32
      %dma_start3A_283 = tpu.memref_slice %arg3[%dma_start3A_282, %multiple_of3A_269] : memref<32x1000000xf32, #tpu.memory_space<hbm>> -> memref<32x128xf32, #tpu.memory_space<hbm>>
      tpu.enqueue_dma source(%dma_start3A_283 : memref<32x128xf32, #tpu.memory_space<hbm>>) target(%dma_start3A_281 : memref<32x128xf32, #tpu.memory_space<vmem>>) target_semaphore(%arg9 : memref<!tpu.dma_semaphore, #tpu.memory_space<semaphore_mem>>)
      %slice3A_284 = vector.extract_strided_slice %shift_left3A_162 {offsets = [15], sizes = [1], strides = [1]} : vector<16xi32> to vector<1xi32>
      %squeeze3A_285 = vector.extract %slice3A_284[0] : i32 from vector<1xi32>
      %multiple_of3A_286 = tpu.assume_multiple %squeeze3A_285, 128 : i32
      %dma_start3A_287 = arith.constant 1 : i32
      %dma_start3A_288 = arith.constant 7 : i32
      %dma_start3A_289 = arith.constant 0 : i32
      %dma_start3A_290 = arith.constant 0 : i32
      %dma_start3A_291 = tpu.memref_slice %arg6[%dma_start3A_287, %dma_start3A_288, %dma_start3A_289, %dma_start3A_290] : memref<2x8x32x128xf32, #tpu.memory_space<vmem>> -> memref<1x1x32x128xf32, #tpu.memory_space<vmem>>
      %dma_start3A_292 = tpu.memref_squeeze %dma_start3A_291 : memref<1x1x32x128xf32, #tpu.memory_space<vmem>> -> memref<32x128xf32, #tpu.memory_space<vmem>>
      %dma_start3A_293 = arith.constant 0 : i32
      %dma_start3A_294 = tpu.memref_slice %arg3[%dma_start3A_293, %multiple_of3A_286] : memref<32x1000000xf32, #tpu.memory_space<hbm>> -> memref<32x128xf32, #tpu.memory_space<hbm>>
      %dma_start3A_295 = arith.constant 0 : i32
      %dma_start3A_296 = arith.constant 0 : i32
      %dma_start3A_297 = tpu.memref_slice %arg6[%dma_start3A_287, %dma_start3A_288, %dma_start3A_295, %dma_start3A_296] : memref<2x8x32x128xf32, #tpu.memory_space<vmem>> -> memref<1x1x32x128xf32, #tpu.memory_space<vmem>>
      %dma_start3A_298 = tpu.memref_squeeze %dma_start3A_297 : memref<1x1x32x128xf32, #tpu.memory_space<vmem>> -> memref<32x128xf32, #tpu.memory_space<vmem>>
      %dma_start3A_299 = arith.constant 0 : i32
      %dma_start3A_300 = tpu.memref_slice %arg3[%dma_start3A_299, %multiple_of3A_286] : memref<32x1000000xf32, #tpu.memory_space<hbm>> -> memref<32x128xf32, #tpu.memory_space<hbm>>
      tpu.enqueue_dma source(%dma_start3A_300 : memref<32x128xf32, #tpu.memory_space<hbm>>) target(%dma_start3A_298 : memref<32x128xf32, #tpu.memory_space<vmem>>) target_semaphore(%arg9 : memref<!tpu.dma_semaphore, #tpu.memory_space<semaphore_mem>>)
      %dma_wait3A = arith.constant 0 : i32
      %dma_wait3A_301 = arith.constant 0 : i32
      %dma_wait3A_302 = arith.constant 0 : i32
      %dma_wait3A_303 = arith.constant 0 : i32
      %dma_wait3A_304 = tpu.memref_slice %arg6[%dma_wait3A, %dma_wait3A_301, %dma_wait3A_302, %dma_wait3A_303] : memref<2x8x32x128xf32, #tpu.memory_space<vmem>> -> memref<1x1x32x128xf32, #tpu.memory_space<vmem>>
      %dma_wait3A_305 = tpu.memref_squeeze %dma_wait3A_304 : memref<1x1x32x128xf32, #tpu.memory_space<vmem>> -> memref<32x128xf32, #tpu.memory_space<vmem>>
      %dma_wait3A_306 = arith.constant 0 : i32
      %dma_wait3A_307 = arith.constant 0 : i32
      %dma_wait3A_308 = tpu.memref_slice %arg3[%dma_wait3A_306, %dma_wait3A_307] : memref<32x1000000xf32, #tpu.memory_space<hbm>> -> memref<32x128xf32, #tpu.memory_space<hbm>>
      %dma_wait3A_309 = arith.constant 0 : i32
      %dma_wait3A_310 = arith.constant 0 : i32
      %dma_wait3A_311 = tpu.memref_slice %arg6[%dma_wait3A, %dma_wait3A_301, %dma_wait3A_309, %dma_wait3A_310] : memref<2x8x32x128xf32, #tpu.memory_space<vmem>> -> memref<1x1x32x128xf32, #tpu.memory_space<vmem>>
      %dma_wait3A_312 = tpu.memref_squeeze %dma_wait3A_311 : memref<1x1x32x128xf32, #tpu.memory_space<vmem>> -> memref<32x128xf32, #tpu.memory_space<vmem>>
      %dma_wait3A_313 = arith.constant 0 : i32
      %dma_wait3A_314 = arith.constant 0 : i32
      %dma_wait3A_315 = tpu.memref_slice %arg3[%dma_wait3A_313, %dma_wait3A_314] : memref<32x1000000xf32, #tpu.memory_space<hbm>> -> memref<32x128xf32, #tpu.memory_space<hbm>>
      tpu.wait_dma2 semaphore(%arg8 : memref<!tpu.dma_semaphore, #tpu.memory_space<semaphore_mem>>) src(%dma_wait3A_315 : memref<32x128xf32, #tpu.memory_space<hbm>>) dst(%dma_wait3A_312 : memref<32x128xf32, #tpu.memory_space<vmem>>)
      %dma_wait3A_316 = arith.constant 0 : i32
      %dma_wait3A_317 = arith.constant 1 : i32
      %dma_wait3A_318 = arith.constant 0 : i32
      %dma_wait3A_319 = arith.constant 0 : i32
      %dma_wait3A_320 = tpu.memref_slice %arg6[%dma_wait3A_316, %dma_wait3A_317, %dma_wait3A_318, %dma_wait3A_319] : memref<2x8x32x128xf32, #tpu.memory_space<vmem>> -> memref<1x1x32x128xf32, #tpu.memory_space<vmem>>
      %dma_wait3A_321 = tpu.memref_squeeze %dma_wait3A_320 : memref<1x1x32x128xf32, #tpu.memory_space<vmem>> -> memref<32x128xf32, #tpu.memory_space<vmem>>
      %dma_wait3A_322 = arith.constant 0 : i32
      %dma_wait3A_323 = arith.constant 0 : i32
      %dma_wait3A_324 = tpu.memref_slice %arg3[%dma_wait3A_322, %dma_wait3A_323] : memref<32x1000000xf32, #tpu.memory_space<hbm>> -> memref<32x128xf32, #tpu.memory_space<hbm>>
      %dma_wait3A_325 = arith.constant 0 : i32
      %dma_wait3A_326 = arith.constant 0 : i32
      %dma_wait3A_327 = tpu.memref_slice %arg6[%dma_wait3A_316, %dma_wait3A_317, %dma_wait3A_325, %dma_wait3A_326] : memref<2x8x32x128xf32, #tpu.memory_space<vmem>> -> memref<1x1x32x128xf32, #tpu.memory_space<vmem>>
      %dma_wait3A_328 = tpu.memref_squeeze %dma_wait3A_327 : memref<1x1x32x128xf32, #tpu.memory_space<vmem>> -> memref<32x128xf32, #tpu.memory_space<vmem>>
      %dma_wait3A_329 = arith.constant 0 : i32
      %dma_wait3A_330 = arith.constant 0 : i32
      %dma_wait3A_331 = tpu.memref_slice %arg3[%dma_wait3A_329, %dma_wait3A_330] : memref<32x1000000xf32, #tpu.memory_space<hbm>> -> memref<32x128xf32, #tpu.memory_space<hbm>>
      tpu.wait_dma2 semaphore(%arg8 : memref<!tpu.dma_semaphore, #tpu.memory_space<semaphore_mem>>) src(%dma_wait3A_331 : memref<32x128xf32, #tpu.memory_space<hbm>>) dst(%dma_wait3A_328 : memref<32x128xf32, #tpu.memory_space<vmem>>)
      %dma_wait3A_332 = arith.constant 0 : i32
      %dma_wait3A_333 = arith.constant 2 : i32
      %dma_wait3A_334 = arith.constant 0 : i32
      %dma_wait3A_335 = arith.constant 0 : i32
      %dma_wait3A_336 = tpu.memref_slice %arg6[%dma_wait3A_332, %dma_wait3A_333, %dma_wait3A_334, %dma_wait3A_335] : memref<2x8x32x128xf32, #tpu.memory_space<vmem>> -> memref<1x1x32x128xf32, #tpu.memory_space<vmem>>
      %dma_wait3A_337 = tpu.memref_squeeze %dma_wait3A_336 : memref<1x1x32x128xf32, #tpu.memory_space<vmem>> -> memref<32x128xf32, #tpu.memory_space<vmem>>
      %dma_wait3A_338 = arith.constant 0 : i32
      %dma_wait3A_339 = arith.constant 0 : i32
      %dma_wait3A_340 = tpu.memref_slice %arg3[%dma_wait3A_338, %dma_wait3A_339] : memref<32x1000000xf32, #tpu.memory_space<hbm>> -> memref<32x128xf32, #tpu.memory_space<hbm>>
      %dma_wait3A_341 = arith.constant 0 : i32
      %dma_wait3A_342 = arith.constant 0 : i32
      %dma_wait3A_343 = tpu.memref_slice %arg6[%dma_wait3A_332, %dma_wait3A_333, %dma_wait3A_341, %dma_wait3A_342] : memref<2x8x32x128xf32, #tpu.memory_space<vmem>> -> memref<1x1x32x128xf32, #tpu.memory_space<vmem>>
      %dma_wait3A_344 = tpu.memref_squeeze %dma_wait3A_343 : memref<1x1x32x128xf32, #tpu.memory_space<vmem>> -> memref<32x128xf32, #tpu.memory_space<vmem>>
      %dma_wait3A_345 = arith.constant 0 : i32
      %dma_wait3A_346 = arith.constant 0 : i32
      %dma_wait3A_347 = tpu.memref_slice %arg3[%dma_wait3A_345, %dma_wait3A_346] : memref<32x1000000xf32, #tpu.memory_space<hbm>> -> memref<32x128xf32, #tpu.memory_space<hbm>>
      tpu.wait_dma2 semaphore(%arg8 : memref<!tpu.dma_semaphore, #tpu.memory_space<semaphore_mem>>) src(%dma_wait3A_347 : memref<32x128xf32, #tpu.memory_space<hbm>>) dst(%dma_wait3A_344 : memref<32x128xf32, #tpu.memory_space<vmem>>)
      %dma_wait3A_348 = arith.constant 0 : i32
      %dma_wait3A_349 = arith.constant 3 : i32
      %dma_wait3A_350 = arith.constant 0 : i32
      %dma_wait3A_351 = arith.constant 0 : i32
      %dma_wait3A_352 = tpu.memref_slice %arg6[%dma_wait3A_348, %dma_wait3A_349, %dma_wait3A_350, %dma_wait3A_351] : memref<2x8x32x128xf32, #tpu.memory_space<vmem>> -> memref<1x1x32x128xf32, #tpu.memory_space<vmem>>
      %dma_wait3A_353 = tpu.memref_squeeze %dma_wait3A_352 : memref<1x1x32x128xf32, #tpu.memory_space<vmem>> -> memref<32x128xf32, #tpu.memory_space<vmem>>
      %dma_wait3A_354 = arith.constant 0 : i32
      %dma_wait3A_355 = arith.constant 0 : i32
      %dma_wait3A_356 = tpu.memref_slice %arg3[%dma_wait3A_354, %dma_wait3A_355] : memref<32x1000000xf32, #tpu.memory_space<hbm>> -> memref<32x128xf32, #tpu.memory_space<hbm>>
      %dma_wait3A_357 = arith.constant 0 : i32
      %dma_wait3A_358 = arith.constant 0 : i32
      %dma_wait3A_359 = tpu.memref_slice %arg6[%dma_wait3A_348, %dma_wait3A_349, %dma_wait3A_357, %dma_wait3A_358] : memref<2x8x32x128xf32, #tpu.memory_space<vmem>> -> memref<1x1x32x128xf32, #tpu.memory_space<vmem>>
      %dma_wait3A_360 = tpu.memref_squeeze %dma_wait3A_359 : memref<1x1x32x128xf32, #tpu.memory_space<vmem>> -> memref<32x128xf32, #tpu.memory_space<vmem>>
      %dma_wait3A_361 = arith.constant 0 : i32
      %dma_wait3A_362 = arith.constant 0 : i32
      %dma_wait3A_363 = tpu.memref_slice %arg3[%dma_wait3A_361, %dma_wait3A_362] : memref<32x1000000xf32, #tpu.memory_space<hbm>> -> memref<32x128xf32, #tpu.memory_space<hbm>>
      tpu.wait_dma2 semaphore(%arg8 : memref<!tpu.dma_semaphore, #tpu.memory_space<semaphore_mem>>) src(%dma_wait3A_363 : memref<32x128xf32, #tpu.memory_space<hbm>>) dst(%dma_wait3A_360 : memref<32x128xf32, #tpu.memory_space<vmem>>)
      %dma_wait3A_364 = arith.constant 0 : i32
      %dma_wait3A_365 = arith.constant 4 : i32
      %dma_wait3A_366 = arith.constant 0 : i32
      %dma_wait3A_367 = arith.constant 0 : i32
      %dma_wait3A_368 = tpu.memref_slice %arg6[%dma_wait3A_364, %dma_wait3A_365, %dma_wait3A_366, %dma_wait3A_367] : memref<2x8x32x128xf32, #tpu.memory_space<vmem>> -> memref<1x1x32x128xf32, #tpu.memory_space<vmem>>
      %dma_wait3A_369 = tpu.memref_squeeze %dma_wait3A_368 : memref<1x1x32x128xf32, #tpu.memory_space<vmem>> -> memref<32x128xf32, #tpu.memory_space<vmem>>
      %dma_wait3A_370 = arith.constant 0 : i32
      %dma_wait3A_371 = arith.constant 0 : i32
      %dma_wait3A_372 = tpu.memref_slice %arg3[%dma_wait3A_370, %dma_wait3A_371] : memref<32x1000000xf32, #tpu.memory_space<hbm>> -> memref<32x128xf32, #tpu.memory_space<hbm>>
      %dma_wait3A_373 = arith.constant 0 : i32
      %dma_wait3A_374 = arith.constant 0 : i32
      %dma_wait3A_375 = tpu.memref_slice %arg6[%dma_wait3A_364, %dma_wait3A_365, %dma_wait3A_373, %dma_wait3A_374] : memref<2x8x32x128xf32, #tpu.memory_space<vmem>> -> memref<1x1x32x128xf32, #tpu.memory_space<vmem>>
      %dma_wait3A_376 = tpu.memref_squeeze %dma_wait3A_375 : memref<1x1x32x128xf32, #tpu.memory_space<vmem>> -> memref<32x128xf32, #tpu.memory_space<vmem>>
      %dma_wait3A_377 = arith.constant 0 : i32
      %dma_wait3A_378 = arith.constant 0 : i32
      %dma_wait3A_379 = tpu.memref_slice %arg3[%dma_wait3A_377, %dma_wait3A_378] : memref<32x1000000xf32, #tpu.memory_space<hbm>> -> memref<32x128xf32, #tpu.memory_space<hbm>>
      tpu.wait_dma2 semaphore(%arg8 : memref<!tpu.dma_semaphore, #tpu.memory_space<semaphore_mem>>) src(%dma_wait3A_379 : memref<32x128xf32, #tpu.memory_space<hbm>>) dst(%dma_wait3A_376 : memref<32x128xf32, #tpu.memory_space<vmem>>)
      %dma_wait3A_380 = arith.constant 0 : i32
      %dma_wait3A_381 = arith.constant 5 : i32
      %dma_wait3A_382 = arith.constant 0 : i32
      %dma_wait3A_383 = arith.constant 0 : i32
      %dma_wait3A_384 = tpu.memref_slice %arg6[%dma_wait3A_380, %dma_wait3A_381, %dma_wait3A_382, %dma_wait3A_383] : memref<2x8x32x128xf32, #tpu.memory_space<vmem>> -> memref<1x1x32x128xf32, #tpu.memory_space<vmem>>
      %dma_wait3A_385 = tpu.memref_squeeze %dma_wait3A_384 : memref<1x1x32x128xf32, #tpu.memory_space<vmem>> -> memref<32x128xf32, #tpu.memory_space<vmem>>
      %dma_wait3A_386 = arith.constant 0 : i32
      %dma_wait3A_387 = arith.constant 0 : i32
      %dma_wait3A_388 = tpu.memref_slice %arg3[%dma_wait3A_386, %dma_wait3A_387] : memref<32x1000000xf32, #tpu.memory_space<hbm>> -> memref<32x128xf32, #tpu.memory_space<hbm>>
      %dma_wait3A_389 = arith.constant 0 : i32
      %dma_wait3A_390 = arith.constant 0 : i32
      %dma_wait3A_391 = tpu.memref_slice %arg6[%dma_wait3A_380, %dma_wait3A_381, %dma_wait3A_389, %dma_wait3A_390] : memref<2x8x32x128xf32, #tpu.memory_space<vmem>> -> memref<1x1x32x128xf32, #tpu.memory_space<vmem>>
      %dma_wait3A_392 = tpu.memref_squeeze %dma_wait3A_391 : memref<1x1x32x128xf32, #tpu.memory_space<vmem>> -> memref<32x128xf32, #tpu.memory_space<vmem>>
      %dma_wait3A_393 = arith.constant 0 : i32
      %dma_wait3A_394 = arith.constant 0 : i32
      %dma_wait3A_395 = tpu.memref_slice %arg3[%dma_wait3A_393, %dma_wait3A_394] : memref<32x1000000xf32, #tpu.memory_space<hbm>> -> memref<32x128xf32, #tpu.memory_space<hbm>>
      tpu.wait_dma2 semaphore(%arg8 : memref<!tpu.dma_semaphore, #tpu.memory_space<semaphore_mem>>) src(%dma_wait3A_395 : memref<32x128xf32, #tpu.memory_space<hbm>>) dst(%dma_wait3A_392 : memref<32x128xf32, #tpu.memory_space<vmem>>)
      %dma_wait3A_396 = arith.constant 0 : i32
      %dma_wait3A_397 = arith.constant 6 : i32
      %dma_wait3A_398 = arith.constant 0 : i32
      %dma_wait3A_399 = arith.constant 0 : i32
      %dma_wait3A_400 = tpu.memref_slice %arg6[%dma_wait3A_396, %dma_wait3A_397, %dma_wait3A_398, %dma_wait3A_399] : memref<2x8x32x128xf32, #tpu.memory_space<vmem>> -> memref<1x1x32x128xf32, #tpu.memory_space<vmem>>
      %dma_wait3A_401 = tpu.memref_squeeze %dma_wait3A_400 : memref<1x1x32x128xf32, #tpu.memory_space<vmem>> -> memref<32x128xf32, #tpu.memory_space<vmem>>
      %dma_wait3A_402 = arith.constant 0 : i32
      %dma_wait3A_403 = arith.constant 0 : i32
      %dma_wait3A_404 = tpu.memref_slice %arg3[%dma_wait3A_402, %dma_wait3A_403] : memref<32x1000000xf32, #tpu.memory_space<hbm>> -> memref<32x128xf32, #tpu.memory_space<hbm>>
      %dma_wait3A_405 = arith.constant 0 : i32
      %dma_wait3A_406 = arith.constant 0 : i32
      %dma_wait3A_407 = tpu.memref_slice %arg6[%dma_wait3A_396, %dma_wait3A_397, %dma_wait3A_405, %dma_wait3A_406] : memref<2x8x32x128xf32, #tpu.memory_space<vmem>> -> memref<1x1x32x128xf32, #tpu.memory_space<vmem>>
      %dma_wait3A_408 = tpu.memref_squeeze %dma_wait3A_407 : memref<1x1x32x128xf32, #tpu.memory_space<vmem>> -> memref<32x128xf32, #tpu.memory_space<vmem>>
      %dma_wait3A_409 = arith.constant 0 : i32
      %dma_wait3A_410 = arith.constant 0 : i32
      %dma_wait3A_411 = tpu.memref_slice %arg3[%dma_wait3A_409, %dma_wait3A_410] : memref<32x1000000xf32, #tpu.memory_space<hbm>> -> memref<32x128xf32, #tpu.memory_space<hbm>>
      tpu.wait_dma2 semaphore(%arg8 : memref<!tpu.dma_semaphore, #tpu.memory_space<semaphore_mem>>) src(%dma_wait3A_411 : memref<32x128xf32, #tpu.memory_space<hbm>>) dst(%dma_wait3A_408 : memref<32x128xf32, #tpu.memory_space<vmem>>)
      %dma_wait3A_412 = arith.constant 0 : i32
      %dma_wait3A_413 = arith.constant 7 : i32
      %dma_wait3A_414 = arith.constant 0 : i32
      %dma_wait3A_415 = arith.constant 0 : i32
      %dma_wait3A_416 = tpu.memref_slice %arg6[%dma_wait3A_412, %dma_wait3A_413, %dma_wait3A_414, %dma_wait3A_415] : memref<2x8x32x128xf32, #tpu.memory_space<vmem>> -> memref<1x1x32x128xf32, #tpu.memory_space<vmem>>
      %dma_wait3A_417 = tpu.memref_squeeze %dma_wait3A_416 : memref<1x1x32x128xf32, #tpu.memory_space<vmem>> -> memref<32x128xf32, #tpu.memory_space<vmem>>
      %dma_wait3A_418 = arith.constant 0 : i32
      %dma_wait3A_419 = arith.constant 0 : i32
      %dma_wait3A_420 = tpu.memref_slice %arg3[%dma_wait3A_418, %dma_wait3A_419] : memref<32x1000000xf32, #tpu.memory_space<hbm>> -> memref<32x128xf32, #tpu.memory_space<hbm>>
      %dma_wait3A_421 = arith.constant 0 : i32
      %dma_wait3A_422 = arith.constant 0 : i32
      %dma_wait3A_423 = tpu.memref_slice %arg6[%dma_wait3A_412, %dma_wait3A_413, %dma_wait3A_421, %dma_wait3A_422] : memref<2x8x32x128xf32, #tpu.memory_space<vmem>> -> memref<1x1x32x128xf32, #tpu.memory_space<vmem>>
      %dma_wait3A_424 = tpu.memref_squeeze %dma_wait3A_423 : memref<1x1x32x128xf32, #tpu.memory_space<vmem>> -> memref<32x128xf32, #tpu.memory_space<vmem>>
      %dma_wait3A_425 = arith.constant 0 : i32
      %dma_wait3A_426 = arith.constant 0 : i32
      %dma_wait3A_427 = tpu.memref_slice %arg3[%dma_wait3A_425, %dma_wait3A_426] : memref<32x1000000xf32, #tpu.memory_space<hbm>> -> memref<32x128xf32, #tpu.memory_space<hbm>>
      tpu.wait_dma2 semaphore(%arg8 : memref<!tpu.dma_semaphore, #tpu.memory_space<semaphore_mem>>) src(%dma_wait3A_427 : memref<32x128xf32, #tpu.memory_space<hbm>>) dst(%dma_wait3A_424 : memref<32x128xf32, #tpu.memory_space<vmem>>)
      %mul3A_428 = arith.constant 2 : i32
      %mul3A_429 = arith.muli %scan3A_149, %mul3A_428 : i32
      %add3A_430 = arith.constant 0 : i32
      %add3A_431 = arith.addi %mul3A_429, %add3A_430 : i32
      %mul3A_432 = arith.constant 8 : i32
      %mul3A_433 = arith.muli %add3A_431, %mul3A_432 : i32
      %multiple_of3A_434 = tpu.assume_multiple %mul3A_433, 8 : i32
      %slice3A_435 = vector.extract_strided_slice %and3A_164 {offsets = [0], sizes = [1], strides = [1]} : vector<16xi32> to vector<1xi32>
      %squeeze3A_436 = vector.extract %slice3A_435[0] : i32 from vector<1xi32>
      %broadcast_in_dim3A = vector.broadcast %squeeze3A_436 : i32 to vector<16xi32>
      %gather3A = arith.constant 0 : i32
      %gather3A_437 = arith.constant 0 : i32
      %gather3A_438 = arith.constant 0 : i32
      %gather3A_439 = arith.constant 0 : i32
      %gather3A_440 = tpu.memref_slice %arg6[%gather3A, %gather3A_437, %gather3A_438, %gather3A_439] : memref<2x8x32x128xf32, #tpu.memory_space<vmem>> -> memref<1x1x32x128xf32, #tpu.memory_space<vmem>>
      %gather3A_441 = tpu.memref_squeeze %gather3A_440 : memref<1x1x32x128xf32, #tpu.memory_space<vmem>> -> memref<32x128xf32, #tpu.memory_space<vmem>>
      %gather3A_442 = tpu.vector_load_idx %gather3A_441[%iota3A, %broadcast_in_dim3A] : memref<32x128xf32, #tpu.memory_space<vmem>>[vector<16xi32>, vector<16xi32>], vector<16xf32>,
      %add3A_443 = arith.constant 16 : i32
      %add3A_444 = vector.broadcast %add3A_443 : i32 to vector<16xi32>
      %add3A_445 = arith.addi %iota3A, %add3A_444 : vector<16xi32>
      %gather3A_446 = arith.constant 0 : i32
      %gather3A_447 = arith.constant 0 : i32
      %gather3A_448 = arith.constant 0 : i32
      %gather3A_449 = arith.constant 0 : i32
      %gather3A_450 = tpu.memref_slice %arg6[%gather3A_446, %gather3A_447, %gather3A_448, %gather3A_449] : memref<2x8x32x128xf32, #tpu.memory_space<vmem>> -> memref<1x1x32x128xf32, #tpu.memory_space<vmem>>
      %gather3A_451 = tpu.memref_squeeze %gather3A_450 : memref<1x1x32x128xf32, #tpu.memory_space<vmem>> -> memref<32x128xf32, #tpu.memory_space<vmem>>
      %gather3A_452 = tpu.vector_load_idx %gather3A_451[%add3A_445, %broadcast_in_dim3A] : memref<32x128xf32, #tpu.memory_space<vmem>>[vector<16xi32>, vector<16xi32>], vector<16xf32>,
      %add3A_453 = arith.constant 0 : i32
      %add3A_454 = arith.addi %multiple_of3A_434, %add3A_453 : i32
      %mul3A_455 = arith.constant 32 : i32
      %mul3A_456 = arith.muli %add3A_454, %mul3A_455 : i32
      %multiple_of3A_457 = tpu.assume_multiple %mul3A_456, 32 : i32
      %swap3A = arith.index_cast %multiple_of3A_457 : i32 to index
      %swap3A_458 = tpu.vector_load %arg7[%swap3A] {strides = array<i32>} : memref<16384xf32, #tpu.memory_space<vmem>>, vector<16xf32>,
      tpu.vector_store %arg7[%swap3A], %gather3A_442 {strides = array<i32>} : memref<16384xf32, #tpu.memory_space<vmem>>, vector<16xf32>,
      %add3A_459 = arith.constant 16 : i32
      %add3A_460 = arith.addi %multiple_of3A_457, %add3A_459 : i32
      %swap3A_461 = arith.index_cast %add3A_460 : i32 to index
      %swap3A_462 = tpu.vector_load %arg7[%swap3A_461] {strides = array<i32>} : memref<16384xf32, #tpu.memory_space<vmem>>, vector<16xf32>,
      tpu.vector_store %arg7[%swap3A_461], %gather3A_452 {strides = array<i32>} : memref<16384xf32, #tpu.memory_space<vmem>>, vector<16xf32>,
      %slice3A_463 = vector.extract_strided_slice %and3A_164 {offsets = [1], sizes = [1], strides = [1]} : vector<16xi32> to vector<1xi32>
      %squeeze3A_464 = vector.extract %slice3A_463[0] : i32 from vector<1xi32>
      %broadcast_in_dim3A_465 = vector.broadcast %squeeze3A_464 : i32 to vector<16xi32>
      %gather3A_466 = arith.constant 0 : i32
      %gather3A_467 = arith.constant 1 : i32
      %gather3A_468 = arith.constant 0 : i32
      %gather3A_469 = arith.constant 0 : i32
      %gather3A_470 = tpu.memref_slice %arg6[%gather3A_466, %gather3A_467, %gather3A_468, %gather3A_469] : memref<2x8x32x128xf32, #tpu.memory_space<vmem>> -> memref<1x1x32x128xf32, #tpu.memory_space<vmem>>
      %gather3A_471 = tpu.memref_squeeze %gather3A_470 : memref<1x1x32x128xf32, #tpu.memory_space<vmem>> -> memref<32x128xf32, #tpu.memory_space<vmem>>
      %gather3A_472 = tpu.vector_load_idx %gather3A_471[%iota3A, %broadcast_in_dim3A_465] : memref<32x128xf32, #tpu.memory_space<vmem>>[vector<16xi32>, vector<16xi32>], vector<16xf32>,
      %add3A_473 = arith.constant 16 : i32
      %add3A_474 = vector.broadcast %add3A_473 : i32 to vector<16xi32>
      %add3A_475 = arith.addi %iota3A, %add3A_474 : vector<16xi32>
      %gather3A_476 = arith.constant 0 : i32
      %gather3A_477 = arith.constant 1 : i32
      %gather3A_478 = arith.constant 0 : i32
      %gather3A_479 = arith.constant 0 : i32
      %gather3A_480 = tpu.memref_slice %arg6[%gather3A_476, %gather3A_477, %gather3A_478, %gather3A_479] : memref<2x8x32x128xf32, #tpu.memory_space<vmem>> -> memref<1x1x32x128xf32, #tpu.memory_space<vmem>>
      %gather3A_481 = tpu.memref_squeeze %gather3A_480 : memref<1x1x32x128xf32, #tpu.memory_space<vmem>> -> memref<32x128xf32, #tpu.memory_space<vmem>>
      %gather3A_482 = tpu.vector_load_idx %gather3A_481[%add3A_475, %broadcast_in_dim3A_465] : memref<32x128xf32, #tpu.memory_space<vmem>>[vector<16xi32>, vector<16xi32>], vector<16xf32>,
      %add3A_483 = arith.constant 1 : i32
      %add3A_484 = arith.addi %multiple_of3A_434, %add3A_483 : i32
      %mul3A_485 = arith.constant 32 : i32
      %mul3A_486 = arith.muli %add3A_484, %mul3A_485 : i32
      %multiple_of3A_487 = tpu.assume_multiple %mul3A_486, 32 : i32
      %swap3A_488 = arith.index_cast %multiple_of3A_487 : i32 to index
      %swap3A_489 = tpu.vector_load %arg7[%swap3A_488] {strides = array<i32>} : memref<16384xf32, #tpu.memory_space<vmem>>, vector<16xf32>,
      tpu.vector_store %arg7[%swap3A_488], %gather3A_472 {strides = array<i32>} : memref<16384xf32, #tpu.memory_space<vmem>>, vector<16xf32>,
      %add3A_490 = arith.constant 16 : i32
      %add3A_491 = arith.addi %multiple_of3A_487, %add3A_490 : i32
      %swap3A_492 = arith.index_cast %add3A_491 : i32 to index
      %swap3A_493 = tpu.vector_load %arg7[%swap3A_492] {strides = array<i32>} : memref<16384xf32, #tpu.memory_space<vmem>>, vector<16xf32>,
      tpu.vector_store %arg7[%swap3A_492], %gather3A_482 {strides = array<i32>} : memref<16384xf32, #tpu.memory_space<vmem>>, vector<16xf32>,
      %slice3A_494 = vector.extract_strided_slice %and3A_164 {offsets = [2], sizes = [1], strides = [1]} : vector<16xi32> to vector<1xi32>
      %squeeze3A_495 = vector.extract %slice3A_494[0] : i32 from vector<1xi32>
      %broadcast_in_dim3A_496 = vector.broadcast %squeeze3A_495 : i32 to vector<16xi32>
      %gather3A_497 = arith.constant 0 : i32
      %gather3A_498 = arith.constant 2 : i32
      %gather3A_499 = arith.constant 0 : i32
      %gather3A_500 = arith.constant 0 : i32
      %gather3A_501 = tpu.memref_slice %arg6[%gather3A_497, %gather3A_498, %gather3A_499, %gather3A_500] : memref<2x8x32x128xf32, #tpu.memory_space<vmem>> -> memref<1x1x32x128xf32, #tpu.memory_space<vmem>>
      %gather3A_502 = tpu.memref_squeeze %gather3A_501 : memref<1x1x32x128xf32, #tpu.memory_space<vmem>> -> memref<32x128xf32, #tpu.memory_space<vmem>>
      %gather3A_503 = tpu.vector_load_idx %gather3A_502[%iota3A, %broadcast_in_dim3A_496] : memref<32x128xf32, #tpu.memory_space<vmem>>[vector<16xi32>, vector<16xi32>], vector<16xf32>,
      %add3A_504 = arith.constant 16 : i32
      %add3A_505 = vector.broadcast %add3A_504 : i32 to vector<16xi32>
      %add3A_506 = arith.addi %iota3A, %add3A_505 : vector<16xi32>
      %gather3A_507 = arith.constant 0 : i32
      %gather3A_508 = arith.constant 2 : i32
      %gather3A_509 = arith.constant 0 : i32
      %gather3A_510 = arith.constant 0 : i32
      %gather3A_511 = tpu.memref_slice %arg6[%gather3A_507, %gather3A_508, %gather3A_509, %gather3A_510] : memref<2x8x32x128xf32, #tpu.memory_space<vmem>> -> memref<1x1x32x128xf32, #tpu.memory_space<vmem>>
      %gather3A_512 = tpu.memref_squeeze %gather3A_511 : memref<1x1x32x128xf32, #tpu.memory_space<vmem>> -> memref<32x128xf32, #tpu.memory_space<vmem>>
      %gather3A_513 = tpu.vector_load_idx %gather3A_512[%add3A_506, %broadcast_in_dim3A_496] : memref<32x128xf32, #tpu.memory_space<vmem>>[vector<16xi32>, vector<16xi32>], vector<16xf32>,
      %add3A_514 = arith.constant 2 : i32
      %add3A_515 = arith.addi %multiple_of3A_434, %add3A_514 : i32
      %mul3A_516 = arith.constant 32 : i32
      %mul3A_517 = arith.muli %add3A_515, %mul3A_516 : i32
      %multiple_of3A_518 = tpu.assume_multiple %mul3A_517, 32 : i32
      %swap3A_519 = arith.index_cast %multiple_of3A_518 : i32 to index
      %swap3A_520 = tpu.vector_load %arg7[%swap3A_519] {strides = array<i32>} : memref<16384xf32, #tpu.memory_space<vmem>>, vector<16xf32>,
      tpu.vector_store %arg7[%swap3A_519], %gather3A_503 {strides = array<i32>} : memref<16384xf32, #tpu.memory_space<vmem>>, vector<16xf32>,
      %add3A_521 = arith.constant 16 : i32
      %add3A_522 = arith.addi %multiple_of3A_518, %add3A_521 : i32
      %swap3A_523 = arith.index_cast %add3A_522 : i32 to index
      %swap3A_524 = tpu.vector_load %arg7[%swap3A_523] {strides = array<i32>} : memref<16384xf32, #tpu.memory_space<vmem>>, vector<16xf32>,
      tpu.vector_store %arg7[%swap3A_523], %gather3A_513 {strides = array<i32>} : memref<16384xf32, #tpu.memory_space<vmem>>, vector<16xf32>,
      %slice3A_525 = vector.extract_strided_slice %and3A_164 {offsets = [3], sizes = [1], strides = [1]} : vector<16xi32> to vector<1xi32>
      %squeeze3A_526 = vector.extract %slice3A_525[0] : i32 from vector<1xi32>
      %broadcast_in_dim3A_527 = vector.broadcast %squeeze3A_526 : i32 to vector<16xi32>
      %gather3A_528 = arith.constant 0 : i32
      %gather3A_529 = arith.constant 3 : i32
      %gather3A_530 = arith.constant 0 : i32
      %gather3A_531 = arith.constant 0 : i32
      %gather3A_532 = tpu.memref_slice %arg6[%gather3A_528, %gather3A_529, %gather3A_530, %gather3A_531] : memref<2x8x32x128xf32, #tpu.memory_space<vmem>> -> memref<1x1x32x128xf32, #tpu.memory_space<vmem>>
      %gather3A_533 = tpu.memref_squeeze %gather3A_532 : memref<1x1x32x128xf32, #tpu.memory_space<vmem>> -> memref<32x128xf32, #tpu.memory_space<vmem>>
      %gather3A_534 = tpu.vector_load_idx %gather3A_533[%iota3A, %broadcast_in_dim3A_527] : memref<32x128xf32, #tpu.memory_space<vmem>>[vector<16xi32>, vector<16xi32>], vector<16xf32>,
      %add3A_535 = arith.constant 16 : i32
      %add3A_536 = vector.broadcast %add3A_535 : i32 to vector<16xi32>
      %add3A_537 = arith.addi %iota3A, %add3A_536 : vector<16xi32>
      %gather3A_538 = arith.constant 0 : i32
      %gather3A_539 = arith.constant 3 : i32
      %gather3A_540 = arith.constant 0 : i32
      %gather3A_541 = arith.constant 0 : i32
      %gather3A_542 = tpu.memref_slice %arg6[%gather3A_538, %gather3A_539, %gather3A_540, %gather3A_541] : memref<2x8x32x128xf32, #tpu.memory_space<vmem>> -> memref<1x1x32x128xf32, #tpu.memory_space<vmem>>
      %gather3A_543 = tpu.memref_squeeze %gather3A_542 : memref<1x1x32x128xf32, #tpu.memory_space<vmem>> -> memref<32x128xf32, #tpu.memory_space<vmem>>
      %gather3A_544 = tpu.vector_load_idx %gather3A_543[%add3A_537, %broadcast_in_dim3A_527] : memref<32x128xf32, #tpu.memory_space<vmem>>[vector<16xi32>, vector<16xi32>], vector<16xf32>,
      %add3A_545 = arith.constant 3 : i32
      %add3A_546 = arith.addi %multiple_of3A_434, %add3A_545 : i32
      %mul3A_547 = arith.constant 32 : i32
      %mul3A_548 = arith.muli %add3A_546, %mul3A_547 : i32
      %multiple_of3A_549 = tpu.assume_multiple %mul3A_548, 32 : i32
      %swap3A_550 = arith.index_cast %multiple_of3A_549 : i32 to index
      %swap3A_551 = tpu.vector_load %arg7[%swap3A_550] {strides = array<i32>} : memref<16384xf32, #tpu.memory_space<vmem>>, vector<16xf32>,
      tpu.vector_store %arg7[%swap3A_550], %gather3A_534 {strides = array<i32>} : memref<16384xf32, #tpu.memory_space<vmem>>, vector<16xf32>,
      %add3A_552 = arith.constant 16 : i32
      %add3A_553 = arith.addi %multiple_of3A_549, %add3A_552 : i32
      %swap3A_554 = arith.index_cast %add3A_553 : i32 to index
      %swap3A_555 = tpu.vector_load %arg7[%swap3A_554] {strides = array<i32>} : memref<16384xf32, #tpu.memory_space<vmem>>, vector<16xf32>,
      tpu.vector_store %arg7[%swap3A_554], %gather3A_544 {strides = array<i32>} : memref<16384xf32, #tpu.memory_space<vmem>>, vector<16xf32>,
      %slice3A_556 = vector.extract_strided_slice %and3A_164 {offsets = [4], sizes = [1], strides = [1]} : vector<16xi32> to vector<1xi32>
      %squeeze3A_557 = vector.extract %slice3A_556[0] : i32 from vector<1xi32>
      %broadcast_in_dim3A_558 = vector.broadcast %squeeze3A_557 : i32 to vector<16xi32>
      %gather3A_559 = arith.constant 0 : i32
      %gather3A_560 = arith.constant 4 : i32
      %gather3A_561 = arith.constant 0 : i32
      %gather3A_562 = arith.constant 0 : i32
      %gather3A_563 = tpu.memref_slice %arg6[%gather3A_559, %gather3A_560, %gather3A_561, %gather3A_562] : memref<2x8x32x128xf32, #tpu.memory_space<vmem>> -> memref<1x1x32x128xf32, #tpu.memory_space<vmem>>
      %gather3A_564 = tpu.memref_squeeze %gather3A_563 : memref<1x1x32x128xf32, #tpu.memory_space<vmem>> -> memref<32x128xf32, #tpu.memory_space<vmem>>
      %gather3A_565 = tpu.vector_load_idx %gather3A_564[%iota3A, %broadcast_in_dim3A_558] : memref<32x128xf32, #tpu.memory_space<vmem>>[vector<16xi32>, vector<16xi32>], vector<16xf32>,
      %add3A_566 = arith.constant 16 : i32
      %add3A_567 = vector.broadcast %add3A_566 : i32 to vector<16xi32>
      %add3A_568 = arith.addi %iota3A, %add3A_567 : vector<16xi32>
      %gather3A_569 = arith.constant 0 : i32
      %gather3A_570 = arith.constant 4 : i32
      %gather3A_571 = arith.constant 0 : i32
      %gather3A_572 = arith.constant 0 : i32
      %gather3A_573 = tpu.memref_slice %arg6[%gather3A_569, %gather3A_570, %gather3A_571, %gather3A_572] : memref<2x8x32x128xf32, #tpu.memory_space<vmem>> -> memref<1x1x32x128xf32, #tpu.memory_space<vmem>>
      %gather3A_574 = tpu.memref_squeeze %gather3A_573 : memref<1x1x32x128xf32, #tpu.memory_space<vmem>> -> memref<32x128xf32, #tpu.memory_space<vmem>>
      %gather3A_575 = tpu.vector_load_idx %gather3A_574[%add3A_568, %broadcast_in_dim3A_558] : memref<32x128xf32, #tpu.memory_space<vmem>>[vector<16xi32>, vector<16xi32>], vector<16xf32>,
      %add3A_576 = arith.constant 4 : i32
      %add3A_577 = arith.addi %multiple_of3A_434, %add3A_576 : i32
      %mul3A_578 = arith.constant 32 : i32
      %mul3A_579 = arith.muli %add3A_577, %mul3A_578 : i32
      %multiple_of3A_580 = tpu.assume_multiple %mul3A_579, 32 : i32
      %swap3A_581 = arith.index_cast %multiple_of3A_580 : i32 to index
      %swap3A_582 = tpu.vector_load %arg7[%swap3A_581] {strides = array<i32>} : memref<16384xf32, #tpu.memory_space<vmem>>, vector<16xf32>,
      tpu.vector_store %arg7[%swap3A_581], %gather3A_565 {strides = array<i32>} : memref<16384xf32, #tpu.memory_space<vmem>>, vector<16xf32>,
      %add3A_583 = arith.constant 16 : i32
      %add3A_584 = arith.addi %multiple_of3A_580, %add3A_583 : i32
      %swap3A_585 = arith.index_cast %add3A_584 : i32 to index
      %swap3A_586 = tpu.vector_load %arg7[%swap3A_585] {strides = array<i32>} : memref<16384xf32, #tpu.memory_space<vmem>>, vector<16xf32>,
      tpu.vector_store %arg7[%swap3A_585], %gather3A_575 {strides = array<i32>} : memref<16384xf32, #tpu.memory_space<vmem>>, vector<16xf32>,
      %slice3A_587 = vector.extract_strided_slice %and3A_164 {offsets = [5], sizes = [1], strides = [1]} : vector<16xi32> to vector<1xi32>
      %squeeze3A_588 = vector.extract %slice3A_587[0] : i32 from vector<1xi32>
      %broadcast_in_dim3A_589 = vector.broadcast %squeeze3A_588 : i32 to vector<16xi32>
      %gather3A_590 = arith.constant 0 : i32
      %gather3A_591 = arith.constant 5 : i32
      %gather3A_592 = arith.constant 0 : i32
      %gather3A_593 = arith.constant 0 : i32
      %gather3A_594 = tpu.memref_slice %arg6[%gather3A_590, %gather3A_591, %gather3A_592, %gather3A_593] : memref<2x8x32x128xf32, #tpu.memory_space<vmem>> -> memref<1x1x32x128xf32, #tpu.memory_space<vmem>>
      %gather3A_595 = tpu.memref_squeeze %gather3A_594 : memref<1x1x32x128xf32, #tpu.memory_space<vmem>> -> memref<32x128xf32, #tpu.memory_space<vmem>>
      %gather3A_596 = tpu.vector_load_idx %gather3A_595[%iota3A, %broadcast_in_dim3A_589] : memref<32x128xf32, #tpu.memory_space<vmem>>[vector<16xi32>, vector<16xi32>], vector<16xf32>,
      %add3A_597 = arith.constant 16 : i32
      %add3A_598 = vector.broadcast %add3A_597 : i32 to vector<16xi32>
      %add3A_599 = arith.addi %iota3A, %add3A_598 : vector<16xi32>
      %gather3A_600 = arith.constant 0 : i32
      %gather3A_601 = arith.constant 5 : i32
      %gather3A_602 = arith.constant 0 : i32
      %gather3A_603 = arith.constant 0 : i32
      %gather3A_604 = tpu.memref_slice %arg6[%gather3A_600, %gather3A_601, %gather3A_602, %gather3A_603] : memref<2x8x32x128xf32, #tpu.memory_space<vmem>> -> memref<1x1x32x128xf32, #tpu.memory_space<vmem>>
      %gather3A_605 = tpu.memref_squeeze %gather3A_604 : memref<1x1x32x128xf32, #tpu.memory_space<vmem>> -> memref<32x128xf32, #tpu.memory_space<vmem>>
      %gather3A_606 = tpu.vector_load_idx %gather3A_605[%add3A_599, %broadcast_in_dim3A_589] : memref<32x128xf32, #tpu.memory_space<vmem>>[vector<16xi32>, vector<16xi32>], vector<16xf32>,
      %add3A_607 = arith.constant 5 : i32
      %add3A_608 = arith.addi %multiple_of3A_434, %add3A_607 : i32
      %mul3A_609 = arith.constant 32 : i32
      %mul3A_610 = arith.muli %add3A_608, %mul3A_609 : i32
      %multiple_of3A_611 = tpu.assume_multiple %mul3A_610, 32 : i32
      %swap3A_612 = arith.index_cast %multiple_of3A_611 : i32 to index
      %swap3A_613 = tpu.vector_load %arg7[%swap3A_612] {strides = array<i32>} : memref<16384xf32, #tpu.memory_space<vmem>>, vector<16xf32>,
      tpu.vector_store %arg7[%swap3A_612], %gather3A_596 {strides = array<i32>} : memref<16384xf32, #tpu.memory_space<vmem>>, vector<16xf32>,
      %add3A_614 = arith.constant 16 : i32
      %add3A_615 = arith.addi %multiple_of3A_611, %add3A_614 : i32
      %swap3A_616 = arith.index_cast %add3A_615 : i32 to index
      %swap3A_617 = tpu.vector_load %arg7[%swap3A_616] {strides = array<i32>} : memref<16384xf32, #tpu.memory_space<vmem>>, vector<16xf32>,
      tpu.vector_store %arg7[%swap3A_616], %gather3A_606 {strides = array<i32>} : memref<16384xf32, #tpu.memory_space<vmem>>, vector<16xf32>,
      %slice3A_618 = vector.extract_strided_slice %and3A_164 {offsets = [6], sizes = [1], strides = [1]} : vector<16xi32> to vector<1xi32>
      %squeeze3A_619 = vector.extract %slice3A_618[0] : i32 from vector<1xi32>
      %broadcast_in_dim3A_620 = vector.broadcast %squeeze3A_619 : i32 to vector<16xi32>
      %gather3A_621 = arith.constant 0 : i32
      %gather3A_622 = arith.constant 6 : i32
      %gather3A_623 = arith.constant 0 : i32
      %gather3A_624 = arith.constant 0 : i32
      %gather3A_625 = tpu.memref_slice %arg6[%gather3A_621, %gather3A_622, %gather3A_623, %gather3A_624] : memref<2x8x32x128xf32, #tpu.memory_space<vmem>> -> memref<1x1x32x128xf32, #tpu.memory_space<vmem>>
      %gather3A_626 = tpu.memref_squeeze %gather3A_625 : memref<1x1x32x128xf32, #tpu.memory_space<vmem>> -> memref<32x128xf32, #tpu.memory_space<vmem>>
      %gather3A_627 = tpu.vector_load_idx %gather3A_626[%iota3A, %broadcast_in_dim3A_620] : memref<32x128xf32, #tpu.memory_space<vmem>>[vector<16xi32>, vector<16xi32>], vector<16xf32>,
      %add3A_628 = arith.constant 16 : i32
      %add3A_629 = vector.broadcast %add3A_628 : i32 to vector<16xi32>
      %add3A_630 = arith.addi %iota3A, %add3A_629 : vector<16xi32>
      %gather3A_631 = arith.constant 0 : i32
      %gather3A_632 = arith.constant 6 : i32
      %gather3A_633 = arith.constant 0 : i32
      %gather3A_634 = arith.constant 0 : i32
      %gather3A_635 = tpu.memref_slice %arg6[%gather3A_631, %gather3A_632, %gather3A_633, %gather3A_634] : memref<2x8x32x128xf32, #tpu.memory_space<vmem>> -> memref<1x1x32x128xf32, #tpu.memory_space<vmem>>
      %gather3A_636 = tpu.memref_squeeze %gather3A_635 : memref<1x1x32x128xf32, #tpu.memory_space<vmem>> -> memref<32x128xf32, #tpu.memory_space<vmem>>
      %gather3A_637 = tpu.vector_load_idx %gather3A_636[%add3A_630, %broadcast_in_dim3A_620] : memref<32x128xf32, #tpu.memory_space<vmem>>[vector<16xi32>, vector<16xi32>], vector<16xf32>,
      %add3A_638 = arith.constant 6 : i32
      %add3A_639 = arith.addi %multiple_of3A_434, %add3A_638 : i32
      %mul3A_640 = arith.constant 32 : i32
      %mul3A_641 = arith.muli %add3A_639, %mul3A_640 : i32
      %multiple_of3A_642 = tpu.assume_multiple %mul3A_641, 32 : i32
      %swap3A_643 = arith.index_cast %multiple_of3A_642 : i32 to index
      %swap3A_644 = tpu.vector_load %arg7[%swap3A_643] {strides = array<i32>} : memref<16384xf32, #tpu.memory_space<vmem>>, vector<16xf32>,
      tpu.vector_store %arg7[%swap3A_643], %gather3A_627 {strides = array<i32>} : memref<16384xf32, #tpu.memory_space<vmem>>, vector<16xf32>,
      %add3A_645 = arith.constant 16 : i32
      %add3A_646 = arith.addi %multiple_of3A_642, %add3A_645 : i32
      %swap3A_647 = arith.index_cast %add3A_646 : i32 to index
      %swap3A_648 = tpu.vector_load %arg7[%swap3A_647] {strides = array<i32>} : memref<16384xf32, #tpu.memory_space<vmem>>, vector<16xf32>,
      tpu.vector_store %arg7[%swap3A_647], %gather3A_637 {strides = array<i32>} : memref<16384xf32, #tpu.memory_space<vmem>>, vector<16xf32>,
      %slice3A_649 = vector.extract_strided_slice %and3A_164 {offsets = [7], sizes = [1], strides = [1]} : vector<16xi32> to vector<1xi32>
      %squeeze3A_650 = vector.extract %slice3A_649[0] : i32 from vector<1xi32>
      %broadcast_in_dim3A_651 = vector.broadcast %squeeze3A_650 : i32 to vector<16xi32>
      %gather3A_652 = arith.constant 0 : i32
      %gather3A_653 = arith.constant 7 : i32
      %gather3A_654 = arith.constant 0 : i32
      %gather3A_655 = arith.constant 0 : i32
      %gather3A_656 = tpu.memref_slice %arg6[%gather3A_652, %gather3A_653, %gather3A_654, %gather3A_655] : memref<2x8x32x128xf32, #tpu.memory_space<vmem>> -> memref<1x1x32x128xf32, #tpu.memory_space<vmem>>
      %gather3A_657 = tpu.memref_squeeze %gather3A_656 : memref<1x1x32x128xf32, #tpu.memory_space<vmem>> -> memref<32x128xf32, #tpu.memory_space<vmem>>
      %gather3A_658 = tpu.vector_load_idx %gather3A_657[%iota3A, %broadcast_in_dim3A_651] : memref<32x128xf32, #tpu.memory_space<vmem>>[vector<16xi32>, vector<16xi32>], vector<16xf32>,
      %add3A_659 = arith.constant 16 : i32
      %add3A_660 = vector.broadcast %add3A_659 : i32 to vector<16xi32>
      %add3A_661 = arith.addi %iota3A, %add3A_660 : vector<16xi32>
      %gather3A_662 = arith.constant 0 : i32
      %gather3A_663 = arith.constant 7 : i32
      %gather3A_664 = arith.constant 0 : i32
      %gather3A_665 = arith.constant 0 : i32
      %gather3A_666 = tpu.memref_slice %arg6[%gather3A_662, %gather3A_663, %gather3A_664, %gather3A_665] : memref<2x8x32x128xf32, #tpu.memory_space<vmem>> -> memref<1x1x32x128xf32, #tpu.memory_space<vmem>>
      %gather3A_667 = tpu.memref_squeeze %gather3A_666 : memref<1x1x32x128xf32, #tpu.memory_space<vmem>> -> memref<32x128xf32, #tpu.memory_space<vmem>>
      %gather3A_668 = tpu.vector_load_idx %gather3A_667[%add3A_661, %broadcast_in_dim3A_651] : memref<32x128xf32, #tpu.memory_space<vmem>>[vector<16xi32>, vector<16xi32>], vector<16xf32>,
      %add3A_669 = arith.constant 7 : i32
      %add3A_670 = arith.addi %multiple_of3A_434, %add3A_669 : i32
      %mul3A_671 = arith.constant 32 : i32
      %mul3A_672 = arith.muli %add3A_670, %mul3A_671 : i32
      %multiple_of3A_673 = tpu.assume_multiple %mul3A_672, 32 : i32
      %swap3A_674 = arith.index_cast %multiple_of3A_673 : i32 to index
      %swap3A_675 = tpu.vector_load %arg7[%swap3A_674] {strides = array<i32>} : memref<16384xf32, #tpu.memory_space<vmem>>, vector<16xf32>,
      tpu.vector_store %arg7[%swap3A_674], %gather3A_658 {strides = array<i32>} : memref<16384xf32, #tpu.memory_space<vmem>>, vector<16xf32>,
      %add3A_676 = arith.constant 16 : i32
      %add3A_677 = arith.addi %multiple_of3A_673, %add3A_676 : i32
      %swap3A_678 = arith.index_cast %add3A_677 : i32 to index
      %swap3A_679 = tpu.vector_load %arg7[%swap3A_678] {strides = array<i32>} : memref<16384xf32, #tpu.memory_space<vmem>>, vector<16xf32>,
      tpu.vector_store %arg7[%swap3A_678], %gather3A_668 {strides = array<i32>} : memref<16384xf32, #tpu.memory_space<vmem>>, vector<16xf32>,
      %add3A_680 = arith.constant 1 : i32
      %add3A_681 = arith.addi %scan3A_149, %add3A_680 : i32
      %lt3A = arith.constant 32 : i32
      %lt3A_682 = arith.cmpi slt, %add3A_681, %lt3A : i32
      %convert_element_type3A = arith.extui %lt3A_682 : i1 to i32
      %cond3A = arith.constant 0 : i32
      %cond3A_683 = arith.cmpi ne, %convert_element_type3A, %cond3A : i32
      scf.if %cond3A_683 {
        %add3A_1067 = arith.constant 1 : i32
        %add3A_1068 = arith.addi %scan3A_149, %add3A_1067 : i32
        %mul3A_1069 = arith.constant 2 : i32
        %mul3A_1070 = arith.muli %add3A_1068, %mul3A_1069 : i32
        %mul3A_1071 = arith.constant 8 : i32
        %mul3A_1072 = arith.muli %mul3A_1070, %mul3A_1071 : i32
        %multiple_of3A_1073 = tpu.assume_multiple %mul3A_1072, 16 : i32
        %get3A_1074 = arith.index_cast %multiple_of3A_1073 : i32 to index
        %get3A_1075 = tpu.vector_load %arg5[%get3A_1074] {strides = array<i32>} : memref<512xi32, #tpu.memory_space<vmem>>, vector<16xi32>,
        %shift_right_arithmetic3A_1076 = arith.constant 7 : i32
        %shift_right_arithmetic3A_1077 = vector.broadcast %shift_right_arithmetic3A_1076 : i32 to vector<16xi32>
        %shift_right_arithmetic3A_1078 = arith.shrsi %get3A_1075, %shift_right_arithmetic3A_1077 : vector<16xi32>
        %shift_left3A_1079 = arith.constant 7 : i32
        %shift_left3A_1080 = vector.broadcast %shift_left3A_1079 : i32 to vector<16xi32>
        %shift_left3A_1081 = arith.shli %shift_right_arithmetic3A_1078, %shift_left3A_1080 : vector<16xi32>
        %slice3A_1082 = vector.extract_strided_slice %shift_left3A_1081 {offsets = [0], sizes = [1], strides = [1]} : vector<16xi32> to vector<1xi32>
        %squeeze3A_1083 = vector.extract %slice3A_1082[0] : i32 from vector<1xi32>
        %multiple_of3A_1084 = tpu.assume_multiple %squeeze3A_1083, 128 : i32
        %dma_start3A_1085 = arith.constant 0 : i32
        %dma_start3A_1086 = arith.constant 0 : i32
        %dma_start3A_1087 = arith.constant 0 : i32
        %dma_start3A_1088 = arith.constant 0 : i32
        %dma_start3A_1089 = tpu.memref_slice %arg6[%dma_start3A_1085, %dma_start3A_1086, %dma_start3A_1087, %dma_start3A_1088] : memref<2x8x32x128xf32, #tpu.memory_space<vmem>> -> memref<1x1x32x128xf32, #tpu.memory_space<vmem>>
        %dma_start3A_1090 = tpu.memref_squeeze %dma_start3A_1089 : memref<1x1x32x128xf32, #tpu.memory_space<vmem>> -> memref<32x128xf32, #tpu.memory_space<vmem>>
        %dma_start3A_1091 = arith.constant 0 : i32
        %dma_start3A_1092 = tpu.memref_slice %arg3[%dma_start3A_1091, %multiple_of3A_1084] : memref<32x1000000xf32, #tpu.memory_space<hbm>> -> memref<32x128xf32, #tpu.memory_space<hbm>>
        %dma_start3A_1093 = arith.constant 0 : i32
        %dma_start3A_1094 = arith.constant 0 : i32
        %dma_start3A_1095 = tpu.memref_slice %arg6[%dma_start3A_1085, %dma_start3A_1086, %dma_start3A_1093, %dma_start3A_1094] : memref<2x8x32x128xf32, #tpu.memory_space<vmem>> -> memref<1x1x32x128xf32, #tpu.memory_space<vmem>>
        %dma_start3A_1096 = tpu.memref_squeeze %dma_start3A_1095 : memref<1x1x32x128xf32, #tpu.memory_space<vmem>> -> memref<32x128xf32, #tpu.memory_space<vmem>>
        %dma_start3A_1097 = arith.constant 0 : i32
        %dma_start3A_1098 = tpu.memref_slice %arg3[%dma_start3A_1097, %multiple_of3A_1084] : memref<32x1000000xf32, #tpu.memory_space<hbm>> -> memref<32x128xf32, #tpu.memory_space<hbm>>
        tpu.enqueue_dma source(%dma_start3A_1098 : memref<32x128xf32, #tpu.memory_space<hbm>>) target(%dma_start3A_1096 : memref<32x128xf32, #tpu.memory_space<vmem>>) target_semaphore(%arg8 : memref<!tpu.dma_semaphore, #tpu.memory_space<semaphore_mem>>)
        %slice3A_1099 = vector.extract_strided_slice %shift_left3A_1081 {offsets = [1], sizes = [1], strides = [1]} : vector<16xi32> to vector<1xi32>
        %squeeze3A_1100 = vector.extract %slice3A_1099[0] : i32 from vector<1xi32>
        %multiple_of3A_1101 = tpu.assume_multiple %squeeze3A_1100, 128 : i32
        %dma_start3A_1102 = arith.constant 0 : i32
        %dma_start3A_1103 = arith.constant 1 : i32
        %dma_start3A_1104 = arith.constant 0 : i32
        %dma_start3A_1105 = arith.constant 0 : i32
        %dma_start3A_1106 = tpu.memref_slice %arg6[%dma_start3A_1102, %dma_start3A_1103, %dma_start3A_1104, %dma_start3A_1105] : memref<2x8x32x128xf32, #tpu.memory_space<vmem>> -> memref<1x1x32x128xf32, #tpu.memory_space<vmem>>
        %dma_start3A_1107 = tpu.memref_squeeze %dma_start3A_1106 : memref<1x1x32x128xf32, #tpu.memory_space<vmem>> -> memref<32x128xf32, #tpu.memory_space<vmem>>
        %dma_start3A_1108 = arith.constant 0 : i32
        %dma_start3A_1109 = tpu.memref_slice %arg3[%dma_start3A_1108, %multiple_of3A_1101] : memref<32x1000000xf32, #tpu.memory_space<hbm>> -> memref<32x128xf32, #tpu.memory_space<hbm>>
        %dma_start3A_1110 = arith.constant 0 : i32
        %dma_start3A_1111 = arith.constant 0 : i32
        %dma_start3A_1112 = tpu.memref_slice %arg6[%dma_start3A_1102, %dma_start3A_1103, %dma_start3A_1110, %dma_start3A_1111] : memref<2x8x32x128xf32, #tpu.memory_space<vmem>> -> memref<1x1x32x128xf32, #tpu.memory_space<vmem>>
        %dma_start3A_1113 = tpu.memref_squeeze %dma_start3A_1112 : memref<1x1x32x128xf32, #tpu.memory_space<vmem>> -> memref<32x128xf32, #tpu.memory_space<vmem>>
        %dma_start3A_1114 = arith.constant 0 : i32
        %dma_start3A_1115 = tpu.memref_slice %arg3[%dma_start3A_1114, %multiple_of3A_1101] : memref<32x1000000xf32, #tpu.memory_space<hbm>> -> memref<32x128xf32, #tpu.memory_space<hbm>>
        tpu.enqueue_dma source(%dma_start3A_1115 : memref<32x128xf32, #tpu.memory_space<hbm>>) target(%dma_start3A_1113 : memref<32x128xf32, #tpu.memory_space<vmem>>) target_semaphore(%arg8 : memref<!tpu.dma_semaphore, #tpu.memory_space<semaphore_mem>>)
        %slice3A_1116 = vector.extract_strided_slice %shift_left3A_1081 {offsets = [2], sizes = [1], strides = [1]} : vector<16xi32> to vector<1xi32>
        %squeeze3A_1117 = vector.extract %slice3A_1116[0] : i32 from vector<1xi32>
        %multiple_of3A_1118 = tpu.assume_multiple %squeeze3A_1117, 128 : i32
        %dma_start3A_1119 = arith.constant 0 : i32
        %dma_start3A_1120 = arith.constant 2 : i32
        %dma_start3A_1121 = arith.constant 0 : i32
        %dma_start3A_1122 = arith.constant 0 : i32
        %dma_start3A_1123 = tpu.memref_slice %arg6[%dma_start3A_1119, %dma_start3A_1120, %dma_start3A_1121, %dma_start3A_1122] : memref<2x8x32x128xf32, #tpu.memory_space<vmem>> -> memref<1x1x32x128xf32, #tpu.memory_space<vmem>>
        %dma_start3A_1124 = tpu.memref_squeeze %dma_start3A_1123 : memref<1x1x32x128xf32, #tpu.memory_space<vmem>> -> memref<32x128xf32, #tpu.memory_space<vmem>>
        %dma_start3A_1125 = arith.constant 0 : i32
        %dma_start3A_1126 = tpu.memref_slice %arg3[%dma_start3A_1125, %multiple_of3A_1118] : memref<32x1000000xf32, #tpu.memory_space<hbm>> -> memref<32x128xf32, #tpu.memory_space<hbm>>
        %dma_start3A_1127 = arith.constant 0 : i32
        %dma_start3A_1128 = arith.constant 0 : i32
        %dma_start3A_1129 = tpu.memref_slice %arg6[%dma_start3A_1119, %dma_start3A_1120, %dma_start3A_1127, %dma_start3A_1128] : memref<2x8x32x128xf32, #tpu.memory_space<vmem>> -> memref<1x1x32x128xf32, #tpu.memory_space<vmem>>
        %dma_start3A_1130 = tpu.memref_squeeze %dma_start3A_1129 : memref<1x1x32x128xf32, #tpu.memory_space<vmem>> -> memref<32x128xf32, #tpu.memory_space<vmem>>
        %dma_start3A_1131 = arith.constant 0 : i32
        %dma_start3A_1132 = tpu.memref_slice %arg3[%dma_start3A_1131, %multiple_of3A_1118] : memref<32x1000000xf32, #tpu.memory_space<hbm>> -> memref<32x128xf32, #tpu.memory_space<hbm>>
        tpu.enqueue_dma source(%dma_start3A_1132 : memref<32x128xf32, #tpu.memory_space<hbm>>) target(%dma_start3A_1130 : memref<32x128xf32, #tpu.memory_space<vmem>>) target_semaphore(%arg8 : memref<!tpu.dma_semaphore, #tpu.memory_space<semaphore_mem>>)
        %slice3A_1133 = vector.extract_strided_slice %shift_left3A_1081 {offsets = [3], sizes = [1], strides = [1]} : vector<16xi32> to vector<1xi32>
        %squeeze3A_1134 = vector.extract %slice3A_1133[0] : i32 from vector<1xi32>
        %multiple_of3A_1135 = tpu.assume_multiple %squeeze3A_1134, 128 : i32
        %dma_start3A_1136 = arith.constant 0 : i32
        %dma_start3A_1137 = arith.constant 3 : i32
        %dma_start3A_1138 = arith.constant 0 : i32
        %dma_start3A_1139 = arith.constant 0 : i32
        %dma_start3A_1140 = tpu.memref_slice %arg6[%dma_start3A_1136, %dma_start3A_1137, %dma_start3A_1138, %dma_start3A_1139] : memref<2x8x32x128xf32, #tpu.memory_space<vmem>> -> memref<1x1x32x128xf32, #tpu.memory_space<vmem>>
        %dma_start3A_1141 = tpu.memref_squeeze %dma_start3A_1140 : memref<1x1x32x128xf32, #tpu.memory_space<vmem>> -> memref<32x128xf32, #tpu.memory_space<vmem>>
        %dma_start3A_1142 = arith.constant 0 : i32
        %dma_start3A_1143 = tpu.memref_slice %arg3[%dma_start3A_1142, %multiple_of3A_1135] : memref<32x1000000xf32, #tpu.memory_space<hbm>> -> memref<32x128xf32, #tpu.memory_space<hbm>>
        %dma_start3A_1144 = arith.constant 0 : i32
        %dma_start3A_1145 = arith.constant 0 : i32
        %dma_start3A_1146 = tpu.memref_slice %arg6[%dma_start3A_1136, %dma_start3A_1137, %dma_start3A_1144, %dma_start3A_1145] : memref<2x8x32x128xf32, #tpu.memory_space<vmem>> -> memref<1x1x32x128xf32, #tpu.memory_space<vmem>>
        %dma_start3A_1147 = tpu.memref_squeeze %dma_start3A_1146 : memref<1x1x32x128xf32, #tpu.memory_space<vmem>> -> memref<32x128xf32, #tpu.memory_space<vmem>>
        %dma_start3A_1148 = arith.constant 0 : i32
        %dma_start3A_1149 = tpu.memref_slice %arg3[%dma_start3A_1148, %multiple_of3A_1135] : memref<32x1000000xf32, #tpu.memory_space<hbm>> -> memref<32x128xf32, #tpu.memory_space<hbm>>
        tpu.enqueue_dma source(%dma_start3A_1149 : memref<32x128xf32, #tpu.memory_space<hbm>>) target(%dma_start3A_1147 : memref<32x128xf32, #tpu.memory_space<vmem>>) target_semaphore(%arg8 : memref<!tpu.dma_semaphore, #tpu.memory_space<semaphore_mem>>)
        %slice3A_1150 = vector.extract_strided_slice %shift_left3A_1081 {offsets = [4], sizes = [1], strides = [1]} : vector<16xi32> to vector<1xi32>
        %squeeze3A_1151 = vector.extract %slice3A_1150[0] : i32 from vector<1xi32>
        %multiple_of3A_1152 = tpu.assume_multiple %squeeze3A_1151, 128 : i32
        %dma_start3A_1153 = arith.constant 0 : i32
        %dma_start3A_1154 = arith.constant 4 : i32
        %dma_start3A_1155 = arith.constant 0 : i32
        %dma_start3A_1156 = arith.constant 0 : i32
        %dma_start3A_1157 = tpu.memref_slice %arg6[%dma_start3A_1153, %dma_start3A_1154, %dma_start3A_1155, %dma_start3A_1156] : memref<2x8x32x128xf32, #tpu.memory_space<vmem>> -> memref<1x1x32x128xf32, #tpu.memory_space<vmem>>
        %dma_start3A_1158 = tpu.memref_squeeze %dma_start3A_1157 : memref<1x1x32x128xf32, #tpu.memory_space<vmem>> -> memref<32x128xf32, #tpu.memory_space<vmem>>
        %dma_start3A_1159 = arith.constant 0 : i32
        %dma_start3A_1160 = tpu.memref_slice %arg3[%dma_start3A_1159, %multiple_of3A_1152] : memref<32x1000000xf32, #tpu.memory_space<hbm>> -> memref<32x128xf32, #tpu.memory_space<hbm>>
        %dma_start3A_1161 = arith.constant 0 : i32
        %dma_start3A_1162 = arith.constant 0 : i32
        %dma_start3A_1163 = tpu.memref_slice %arg6[%dma_start3A_1153, %dma_start3A_1154, %dma_start3A_1161, %dma_start3A_1162] : memref<2x8x32x128xf32, #tpu.memory_space<vmem>> -> memref<1x1x32x128xf32, #tpu.memory_space<vmem>>
        %dma_start3A_1164 = tpu.memref_squeeze %dma_start3A_1163 : memref<1x1x32x128xf32, #tpu.memory_space<vmem>> -> memref<32x128xf32, #tpu.memory_space<vmem>>
        %dma_start3A_1165 = arith.constant 0 : i32
        %dma_start3A_1166 = tpu.memref_slice %arg3[%dma_start3A_1165, %multiple_of3A_1152] : memref<32x1000000xf32, #tpu.memory_space<hbm>> -> memref<32x128xf32, #tpu.memory_space<hbm>>
        tpu.enqueue_dma source(%dma_start3A_1166 : memref<32x128xf32, #tpu.memory_space<hbm>>) target(%dma_start3A_1164 : memref<32x128xf32, #tpu.memory_space<vmem>>) target_semaphore(%arg8 : memref<!tpu.dma_semaphore, #tpu.memory_space<semaphore_mem>>)
        %slice3A_1167 = vector.extract_strided_slice %shift_left3A_1081 {offsets = [5], sizes = [1], strides = [1]} : vector<16xi32> to vector<1xi32>
        %squeeze3A_1168 = vector.extract %slice3A_1167[0] : i32 from vector<1xi32>
        %multiple_of3A_1169 = tpu.assume_multiple %squeeze3A_1168, 128 : i32
        %dma_start3A_1170 = arith.constant 0 : i32
        %dma_start3A_1171 = arith.constant 5 : i32
        %dma_start3A_1172 = arith.constant 0 : i32
        %dma_start3A_1173 = arith.constant 0 : i32
        %dma_start3A_1174 = tpu.memref_slice %arg6[%dma_start3A_1170, %dma_start3A_1171, %dma_start3A_1172, %dma_start3A_1173] : memref<2x8x32x128xf32, #tpu.memory_space<vmem>> -> memref<1x1x32x128xf32, #tpu.memory_space<vmem>>
        %dma_start3A_1175 = tpu.memref_squeeze %dma_start3A_1174 : memref<1x1x32x128xf32, #tpu.memory_space<vmem>> -> memref<32x128xf32, #tpu.memory_space<vmem>>
        %dma_start3A_1176 = arith.constant 0 : i32
        %dma_start3A_1177 = tpu.memref_slice %arg3[%dma_start3A_1176, %multiple_of3A_1169] : memref<32x1000000xf32, #tpu.memory_space<hbm>> -> memref<32x128xf32, #tpu.memory_space<hbm>>
        %dma_start3A_1178 = arith.constant 0 : i32
        %dma_start3A_1179 = arith.constant 0 : i32
        %dma_start3A_1180 = tpu.memref_slice %arg6[%dma_start3A_1170, %dma_start3A_1171, %dma_start3A_1178, %dma_start3A_1179] : memref<2x8x32x128xf32, #tpu.memory_space<vmem>> -> memref<1x1x32x128xf32, #tpu.memory_space<vmem>>
        %dma_start3A_1181 = tpu.memref_squeeze %dma_start3A_1180 : memref<1x1x32x128xf32, #tpu.memory_space<vmem>> -> memref<32x128xf32, #tpu.memory_space<vmem>>
        %dma_start3A_1182 = arith.constant 0 : i32
        %dma_start3A_1183 = tpu.memref_slice %arg3[%dma_start3A_1182, %multiple_of3A_1169] : memref<32x1000000xf32, #tpu.memory_space<hbm>> -> memref<32x128xf32, #tpu.memory_space<hbm>>
        tpu.enqueue_dma source(%dma_start3A_1183 : memref<32x128xf32, #tpu.memory_space<hbm>>) target(%dma_start3A_1181 : memref<32x128xf32, #tpu.memory_space<vmem>>) target_semaphore(%arg8 : memref<!tpu.dma_semaphore, #tpu.memory_space<semaphore_mem>>)
        %slice3A_1184 = vector.extract_strided_slice %shift_left3A_1081 {offsets = [6], sizes = [1], strides = [1]} : vector<16xi32> to vector<1xi32>
        %squeeze3A_1185 = vector.extract %slice3A_1184[0] : i32 from vector<1xi32>
        %multiple_of3A_1186 = tpu.assume_multiple %squeeze3A_1185, 128 : i32
        %dma_start3A_1187 = arith.constant 0 : i32
        %dma_start3A_1188 = arith.constant 6 : i32
        %dma_start3A_1189 = arith.constant 0 : i32
        %dma_start3A_1190 = arith.constant 0 : i32
        %dma_start3A_1191 = tpu.memref_slice %arg6[%dma_start3A_1187, %dma_start3A_1188, %dma_start3A_1189, %dma_start3A_1190] : memref<2x8x32x128xf32, #tpu.memory_space<vmem>> -> memref<1x1x32x128xf32, #tpu.memory_space<vmem>>
        %dma_start3A_1192 = tpu.memref_squeeze %dma_start3A_1191 : memref<1x1x32x128xf32, #tpu.memory_space<vmem>> -> memref<32x128xf32, #tpu.memory_space<vmem>>
        %dma_start3A_1193 = arith.constant 0 : i32
        %dma_start3A_1194 = tpu.memref_slice %arg3[%dma_start3A_1193, %multiple_of3A_1186] : memref<32x1000000xf32, #tpu.memory_space<hbm>> -> memref<32x128xf32, #tpu.memory_space<hbm>>
        %dma_start3A_1195 = arith.constant 0 : i32
        %dma_start3A_1196 = arith.constant 0 : i32
        %dma_start3A_1197 = tpu.memref_slice %arg6[%dma_start3A_1187, %dma_start3A_1188, %dma_start3A_1195, %dma_start3A_1196] : memref<2x8x32x128xf32, #tpu.memory_space<vmem>> -> memref<1x1x32x128xf32, #tpu.memory_space<vmem>>
        %dma_start3A_1198 = tpu.memref_squeeze %dma_start3A_1197 : memref<1x1x32x128xf32, #tpu.memory_space<vmem>> -> memref<32x128xf32, #tpu.memory_space<vmem>>
        %dma_start3A_1199 = arith.constant 0 : i32
        %dma_start3A_1200 = tpu.memref_slice %arg3[%dma_start3A_1199, %multiple_of3A_1186] : memref<32x1000000xf32, #tpu.memory_space<hbm>> -> memref<32x128xf32, #tpu.memory_space<hbm>>
        tpu.enqueue_dma source(%dma_start3A_1200 : memref<32x128xf32, #tpu.memory_space<hbm>>) target(%dma_start3A_1198 : memref<32x128xf32, #tpu.memory_space<vmem>>) target_semaphore(%arg8 : memref<!tpu.dma_semaphore, #tpu.memory_space<semaphore_mem>>)
        %slice3A_1201 = vector.extract_strided_slice %shift_left3A_1081 {offsets = [7], sizes = [1], strides = [1]} : vector<16xi32> to vector<1xi32>
        %squeeze3A_1202 = vector.extract %slice3A_1201[0] : i32 from vector<1xi32>
        %multiple_of3A_1203 = tpu.assume_multiple %squeeze3A_1202, 128 : i32
        %dma_start3A_1204 = arith.constant 0 : i32
        %dma_start3A_1205 = arith.constant 7 : i32
        %dma_start3A_1206 = arith.constant 0 : i32
        %dma_start3A_1207 = arith.constant 0 : i32
        %dma_start3A_1208 = tpu.memref_slice %arg6[%dma_start3A_1204, %dma_start3A_1205, %dma_start3A_1206, %dma_start3A_1207] : memref<2x8x32x128xf32, #tpu.memory_space<vmem>> -> memref<1x1x32x128xf32, #tpu.memory_space<vmem>>
        %dma_start3A_1209 = tpu.memref_squeeze %dma_start3A_1208 : memref<1x1x32x128xf32, #tpu.memory_space<vmem>> -> memref<32x128xf32, #tpu.memory_space<vmem>>
        %dma_start3A_1210 = arith.constant 0 : i32
        %dma_start3A_1211 = tpu.memref_slice %arg3[%dma_start3A_1210, %multiple_of3A_1203] : memref<32x1000000xf32, #tpu.memory_space<hbm>> -> memref<32x128xf32, #tpu.memory_space<hbm>>
        %dma_start3A_1212 = arith.constant 0 : i32
        %dma_start3A_1213 = arith.constant 0 : i32
        %dma_start3A_1214 = tpu.memref_slice %arg6[%dma_start3A_1204, %dma_start3A_1205, %dma_start3A_1212, %dma_start3A_1213] : memref<2x8x32x128xf32, #tpu.memory_space<vmem>> -> memref<1x1x32x128xf32, #tpu.memory_space<vmem>>
        %dma_start3A_1215 = tpu.memref_squeeze %dma_start3A_1214 : memref<1x1x32x128xf32, #tpu.memory_space<vmem>> -> memref<32x128xf32, #tpu.memory_space<vmem>>
        %dma_start3A_1216 = arith.constant 0 : i32
        %dma_start3A_1217 = tpu.memref_slice %arg3[%dma_start3A_1216, %multiple_of3A_1203] : memref<32x1000000xf32, #tpu.memory_space<hbm>> -> memref<32x128xf32, #tpu.memory_space<hbm>>
        tpu.enqueue_dma source(%dma_start3A_1217 : memref<32x128xf32, #tpu.memory_space<hbm>>) target(%dma_start3A_1215 : memref<32x128xf32, #tpu.memory_space<vmem>>) target_semaphore(%arg8 : memref<!tpu.dma_semaphore, #tpu.memory_space<semaphore_mem>>)
      } else {
      }
      %dma_wait3A_684 = arith.constant 1 : i32
      %dma_wait3A_685 = arith.constant 0 : i32
      %dma_wait3A_686 = arith.constant 0 : i32
      %dma_wait3A_687 = arith.constant 0 : i32
      %dma_wait3A_688 = tpu.memref_slice %arg6[%dma_wait3A_684, %dma_wait3A_685, %dma_wait3A_686, %dma_wait3A_687] : memref<2x8x32x128xf32, #tpu.memory_space<vmem>> -> memref<1x1x32x128xf32, #tpu.memory_space<vmem>>
      %dma_wait3A_689 = tpu.memref_squeeze %dma_wait3A_688 : memref<1x1x32x128xf32, #tpu.memory_space<vmem>> -> memref<32x128xf32, #tpu.memory_space<vmem>>
      %dma_wait3A_690 = arith.constant 0 : i32
      %dma_wait3A_691 = arith.constant 0 : i32
      %dma_wait3A_692 = tpu.memref_slice %arg3[%dma_wait3A_690, %dma_wait3A_691] : memref<32x1000000xf32, #tpu.memory_space<hbm>> -> memref<32x128xf32, #tpu.memory_space<hbm>>
      %dma_wait3A_693 = arith.constant 0 : i32
      %dma_wait3A_694 = arith.constant 0 : i32
      %dma_wait3A_695 = tpu.memref_slice %arg6[%dma_wait3A_684, %dma_wait3A_685, %dma_wait3A_693, %dma_wait3A_694] : memref<2x8x32x128xf32, #tpu.memory_space<vmem>> -> memref<1x1x32x128xf32, #tpu.memory_space<vmem>>
      %dma_wait3A_696 = tpu.memref_squeeze %dma_wait3A_695 : memref<1x1x32x128xf32, #tpu.memory_space<vmem>> -> memref<32x128xf32, #tpu.memory_space<vmem>>
      %dma_wait3A_697 = arith.constant 0 : i32
      %dma_wait3A_698 = arith.constant 0 : i32
      %dma_wait3A_699 = tpu.memref_slice %arg3[%dma_wait3A_697, %dma_wait3A_698] : memref<32x1000000xf32, #tpu.memory_space<hbm>> -> memref<32x128xf32, #tpu.memory_space<hbm>>
      tpu.wait_dma2 semaphore(%arg9 : memref<!tpu.dma_semaphore, #tpu.memory_space<semaphore_mem>>) src(%dma_wait3A_699 : memref<32x128xf32, #tpu.memory_space<hbm>>) dst(%dma_wait3A_696 : memref<32x128xf32, #tpu.memory_space<vmem>>)
      %dma_wait3A_700 = arith.constant 1 : i32
      %dma_wait3A_701 = arith.constant 1 : i32
      %dma_wait3A_702 = arith.constant 0 : i32
      %dma_wait3A_703 = arith.constant 0 : i32
      %dma_wait3A_704 = tpu.memref_slice %arg6[%dma_wait3A_700, %dma_wait3A_701, %dma_wait3A_702, %dma_wait3A_703] : memref<2x8x32x128xf32, #tpu.memory_space<vmem>> -> memref<1x1x32x128xf32, #tpu.memory_space<vmem>>
      %dma_wait3A_705 = tpu.memref_squeeze %dma_wait3A_704 : memref<1x1x32x128xf32, #tpu.memory_space<vmem>> -> memref<32x128xf32, #tpu.memory_space<vmem>>
      %dma_wait3A_706 = arith.constant 0 : i32
      %dma_wait3A_707 = arith.constant 0 : i32
      %dma_wait3A_708 = tpu.memref_slice %arg3[%dma_wait3A_706, %dma_wait3A_707] : memref<32x1000000xf32, #tpu.memory_space<hbm>> -> memref<32x128xf32, #tpu.memory_space<hbm>>
      %dma_wait3A_709 = arith.constant 0 : i32
      %dma_wait3A_710 = arith.constant 0 : i32
      %dma_wait3A_711 = tpu.memref_slice %arg6[%dma_wait3A_700, %dma_wait3A_701, %dma_wait3A_709, %dma_wait3A_710] : memref<2x8x32x128xf32, #tpu.memory_space<vmem>> -> memref<1x1x32x128xf32, #tpu.memory_space<vmem>>
      %dma_wait3A_712 = tpu.memref_squeeze %dma_wait3A_711 : memref<1x1x32x128xf32, #tpu.memory_space<vmem>> -> memref<32x128xf32, #tpu.memory_space<vmem>>
      %dma_wait3A_713 = arith.constant 0 : i32
      %dma_wait3A_714 = arith.constant 0 : i32
      %dma_wait3A_715 = tpu.memref_slice %arg3[%dma_wait3A_713, %dma_wait3A_714] : memref<32x1000000xf32, #tpu.memory_space<hbm>> -> memref<32x128xf32, #tpu.memory_space<hbm>>
      tpu.wait_dma2 semaphore(%arg9 : memref<!tpu.dma_semaphore, #tpu.memory_space<semaphore_mem>>) src(%dma_wait3A_715 : memref<32x128xf32, #tpu.memory_space<hbm>>) dst(%dma_wait3A_712 : memref<32x128xf32, #tpu.memory_space<vmem>>)
      %dma_wait3A_716 = arith.constant 1 : i32
      %dma_wait3A_717 = arith.constant 2 : i32
      %dma_wait3A_718 = arith.constant 0 : i32
      %dma_wait3A_719 = arith.constant 0 : i32
      %dma_wait3A_720 = tpu.memref_slice %arg6[%dma_wait3A_716, %dma_wait3A_717, %dma_wait3A_718, %dma_wait3A_719] : memref<2x8x32x128xf32, #tpu.memory_space<vmem>> -> memref<1x1x32x128xf32, #tpu.memory_space<vmem>>
      %dma_wait3A_721 = tpu.memref_squeeze %dma_wait3A_720 : memref<1x1x32x128xf32, #tpu.memory_space<vmem>> -> memref<32x128xf32, #tpu.memory_space<vmem>>
      %dma_wait3A_722 = arith.constant 0 : i32
      %dma_wait3A_723 = arith.constant 0 : i32
      %dma_wait3A_724 = tpu.memref_slice %arg3[%dma_wait3A_722, %dma_wait3A_723] : memref<32x1000000xf32, #tpu.memory_space<hbm>> -> memref<32x128xf32, #tpu.memory_space<hbm>>
      %dma_wait3A_725 = arith.constant 0 : i32
      %dma_wait3A_726 = arith.constant 0 : i32
      %dma_wait3A_727 = tpu.memref_slice %arg6[%dma_wait3A_716, %dma_wait3A_717, %dma_wait3A_725, %dma_wait3A_726] : memref<2x8x32x128xf32, #tpu.memory_space<vmem>> -> memref<1x1x32x128xf32, #tpu.memory_space<vmem>>
      %dma_wait3A_728 = tpu.memref_squeeze %dma_wait3A_727 : memref<1x1x32x128xf32, #tpu.memory_space<vmem>> -> memref<32x128xf32, #tpu.memory_space<vmem>>
      %dma_wait3A_729 = arith.constant 0 : i32
      %dma_wait3A_730 = arith.constant 0 : i32
      %dma_wait3A_731 = tpu.memref_slice %arg3[%dma_wait3A_729, %dma_wait3A_730] : memref<32x1000000xf32, #tpu.memory_space<hbm>> -> memref<32x128xf32, #tpu.memory_space<hbm>>
      tpu.wait_dma2 semaphore(%arg9 : memref<!tpu.dma_semaphore, #tpu.memory_space<semaphore_mem>>) src(%dma_wait3A_731 : memref<32x128xf32, #tpu.memory_space<hbm>>) dst(%dma_wait3A_728 : memref<32x128xf32, #tpu.memory_space<vmem>>)
      %dma_wait3A_732 = arith.constant 1 : i32
      %dma_wait3A_733 = arith.constant 3 : i32
      %dma_wait3A_734 = arith.constant 0 : i32
      %dma_wait3A_735 = arith.constant 0 : i32
      %dma_wait3A_736 = tpu.memref_slice %arg6[%dma_wait3A_732, %dma_wait3A_733, %dma_wait3A_734, %dma_wait3A_735] : memref<2x8x32x128xf32, #tpu.memory_space<vmem>> -> memref<1x1x32x128xf32, #tpu.memory_space<vmem>>
      %dma_wait3A_737 = tpu.memref_squeeze %dma_wait3A_736 : memref<1x1x32x128xf32, #tpu.memory_space<vmem>> -> memref<32x128xf32, #tpu.memory_space<vmem>>
      %dma_wait3A_738 = arith.constant 0 : i32
      %dma_wait3A_739 = arith.constant 0 : i32
      %dma_wait3A_740 = tpu.memref_slice %arg3[%dma_wait3A_738, %dma_wait3A_739] : memref<32x1000000xf32, #tpu.memory_space<hbm>> -> memref<32x128xf32, #tpu.memory_space<hbm>>
      %dma_wait3A_741 = arith.constant 0 : i32
      %dma_wait3A_742 = arith.constant 0 : i32
      %dma_wait3A_743 = tpu.memref_slice %arg6[%dma_wait3A_732, %dma_wait3A_733, %dma_wait3A_741, %dma_wait3A_742] : memref<2x8x32x128xf32, #tpu.memory_space<vmem>> -> memref<1x1x32x128xf32, #tpu.memory_space<vmem>>
      %dma_wait3A_744 = tpu.memref_squeeze %dma_wait3A_743 : memref<1x1x32x128xf32, #tpu.memory_space<vmem>> -> memref<32x128xf32, #tpu.memory_space<vmem>>
      %dma_wait3A_745 = arith.constant 0 : i32
      %dma_wait3A_746 = arith.constant 0 : i32
      %dma_wait3A_747 = tpu.memref_slice %arg3[%dma_wait3A_745, %dma_wait3A_746] : memref<32x1000000xf32, #tpu.memory_space<hbm>> -> memref<32x128xf32, #tpu.memory_space<hbm>>
      tpu.wait_dma2 semaphore(%arg9 : memref<!tpu.dma_semaphore, #tpu.memory_space<semaphore_mem>>) src(%dma_wait3A_747 : memref<32x128xf32, #tpu.memory_space<hbm>>) dst(%dma_wait3A_744 : memref<32x128xf32, #tpu.memory_space<vmem>>)
      %dma_wait3A_748 = arith.constant 1 : i32
      %dma_wait3A_749 = arith.constant 4 : i32
      %dma_wait3A_750 = arith.constant 0 : i32
      %dma_wait3A_751 = arith.constant 0 : i32
      %dma_wait3A_752 = tpu.memref_slice %arg6[%dma_wait3A_748, %dma_wait3A_749, %dma_wait3A_750, %dma_wait3A_751] : memref<2x8x32x128xf32, #tpu.memory_space<vmem>> -> memref<1x1x32x128xf32, #tpu.memory_space<vmem>>
      %dma_wait3A_753 = tpu.memref_squeeze %dma_wait3A_752 : memref<1x1x32x128xf32, #tpu.memory_space<vmem>> -> memref<32x128xf32, #tpu.memory_space<vmem>>
      %dma_wait3A_754 = arith.constant 0 : i32
      %dma_wait3A_755 = arith.constant 0 : i32
      %dma_wait3A_756 = tpu.memref_slice %arg3[%dma_wait3A_754, %dma_wait3A_755] : memref<32x1000000xf32, #tpu.memory_space<hbm>> -> memref<32x128xf32, #tpu.memory_space<hbm>>
      %dma_wait3A_757 = arith.constant 0 : i32
      %dma_wait3A_758 = arith.constant 0 : i32
      %dma_wait3A_759 = tpu.memref_slice %arg6[%dma_wait3A_748, %dma_wait3A_749, %dma_wait3A_757, %dma_wait3A_758] : memref<2x8x32x128xf32, #tpu.memory_space<vmem>> -> memref<1x1x32x128xf32, #tpu.memory_space<vmem>>
      %dma_wait3A_760 = tpu.memref_squeeze %dma_wait3A_759 : memref<1x1x32x128xf32, #tpu.memory_space<vmem>> -> memref<32x128xf32, #tpu.memory_space<vmem>>
      %dma_wait3A_761 = arith.constant 0 : i32
      %dma_wait3A_762 = arith.constant 0 : i32
      %dma_wait3A_763 = tpu.memref_slice %arg3[%dma_wait3A_761, %dma_wait3A_762] : memref<32x1000000xf32, #tpu.memory_space<hbm>> -> memref<32x128xf32, #tpu.memory_space<hbm>>
      tpu.wait_dma2 semaphore(%arg9 : memref<!tpu.dma_semaphore, #tpu.memory_space<semaphore_mem>>) src(%dma_wait3A_763 : memref<32x128xf32, #tpu.memory_space<hbm>>) dst(%dma_wait3A_760 : memref<32x128xf32, #tpu.memory_space<vmem>>)
      %dma_wait3A_764 = arith.constant 1 : i32
      %dma_wait3A_765 = arith.constant 5 : i32
      %dma_wait3A_766 = arith.constant 0 : i32
      %dma_wait3A_767 = arith.constant 0 : i32
      %dma_wait3A_768 = tpu.memref_slice %arg6[%dma_wait3A_764, %dma_wait3A_765, %dma_wait3A_766, %dma_wait3A_767] : memref<2x8x32x128xf32, #tpu.memory_space<vmem>> -> memref<1x1x32x128xf32, #tpu.memory_space<vmem>>
      %dma_wait3A_769 = tpu.memref_squeeze %dma_wait3A_768 : memref<1x1x32x128xf32, #tpu.memory_space<vmem>> -> memref<32x128xf32, #tpu.memory_space<vmem>>
      %dma_wait3A_770 = arith.constant 0 : i32
      %dma_wait3A_771 = arith.constant 0 : i32
      %dma_wait3A_772 = tpu.memref_slice %arg3[%dma_wait3A_770, %dma_wait3A_771] : memref<32x1000000xf32, #tpu.memory_space<hbm>> -> memref<32x128xf32, #tpu.memory_space<hbm>>
      %dma_wait3A_773 = arith.constant 0 : i32
      %dma_wait3A_774 = arith.constant 0 : i32
      %dma_wait3A_775 = tpu.memref_slice %arg6[%dma_wait3A_764, %dma_wait3A_765, %dma_wait3A_773, %dma_wait3A_774] : memref<2x8x32x128xf32, #tpu.memory_space<vmem>> -> memref<1x1x32x128xf32, #tpu.memory_space<vmem>>
      %dma_wait3A_776 = tpu.memref_squeeze %dma_wait3A_775 : memref<1x1x32x128xf32, #tpu.memory_space<vmem>> -> memref<32x128xf32, #tpu.memory_space<vmem>>
      %dma_wait3A_777 = arith.constant 0 : i32
      %dma_wait3A_778 = arith.constant 0 : i32
      %dma_wait3A_779 = tpu.memref_slice %arg3[%dma_wait3A_777, %dma_wait3A_778] : memref<32x1000000xf32, #tpu.memory_space<hbm>> -> memref<32x128xf32, #tpu.memory_space<hbm>>
      tpu.wait_dma2 semaphore(%arg9 : memref<!tpu.dma_semaphore, #tpu.memory_space<semaphore_mem>>) src(%dma_wait3A_779 : memref<32x128xf32, #tpu.memory_space<hbm>>) dst(%dma_wait3A_776 : memref<32x128xf32, #tpu.memory_space<vmem>>)
      %dma_wait3A_780 = arith.constant 1 : i32
      %dma_wait3A_781 = arith.constant 6 : i32
      %dma_wait3A_782 = arith.constant 0 : i32
      %dma_wait3A_783 = arith.constant 0 : i32
      %dma_wait3A_784 = tpu.memref_slice %arg6[%dma_wait3A_780, %dma_wait3A_781, %dma_wait3A_782, %dma_wait3A_783] : memref<2x8x32x128xf32, #tpu.memory_space<vmem>> -> memref<1x1x32x128xf32, #tpu.memory_space<vmem>>
      %dma_wait3A_785 = tpu.memref_squeeze %dma_wait3A_784 : memref<1x1x32x128xf32, #tpu.memory_space<vmem>> -> memref<32x128xf32, #tpu.memory_space<vmem>>
      %dma_wait3A_786 = arith.constant 0 : i32
      %dma_wait3A_787 = arith.constant 0 : i32
      %dma_wait3A_788 = tpu.memref_slice %arg3[%dma_wait3A_786, %dma_wait3A_787] : memref<32x1000000xf32, #tpu.memory_space<hbm>> -> memref<32x128xf32, #tpu.memory_space<hbm>>
      %dma_wait3A_789 = arith.constant 0 : i32
      %dma_wait3A_790 = arith.constant 0 : i32
      %dma_wait3A_791 = tpu.memref_slice %arg6[%dma_wait3A_780, %dma_wait3A_781, %dma_wait3A_789, %dma_wait3A_790] : memref<2x8x32x128xf32, #tpu.memory_space<vmem>> -> memref<1x1x32x128xf32, #tpu.memory_space<vmem>>
      %dma_wait3A_792 = tpu.memref_squeeze %dma_wait3A_791 : memref<1x1x32x128xf32, #tpu.memory_space<vmem>> -> memref<32x128xf32, #tpu.memory_space<vmem>>
      %dma_wait3A_793 = arith.constant 0 : i32
      %dma_wait3A_794 = arith.constant 0 : i32
      %dma_wait3A_795 = tpu.memref_slice %arg3[%dma_wait3A_793, %dma_wait3A_794] : memref<32x1000000xf32, #tpu.memory_space<hbm>> -> memref<32x128xf32, #tpu.memory_space<hbm>>
      tpu.wait_dma2 semaphore(%arg9 : memref<!tpu.dma_semaphore, #tpu.memory_space<semaphore_mem>>) src(%dma_wait3A_795 : memref<32x128xf32, #tpu.memory_space<hbm>>) dst(%dma_wait3A_792 : memref<32x128xf32, #tpu.memory_space<vmem>>)
      %dma_wait3A_796 = arith.constant 1 : i32
      %dma_wait3A_797 = arith.constant 7 : i32
      %dma_wait3A_798 = arith.constant 0 : i32
      %dma_wait3A_799 = arith.constant 0 : i32
      %dma_wait3A_800 = tpu.memref_slice %arg6[%dma_wait3A_796, %dma_wait3A_797, %dma_wait3A_798, %dma_wait3A_799] : memref<2x8x32x128xf32, #tpu.memory_space<vmem>> -> memref<1x1x32x128xf32, #tpu.memory_space<vmem>>
      %dma_wait3A_801 = tpu.memref_squeeze %dma_wait3A_800 : memref<1x1x32x128xf32, #tpu.memory_space<vmem>> -> memref<32x128xf32, #tpu.memory_space<vmem>>
      %dma_wait3A_802 = arith.constant 0 : i32
      %dma_wait3A_803 = arith.constant 0 : i32
      %dma_wait3A_804 = tpu.memref_slice %arg3[%dma_wait3A_802, %dma_wait3A_803] : memref<32x1000000xf32, #tpu.memory_space<hbm>> -> memref<32x128xf32, #tpu.memory_space<hbm>>
      %dma_wait3A_805 = arith.constant 0 : i32
      %dma_wait3A_806 = arith.constant 0 : i32
      %dma_wait3A_807 = tpu.memref_slice %arg6[%dma_wait3A_796, %dma_wait3A_797, %dma_wait3A_805, %dma_wait3A_806] : memref<2x8x32x128xf32, #tpu.memory_space<vmem>> -> memref<1x1x32x128xf32, #tpu.memory_space<vmem>>
      %dma_wait3A_808 = tpu.memref_squeeze %dma_wait3A_807 : memref<1x1x32x128xf32, #tpu.memory_space<vmem>> -> memref<32x128xf32, #tpu.memory_space<vmem>>
      %dma_wait3A_809 = arith.constant 0 : i32
      %dma_wait3A_810 = arith.constant 0 : i32
      %dma_wait3A_811 = tpu.memref_slice %arg3[%dma_wait3A_809, %dma_wait3A_810] : memref<32x1000000xf32, #tpu.memory_space<hbm>> -> memref<32x128xf32, #tpu.memory_space<hbm>>
      tpu.wait_dma2 semaphore(%arg9 : memref<!tpu.dma_semaphore, #tpu.memory_space<semaphore_mem>>) src(%dma_wait3A_811 : memref<32x128xf32, #tpu.memory_space<hbm>>) dst(%dma_wait3A_808 : memref<32x128xf32, #tpu.memory_space<vmem>>)
      %mul3A_812 = arith.constant 2 : i32
      %mul3A_813 = arith.muli %scan3A_149, %mul3A_812 : i32
      %add3A_814 = arith.constant 1 : i32
      %add3A_815 = arith.addi %mul3A_813, %add3A_814 : i32
      %mul3A_816 = arith.constant 8 : i32
      %mul3A_817 = arith.muli %add3A_815, %mul3A_816 : i32
      %multiple_of3A_818 = tpu.assume_multiple %mul3A_817, 8 : i32
      %slice3A_819 = vector.extract_strided_slice %and3A_164 {offsets = [8], sizes = [1], strides = [1]} : vector<16xi32> to vector<1xi32>
      %squeeze3A_820 = vector.extract %slice3A_819[0] : i32 from vector<1xi32>
      %broadcast_in_dim3A_821 = vector.broadcast %squeeze3A_820 : i32 to vector<16xi32>
      %gather3A_822 = arith.constant 1 : i32
      %gather3A_823 = arith.constant 0 : i32
      %gather3A_824 = arith.constant 0 : i32
      %gather3A_825 = arith.constant 0 : i32
      %gather3A_826 = tpu.memref_slice %arg6[%gather3A_822, %gather3A_823, %gather3A_824, %gather3A_825] : memref<2x8x32x128xf32, #tpu.memory_space<vmem>> -> memref<1x1x32x128xf32, #tpu.memory_space<vmem>>
      %gather3A_827 = tpu.memref_squeeze %gather3A_826 : memref<1x1x32x128xf32, #tpu.memory_space<vmem>> -> memref<32x128xf32, #tpu.memory_space<vmem>>
      %gather3A_828 = tpu.vector_load_idx %gather3A_827[%iota3A, %broadcast_in_dim3A_821] : memref<32x128xf32, #tpu.memory_space<vmem>>[vector<16xi32>, vector<16xi32>], vector<16xf32>,
      %add3A_829 = arith.constant 16 : i32
      %add3A_830 = vector.broadcast %add3A_829 : i32 to vector<16xi32>
      %add3A_831 = arith.addi %iota3A, %add3A_830 : vector<16xi32>
      %gather3A_832 = arith.constant 1 : i32
      %gather3A_833 = arith.constant 0 : i32
      %gather3A_834 = arith.constant 0 : i32
      %gather3A_835 = arith.constant 0 : i32
      %gather3A_836 = tpu.memref_slice %arg6[%gather3A_832, %gather3A_833, %gather3A_834, %gather3A_835] : memref<2x8x32x128xf32, #tpu.memory_space<vmem>> -> memref<1x1x32x128xf32, #tpu.memory_space<vmem>>
      %gather3A_837 = tpu.memref_squeeze %gather3A_836 : memref<1x1x32x128xf32, #tpu.memory_space<vmem>> -> memref<32x128xf32, #tpu.memory_space<vmem>>
      %gather3A_838 = tpu.vector_load_idx %gather3A_837[%add3A_831, %broadcast_in_dim3A_821] : memref<32x128xf32, #tpu.memory_space<vmem>>[vector<16xi32>, vector<16xi32>], vector<16xf32>,
      %add3A_839 = arith.constant 0 : i32
      %add3A_840 = arith.addi %multiple_of3A_818, %add3A_839 : i32
      %mul3A_841 = arith.constant 32 : i32
      %mul3A_842 = arith.muli %add3A_840, %mul3A_841 : i32
      %multiple_of3A_843 = tpu.assume_multiple %mul3A_842, 32 : i32
      %swap3A_844 = arith.index_cast %multiple_of3A_843 : i32 to index
      %swap3A_845 = tpu.vector_load %arg7[%swap3A_844] {strides = array<i32>} : memref<16384xf32, #tpu.memory_space<vmem>>, vector<16xf32>,
      tpu.vector_store %arg7[%swap3A_844], %gather3A_828 {strides = array<i32>} : memref<16384xf32, #tpu.memory_space<vmem>>, vector<16xf32>,
      %add3A_846 = arith.constant 16 : i32
      %add3A_847 = arith.addi %multiple_of3A_843, %add3A_846 : i32
      %swap3A_848 = arith.index_cast %add3A_847 : i32 to index
      %swap3A_849 = tpu.vector_load %arg7[%swap3A_848] {strides = array<i32>} : memref<16384xf32, #tpu.memory_space<vmem>>, vector<16xf32>,
      tpu.vector_store %arg7[%swap3A_848], %gather3A_838 {strides = array<i32>} : memref<16384xf32, #tpu.memory_space<vmem>>, vector<16xf32>,
      %slice3A_850 = vector.extract_strided_slice %and3A_164 {offsets = [9], sizes = [1], strides = [1]} : vector<16xi32> to vector<1xi32>
      %squeeze3A_851 = vector.extract %slice3A_850[0] : i32 from vector<1xi32>
      %broadcast_in_dim3A_852 = vector.broadcast %squeeze3A_851 : i32 to vector<16xi32>
      %gather3A_853 = arith.constant 1 : i32
      %gather3A_854 = arith.constant 1 : i32
      %gather3A_855 = arith.constant 0 : i32
      %gather3A_856 = arith.constant 0 : i32
      %gather3A_857 = tpu.memref_slice %arg6[%gather3A_853, %gather3A_854, %gather3A_855, %gather3A_856] : memref<2x8x32x128xf32, #tpu.memory_space<vmem>> -> memref<1x1x32x128xf32, #tpu.memory_space<vmem>>
      %gather3A_858 = tpu.memref_squeeze %gather3A_857 : memref<1x1x32x128xf32, #tpu.memory_space<vmem>> -> memref<32x128xf32, #tpu.memory_space<vmem>>
      %gather3A_859 = tpu.vector_load_idx %gather3A_858[%iota3A, %broadcast_in_dim3A_852] : memref<32x128xf32, #tpu.memory_space<vmem>>[vector<16xi32>, vector<16xi32>], vector<16xf32>,
      %add3A_860 = arith.constant 16 : i32
      %add3A_861 = vector.broadcast %add3A_860 : i32 to vector<16xi32>
      %add3A_862 = arith.addi %iota3A, %add3A_861 : vector<16xi32>
      %gather3A_863 = arith.constant 1 : i32
      %gather3A_864 = arith.constant 1 : i32
      %gather3A_865 = arith.constant 0 : i32
      %gather3A_866 = arith.constant 0 : i32
      %gather3A_867 = tpu.memref_slice %arg6[%gather3A_863, %gather3A_864, %gather3A_865, %gather3A_866] : memref<2x8x32x128xf32, #tpu.memory_space<vmem>> -> memref<1x1x32x128xf32, #tpu.memory_space<vmem>>
      %gather3A_868 = tpu.memref_squeeze %gather3A_867 : memref<1x1x32x128xf32, #tpu.memory_space<vmem>> -> memref<32x128xf32, #tpu.memory_space<vmem>>
      %gather3A_869 = tpu.vector_load_idx %gather3A_868[%add3A_862, %broadcast_in_dim3A_852] : memref<32x128xf32, #tpu.memory_space<vmem>>[vector<16xi32>, vector<16xi32>], vector<16xf32>,
      %add3A_870 = arith.constant 1 : i32
      %add3A_871 = arith.addi %multiple_of3A_818, %add3A_870 : i32
      %mul3A_872 = arith.constant 32 : i32
      %mul3A_873 = arith.muli %add3A_871, %mul3A_872 : i32
      %multiple_of3A_874 = tpu.assume_multiple %mul3A_873, 32 : i32
      %swap3A_875 = arith.index_cast %multiple_of3A_874 : i32 to index
      %swap3A_876 = tpu.vector_load %arg7[%swap3A_875] {strides = array<i32>} : memref<16384xf32, #tpu.memory_space<vmem>>, vector<16xf32>,
      tpu.vector_store %arg7[%swap3A_875], %gather3A_859 {strides = array<i32>} : memref<16384xf32, #tpu.memory_space<vmem>>, vector<16xf32>,
      %add3A_877 = arith.constant 16 : i32
      %add3A_878 = arith.addi %multiple_of3A_874, %add3A_877 : i32
      %swap3A_879 = arith.index_cast %add3A_878 : i32 to index
      %swap3A_880 = tpu.vector_load %arg7[%swap3A_879] {strides = array<i32>} : memref<16384xf32, #tpu.memory_space<vmem>>, vector<16xf32>,
      tpu.vector_store %arg7[%swap3A_879], %gather3A_869 {strides = array<i32>} : memref<16384xf32, #tpu.memory_space<vmem>>, vector<16xf32>,
      %slice3A_881 = vector.extract_strided_slice %and3A_164 {offsets = [10], sizes = [1], strides = [1]} : vector<16xi32> to vector<1xi32>
      %squeeze3A_882 = vector.extract %slice3A_881[0] : i32 from vector<1xi32>
      %broadcast_in_dim3A_883 = vector.broadcast %squeeze3A_882 : i32 to vector<16xi32>
      %gather3A_884 = arith.constant 1 : i32
      %gather3A_885 = arith.constant 2 : i32
      %gather3A_886 = arith.constant 0 : i32
      %gather3A_887 = arith.constant 0 : i32
      %gather3A_888 = tpu.memref_slice %arg6[%gather3A_884, %gather3A_885, %gather3A_886, %gather3A_887] : memref<2x8x32x128xf32, #tpu.memory_space<vmem>> -> memref<1x1x32x128xf32, #tpu.memory_space<vmem>>
      %gather3A_889 = tpu.memref_squeeze %gather3A_888 : memref<1x1x32x128xf32, #tpu.memory_space<vmem>> -> memref<32x128xf32, #tpu.memory_space<vmem>>
      %gather3A_890 = tpu.vector_load_idx %gather3A_889[%iota3A, %broadcast_in_dim3A_883] : memref<32x128xf32, #tpu.memory_space<vmem>>[vector<16xi32>, vector<16xi32>], vector<16xf32>,
      %add3A_891 = arith.constant 16 : i32
      %add3A_892 = vector.broadcast %add3A_891 : i32 to vector<16xi32>
      %add3A_893 = arith.addi %iota3A, %add3A_892 : vector<16xi32>
      %gather3A_894 = arith.constant 1 : i32
      %gather3A_895 = arith.constant 2 : i32
      %gather3A_896 = arith.constant 0 : i32
      %gather3A_897 = arith.constant 0 : i32
      %gather3A_898 = tpu.memref_slice %arg6[%gather3A_894, %gather3A_895, %gather3A_896, %gather3A_897] : memref<2x8x32x128xf32, #tpu.memory_space<vmem>> -> memref<1x1x32x128xf32, #tpu.memory_space<vmem>>
      %gather3A_899 = tpu.memref_squeeze %gather3A_898 : memref<1x1x32x128xf32, #tpu.memory_space<vmem>> -> memref<32x128xf32, #tpu.memory_space<vmem>>
      %gather3A_900 = tpu.vector_load_idx %gather3A_899[%add3A_893, %broadcast_in_dim3A_883] : memref<32x128xf32, #tpu.memory_space<vmem>>[vector<16xi32>, vector<16xi32>], vector<16xf32>,
      %add3A_901 = arith.constant 2 : i32
      %add3A_902 = arith.addi %multiple_of3A_818, %add3A_901 : i32
      %mul3A_903 = arith.constant 32 : i32
      %mul3A_904 = arith.muli %add3A_902, %mul3A_903 : i32
      %multiple_of3A_905 = tpu.assume_multiple %mul3A_904, 32 : i32
      %swap3A_906 = arith.index_cast %multiple_of3A_905 : i32 to index
      %swap3A_907 = tpu.vector_load %arg7[%swap3A_906] {strides = array<i32>} : memref<16384xf32, #tpu.memory_space<vmem>>, vector<16xf32>,
      tpu.vector_store %arg7[%swap3A_906], %gather3A_890 {strides = array<i32>} : memref<16384xf32, #tpu.memory_space<vmem>>, vector<16xf32>,
      %add3A_908 = arith.constant 16 : i32
      %add3A_909 = arith.addi %multiple_of3A_905, %add3A_908 : i32
      %swap3A_910 = arith.index_cast %add3A_909 : i32 to index
      %swap3A_911 = tpu.vector_load %arg7[%swap3A_910] {strides = array<i32>} : memref<16384xf32, #tpu.memory_space<vmem>>, vector<16xf32>,
      tpu.vector_store %arg7[%swap3A_910], %gather3A_900 {strides = array<i32>} : memref<16384xf32, #tpu.memory_space<vmem>>, vector<16xf32>,
      %slice3A_912 = vector.extract_strided_slice %and3A_164 {offsets = [11], sizes = [1], strides = [1]} : vector<16xi32> to vector<1xi32>
      %squeeze3A_913 = vector.extract %slice3A_912[0] : i32 from vector<1xi32>
      %broadcast_in_dim3A_914 = vector.broadcast %squeeze3A_913 : i32 to vector<16xi32>
      %gather3A_915 = arith.constant 1 : i32
      %gather3A_916 = arith.constant 3 : i32
      %gather3A_917 = arith.constant 0 : i32
      %gather3A_918 = arith.constant 0 : i32
      %gather3A_919 = tpu.memref_slice %arg6[%gather3A_915, %gather3A_916, %gather3A_917, %gather3A_918] : memref<2x8x32x128xf32, #tpu.memory_space<vmem>> -> memref<1x1x32x128xf32, #tpu.memory_space<vmem>>
      %gather3A_920 = tpu.memref_squeeze %gather3A_919 : memref<1x1x32x128xf32, #tpu.memory_space<vmem>> -> memref<32x128xf32, #tpu.memory_space<vmem>>
      %gather3A_921 = tpu.vector_load_idx %gather3A_920[%iota3A, %broadcast_in_dim3A_914] : memref<32x128xf32, #tpu.memory_space<vmem>>[vector<16xi32>, vector<16xi32>], vector<16xf32>,
      %add3A_922 = arith.constant 16 : i32
      %add3A_923 = vector.broadcast %add3A_922 : i32 to vector<16xi32>
      %add3A_924 = arith.addi %iota3A, %add3A_923 : vector<16xi32>
      %gather3A_925 = arith.constant 1 : i32
      %gather3A_926 = arith.constant 3 : i32
      %gather3A_927 = arith.constant 0 : i32
      %gather3A_928 = arith.constant 0 : i32
      %gather3A_929 = tpu.memref_slice %arg6[%gather3A_925, %gather3A_926, %gather3A_927, %gather3A_928] : memref<2x8x32x128xf32, #tpu.memory_space<vmem>> -> memref<1x1x32x128xf32, #tpu.memory_space<vmem>>
      %gather3A_930 = tpu.memref_squeeze %gather3A_929 : memref<1x1x32x128xf32, #tpu.memory_space<vmem>> -> memref<32x128xf32, #tpu.memory_space<vmem>>
      %gather3A_931 = tpu.vector_load_idx %gather3A_930[%add3A_924, %broadcast_in_dim3A_914] : memref<32x128xf32, #tpu.memory_space<vmem>>[vector<16xi32>, vector<16xi32>], vector<16xf32>,
      %add3A_932 = arith.constant 3 : i32
      %add3A_933 = arith.addi %multiple_of3A_818, %add3A_932 : i32
      %mul3A_934 = arith.constant 32 : i32
      %mul3A_935 = arith.muli %add3A_933, %mul3A_934 : i32
      %multiple_of3A_936 = tpu.assume_multiple %mul3A_935, 32 : i32
      %swap3A_937 = arith.index_cast %multiple_of3A_936 : i32 to index
      %swap3A_938 = tpu.vector_load %arg7[%swap3A_937] {strides = array<i32>} : memref<16384xf32, #tpu.memory_space<vmem>>, vector<16xf32>,
      tpu.vector_store %arg7[%swap3A_937], %gather3A_921 {strides = array<i32>} : memref<16384xf32, #tpu.memory_space<vmem>>, vector<16xf32>,
      %add3A_939 = arith.constant 16 : i32
      %add3A_940 = arith.addi %multiple_of3A_936, %add3A_939 : i32
      %swap3A_941 = arith.index_cast %add3A_940 : i32 to index
      %swap3A_942 = tpu.vector_load %arg7[%swap3A_941] {strides = array<i32>} : memref<16384xf32, #tpu.memory_space<vmem>>, vector<16xf32>,
      tpu.vector_store %arg7[%swap3A_941], %gather3A_931 {strides = array<i32>} : memref<16384xf32, #tpu.memory_space<vmem>>, vector<16xf32>,
      %slice3A_943 = vector.extract_strided_slice %and3A_164 {offsets = [12], sizes = [1], strides = [1]} : vector<16xi32> to vector<1xi32>
      %squeeze3A_944 = vector.extract %slice3A_943[0] : i32 from vector<1xi32>
      %broadcast_in_dim3A_945 = vector.broadcast %squeeze3A_944 : i32 to vector<16xi32>
      %gather3A_946 = arith.constant 1 : i32
      %gather3A_947 = arith.constant 4 : i32
      %gather3A_948 = arith.constant 0 : i32
      %gather3A_949 = arith.constant 0 : i32
      %gather3A_950 = tpu.memref_slice %arg6[%gather3A_946, %gather3A_947, %gather3A_948, %gather3A_949] : memref<2x8x32x128xf32, #tpu.memory_space<vmem>> -> memref<1x1x32x128xf32, #tpu.memory_space<vmem>>
      %gather3A_951 = tpu.memref_squeeze %gather3A_950 : memref<1x1x32x128xf32, #tpu.memory_space<vmem>> -> memref<32x128xf32, #tpu.memory_space<vmem>>
      %gather3A_952 = tpu.vector_load_idx %gather3A_951[%iota3A, %broadcast_in_dim3A_945] : memref<32x128xf32, #tpu.memory_space<vmem>>[vector<16xi32>, vector<16xi32>], vector<16xf32>,
      %add3A_953 = arith.constant 16 : i32
      %add3A_954 = vector.broadcast %add3A_953 : i32 to vector<16xi32>
      %add3A_955 = arith.addi %iota3A, %add3A_954 : vector<16xi32>
      %gather3A_956 = arith.constant 1 : i32
      %gather3A_957 = arith.constant 4 : i32
      %gather3A_958 = arith.constant 0 : i32
      %gather3A_959 = arith.constant 0 : i32
      %gather3A_960 = tpu.memref_slice %arg6[%gather3A_956, %gather3A_957, %gather3A_958, %gather3A_959] : memref<2x8x32x128xf32, #tpu.memory_space<vmem>> -> memref<1x1x32x128xf32, #tpu.memory_space<vmem>>
      %gather3A_961 = tpu.memref_squeeze %gather3A_960 : memref<1x1x32x128xf32, #tpu.memory_space<vmem>> -> memref<32x128xf32, #tpu.memory_space<vmem>>
      %gather3A_962 = tpu.vector_load_idx %gather3A_961[%add3A_955, %broadcast_in_dim3A_945] : memref<32x128xf32, #tpu.memory_space<vmem>>[vector<16xi32>, vector<16xi32>], vector<16xf32>,
      %add3A_963 = arith.constant 4 : i32
      %add3A_964 = arith.addi %multiple_of3A_818, %add3A_963 : i32
      %mul3A_965 = arith.constant 32 : i32
      %mul3A_966 = arith.muli %add3A_964, %mul3A_965 : i32
      %multiple_of3A_967 = tpu.assume_multiple %mul3A_966, 32 : i32
      %swap3A_968 = arith.index_cast %multiple_of3A_967 : i32 to index
      %swap3A_969 = tpu.vector_load %arg7[%swap3A_968] {strides = array<i32>} : memref<16384xf32, #tpu.memory_space<vmem>>, vector<16xf32>,
      tpu.vector_store %arg7[%swap3A_968], %gather3A_952 {strides = array<i32>} : memref<16384xf32, #tpu.memory_space<vmem>>, vector<16xf32>,
      %add3A_970 = arith.constant 16 : i32
      %add3A_971 = arith.addi %multiple_of3A_967, %add3A_970 : i32
      %swap3A_972 = arith.index_cast %add3A_971 : i32 to index
      %swap3A_973 = tpu.vector_load %arg7[%swap3A_972] {strides = array<i32>} : memref<16384xf32, #tpu.memory_space<vmem>>, vector<16xf32>,
      tpu.vector_store %arg7[%swap3A_972], %gather3A_962 {strides = array<i32>} : memref<16384xf32, #tpu.memory_space<vmem>>, vector<16xf32>,
      %slice3A_974 = vector.extract_strided_slice %and3A_164 {offsets = [13], sizes = [1], strides = [1]} : vector<16xi32> to vector<1xi32>
      %squeeze3A_975 = vector.extract %slice3A_974[0] : i32 from vector<1xi32>
      %broadcast_in_dim3A_976 = vector.broadcast %squeeze3A_975 : i32 to vector<16xi32>
      %gather3A_977 = arith.constant 1 : i32
      %gather3A_978 = arith.constant 5 : i32
      %gather3A_979 = arith.constant 0 : i32
      %gather3A_980 = arith.constant 0 : i32
      %gather3A_981 = tpu.memref_slice %arg6[%gather3A_977, %gather3A_978, %gather3A_979, %gather3A_980] : memref<2x8x32x128xf32, #tpu.memory_space<vmem>> -> memref<1x1x32x128xf32, #tpu.memory_space<vmem>>
      %gather3A_982 = tpu.memref_squeeze %gather3A_981 : memref<1x1x32x128xf32, #tpu.memory_space<vmem>> -> memref<32x128xf32, #tpu.memory_space<vmem>>
      %gather3A_983 = tpu.vector_load_idx %gather3A_982[%iota3A, %broadcast_in_dim3A_976] : memref<32x128xf32, #tpu.memory_space<vmem>>[vector<16xi32>, vector<16xi32>], vector<16xf32>,
      %add3A_984 = arith.constant 16 : i32
      %add3A_985 = vector.broadcast %add3A_984 : i32 to vector<16xi32>
      %add3A_986 = arith.addi %iota3A, %add3A_985 : vector<16xi32>
      %gather3A_987 = arith.constant 1 : i32
      %gather3A_988 = arith.constant 5 : i32
      %gather3A_989 = arith.constant 0 : i32
      %gather3A_990 = arith.constant 0 : i32
      %gather3A_991 = tpu.memref_slice %arg6[%gather3A_987, %gather3A_988, %gather3A_989, %gather3A_990] : memref<2x8x32x128xf32, #tpu.memory_space<vmem>> -> memref<1x1x32x128xf32, #tpu.memory_space<vmem>>
      %gather3A_992 = tpu.memref_squeeze %gather3A_991 : memref<1x1x32x128xf32, #tpu.memory_space<vmem>> -> memref<32x128xf32, #tpu.memory_space<vmem>>
      %gather3A_993 = tpu.vector_load_idx %gather3A_992[%add3A_986, %broadcast_in_dim3A_976] : memref<32x128xf32, #tpu.memory_space<vmem>>[vector<16xi32>, vector<16xi32>], vector<16xf32>,
      %add3A_994 = arith.constant 5 : i32
      %add3A_995 = arith.addi %multiple_of3A_818, %add3A_994 : i32
      %mul3A_996 = arith.constant 32 : i32
      %mul3A_997 = arith.muli %add3A_995, %mul3A_996 : i32
      %multiple_of3A_998 = tpu.assume_multiple %mul3A_997, 32 : i32
      %swap3A_999 = arith.index_cast %multiple_of3A_998 : i32 to index
      %swap3A_1000 = tpu.vector_load %arg7[%swap3A_999] {strides = array<i32>} : memref<16384xf32, #tpu.memory_space<vmem>>, vector<16xf32>,
      tpu.vector_store %arg7[%swap3A_999], %gather3A_983 {strides = array<i32>} : memref<16384xf32, #tpu.memory_space<vmem>>, vector<16xf32>,
      %add3A_1001 = arith.constant 16 : i32
      %add3A_1002 = arith.addi %multiple_of3A_998, %add3A_1001 : i32
      %swap3A_1003 = arith.index_cast %add3A_1002 : i32 to index
      %swap3A_1004 = tpu.vector_load %arg7[%swap3A_1003] {strides = array<i32>} : memref<16384xf32, #tpu.memory_space<vmem>>, vector<16xf32>,
      tpu.vector_store %arg7[%swap3A_1003], %gather3A_993 {strides = array<i32>} : memref<16384xf32, #tpu.memory_space<vmem>>, vector<16xf32>,
      %slice3A_1005 = vector.extract_strided_slice %and3A_164 {offsets = [14], sizes = [1], strides = [1]} : vector<16xi32> to vector<1xi32>
      %squeeze3A_1006 = vector.extract %slice3A_1005[0] : i32 from vector<1xi32>
      %broadcast_in_dim3A_1007 = vector.broadcast %squeeze3A_1006 : i32 to vector<16xi32>
      %gather3A_1008 = arith.constant 1 : i32
      %gather3A_1009 = arith.constant 6 : i32
      %gather3A_1010 = arith.constant 0 : i32
      %gather3A_1011 = arith.constant 0 : i32
      %gather3A_1012 = tpu.memref_slice %arg6[%gather3A_1008, %gather3A_1009, %gather3A_1010, %gather3A_1011] : memref<2x8x32x128xf32, #tpu.memory_space<vmem>> -> memref<1x1x32x128xf32, #tpu.memory_space<vmem>>
      %gather3A_1013 = tpu.memref_squeeze %gather3A_1012 : memref<1x1x32x128xf32, #tpu.memory_space<vmem>> -> memref<32x128xf32, #tpu.memory_space<vmem>>
      %gather3A_1014 = tpu.vector_load_idx %gather3A_1013[%iota3A, %broadcast_in_dim3A_1007] : memref<32x128xf32, #tpu.memory_space<vmem>>[vector<16xi32>, vector<16xi32>], vector<16xf32>,
      %add3A_1015 = arith.constant 16 : i32
      %add3A_1016 = vector.broadcast %add3A_1015 : i32 to vector<16xi32>
      %add3A_1017 = arith.addi %iota3A, %add3A_1016 : vector<16xi32>
      %gather3A_1018 = arith.constant 1 : i32
      %gather3A_1019 = arith.constant 6 : i32
      %gather3A_1020 = arith.constant 0 : i32
      %gather3A_1021 = arith.constant 0 : i32
      %gather3A_1022 = tpu.memref_slice %arg6[%gather3A_1018, %gather3A_1019, %gather3A_1020, %gather3A_1021] : memref<2x8x32x128xf32, #tpu.memory_space<vmem>> -> memref<1x1x32x128xf32, #tpu.memory_space<vmem>>
      %gather3A_1023 = tpu.memref_squeeze %gather3A_1022 : memref<1x1x32x128xf32, #tpu.memory_space<vmem>> -> memref<32x128xf32, #tpu.memory_space<vmem>>
      %gather3A_1024 = tpu.vector_load_idx %gather3A_1023[%add3A_1017, %broadcast_in_dim3A_1007] : memref<32x128xf32, #tpu.memory_space<vmem>>[vector<16xi32>, vector<16xi32>], vector<16xf32>,
      %add3A_1025 = arith.constant 6 : i32
      %add3A_1026 = arith.addi %multiple_of3A_818, %add3A_1025 : i32
      %mul3A_1027 = arith.constant 32 : i32
      %mul3A_1028 = arith.muli %add3A_1026, %mul3A_1027 : i32
      %multiple_of3A_1029 = tpu.assume_multiple %mul3A_1028, 32 : i32
      %swap3A_1030 = arith.index_cast %multiple_of3A_1029 : i32 to index
      %swap3A_1031 = tpu.vector_load %arg7[%swap3A_1030] {strides = array<i32>} : memref<16384xf32, #tpu.memory_space<vmem>>, vector<16xf32>,
      tpu.vector_store %arg7[%swap3A_1030], %gather3A_1014 {strides = array<i32>} : memref<16384xf32, #tpu.memory_space<vmem>>, vector<16xf32>,
      %add3A_1032 = arith.constant 16 : i32
      %add3A_1033 = arith.addi %multiple_of3A_1029, %add3A_1032 : i32
      %swap3A_1034 = arith.index_cast %add3A_1033 : i32 to index
      %swap3A_1035 = tpu.vector_load %arg7[%swap3A_1034] {strides = array<i32>} : memref<16384xf32, #tpu.memory_space<vmem>>, vector<16xf32>,
      tpu.vector_store %arg7[%swap3A_1034], %gather3A_1024 {strides = array<i32>} : memref<16384xf32, #tpu.memory_space<vmem>>, vector<16xf32>,
      %slice3A_1036 = vector.extract_strided_slice %and3A_164 {offsets = [15], sizes = [1], strides = [1]} : vector<16xi32> to vector<1xi32>
      %squeeze3A_1037 = vector.extract %slice3A_1036[0] : i32 from vector<1xi32>
      %broadcast_in_dim3A_1038 = vector.broadcast %squeeze3A_1037 : i32 to vector<16xi32>
      %gather3A_1039 = arith.constant 1 : i32
      %gather3A_1040 = arith.constant 7 : i32
      %gather3A_1041 = arith.constant 0 : i32
      %gather3A_1042 = arith.constant 0 : i32
      %gather3A_1043 = tpu.memref_slice %arg6[%gather3A_1039, %gather3A_1040, %gather3A_1041, %gather3A_1042] : memref<2x8x32x128xf32, #tpu.memory_space<vmem>> -> memref<1x1x32x128xf32, #tpu.memory_space<vmem>>
      %gather3A_1044 = tpu.memref_squeeze %gather3A_1043 : memref<1x1x32x128xf32, #tpu.memory_space<vmem>> -> memref<32x128xf32, #tpu.memory_space<vmem>>
      %gather3A_1045 = tpu.vector_load_idx %gather3A_1044[%iota3A, %broadcast_in_dim3A_1038] : memref<32x128xf32, #tpu.memory_space<vmem>>[vector<16xi32>, vector<16xi32>], vector<16xf32>,
      %add3A_1046 = arith.constant 16 : i32
      %add3A_1047 = vector.broadcast %add3A_1046 : i32 to vector<16xi32>
      %add3A_1048 = arith.addi %iota3A, %add3A_1047 : vector<16xi32>
      %gather3A_1049 = arith.constant 1 : i32
      %gather3A_1050 = arith.constant 7 : i32
      %gather3A_1051 = arith.constant 0 : i32
      %gather3A_1052 = arith.constant 0 : i32
      %gather3A_1053 = tpu.memref_slice %arg6[%gather3A_1049, %gather3A_1050, %gather3A_1051, %gather3A_1052] : memref<2x8x32x128xf32, #tpu.memory_space<vmem>> -> memref<1x1x32x128xf32, #tpu.memory_space<vmem>>
      %gather3A_1054 = tpu.memref_squeeze %gather3A_1053 : memref<1x1x32x128xf32, #tpu.memory_space<vmem>> -> memref<32x128xf32, #tpu.memory_space<vmem>>
      %gather3A_1055 = tpu.vector_load_idx %gather3A_1054[%add3A_1048, %broadcast_in_dim3A_1038] : memref<32x128xf32, #tpu.memory_space<vmem>>[vector<16xi32>, vector<16xi32>], vector<16xf32>,
      %add3A_1056 = arith.constant 7 : i32
      %add3A_1057 = arith.addi %multiple_of3A_818, %add3A_1056 : i32
      %mul3A_1058 = arith.constant 32 : i32
      %mul3A_1059 = arith.muli %add3A_1057, %mul3A_1058 : i32
      %multiple_of3A_1060 = tpu.assume_multiple %mul3A_1059, 32 : i32
      %swap3A_1061 = arith.index_cast %multiple_of3A_1060 : i32 to index
      %swap3A_1062 = tpu.vector_load %arg7[%swap3A_1061] {strides = array<i32>} : memref<16384xf32, #tpu.memory_space<vmem>>, vector<16xf32>,
      tpu.vector_store %arg7[%swap3A_1061], %gather3A_1045 {strides = array<i32>} : memref<16384xf32, #tpu.memory_space<vmem>>, vector<16xf32>,
      %add3A_1063 = arith.constant 16 : i32
      %add3A_1064 = arith.addi %multiple_of3A_1060, %add3A_1063 : i32
      %swap3A_1065 = arith.index_cast %add3A_1064 : i32 to index
      %swap3A_1066 = tpu.vector_load %arg7[%swap3A_1065] {strides = array<i32>} : memref<16384xf32, #tpu.memory_space<vmem>>, vector<16xf32>,
      tpu.vector_store %arg7[%swap3A_1065], %gather3A_1055 {strides = array<i32>} : memref<16384xf32, #tpu.memory_space<vmem>>, vector<16xf32>,
    }
    %scan3A_146 = arith.constant 32 : i32
    %mul3A_147 = arith.constant 32 : i32
    %mul3A_148 = arith.muli %mul3A_2, %mul3A_147 : i32
    "tpu.region"() ({
      %run_scoped3A = tpu.sem_alloc : memref<!tpu.dma_semaphore, #tpu.memory_space<semaphore_mem>>
      %dma_start3A_149 = tpu.memref_slice %arg4[%mul3A_148] : memref<524288xf32, #tpu.memory_space<hbm>> -> memref<16384xf32, #tpu.memory_space<hbm>>
      %dma_start3A_150 = tpu.memref_slice %arg4[%mul3A_148] : memref<524288xf32, #tpu.memory_space<hbm>> -> memref<16384xf32, #tpu.memory_space<hbm>>
      tpu.enqueue_dma source(%arg7 : memref<16384xf32, #tpu.memory_space<vmem>>) target(%dma_start3A_150 : memref<16384xf32, #tpu.memory_space<hbm>>) target_semaphore(%run_scoped3A : memref<!tpu.dma_semaphore, #tpu.memory_space<semaphore_mem>>)
      %dma_wait3A = tpu.memref_slice %arg4[%mul3A_148] : memref<524288xf32, #tpu.memory_space<hbm>> -> memref<16384xf32, #tpu.memory_space<hbm>>
      %dma_wait3A_151 = tpu.memref_slice %arg4[%mul3A_148] : memref<524288xf32, #tpu.memory_space<hbm>> -> memref<16384xf32, #tpu.memory_space<hbm>>
      tpu.wait_dma2 semaphore(%run_scoped3A : memref<!tpu.dma_semaphore, #tpu.memory_space<semaphore_mem>>) src(%arg7 : memref<16384xf32, #tpu.memory_space<vmem>>) dst(%dma_wait3A_151 : memref<16384xf32, #tpu.memory_space<hbm>>)
      tpu.yield
    }) : () -> ()
    return
  }
}

</mosaic_0001>

<sc_bundles>
// kernel: kernel.4.cloned.1.call-start
scs
__scs_entry_jumppad:
0x0: {  	(pc) =	sbr.rel $0x88, $3  }
0x1: {  	(tag) =	ssettag $0x0;
	lr =	simm.s32 $0x1  }
0x2: {  	[smem:$0x3F9D] =	sst lr;
	_ =	strace $0xD0000000  }
0x3: {  	_ = 	snop  }
0x4: {  	_ = 	snop  }
0x5: {  	_ = 	snop  }
0x6: {  	_ = 	snop  }
0x7: {  	_ = 	snop  }
__scs_overlays_trampoline_lowered:
0x8: {  	[smem:$0x3FAC] =	sst s0  }
0x9: {  	[smem:$0x3FAD] =	sst s1  }
0xa: {  	[smem:$0x3FAE] =	sst s2  }
0xb: {  	[smem:$0x3FAF] =	sst s3  }
0xc: {  	[smem:$0x3FB0] =	sst s4  }
0xd: {  	[smem:$0x3FB1] =	sst s5  }
0xe: {  	[smem:$0x3FB2] =	sst s6  }
0xf: {  	[smem:$0x3FB3] =	sst s7  }
0x10: {  	[smem:$0x3FB4] =	sst s8  }
0x11: {  	[smem:$0x3FB5] =	sst s9;
	s0 =	simm.s32 @!p0 $0x0  }
0x12: {  	s1 =	sld [smem:$0x3F9B];
	s0 =	simm.s32 @p0 $0x1  }
0x13: {  	[smem:$0x3FB6] =	sst s0;
	s0 =	simm.s32 @!p1 $0x0  }
0x14: {  	s2 =	sld [smem:$0x3F9A];
	s0 =	simm.s32 @p1 $0x1  }
0x15: {  	[smem:$0x3FB7] =	sst s0;
	s0 =	simm.s32 @!p2 $0x0  }
0x16: {  	s3 =	sld [smem:$0x3FDB];
	s0 =	simm.s32 @p2 $0x1  }
0x17: {  	s4 =	simm.s32 $0x1BF5;
	[smem:$0x3FB9] =	sst s0  }
0x18: {  	s0 =	sld [smem:$0x3F9C];
	_ =	swait.ge [sflag:s4], $0x0  }
0x19: {  	s7 =	sld [smem:$0x3F9D]  }
0x1a: {  	s8 =	sadd.s32 $0xFFFFE003, lr  }
0x1b: {  	s9 =	sadd.s32 $0xFFFFFEF7, lr;
	s5 =	simm.s32 $0xFFFFFFFF;
	p2 =	slt.u32 s8, $0xFFFFF086  }
0x1c: {  	p1 =	slt.u32 s9, $0xF7A;
	s5 =	simm.s32 @!p2 $0x0  }
0x1d: {  	s5 =	simm.s32 @p1 $0x1;
	p0 =	seq.s32 s7, s2  }
0x1e: {  	s7 =	smul.u32 @!p0 $0xF7A, s2;
	p2 =	seq.s32 @!p0 s5, $0x0  }
0x1f: {  	s9 =	smul.u32 $0xF7A, s1;
	s8 =	simm.s32 @!p0 $0x1BF5;
	p2 =	por !p2, p0  }
0x20: {  	[sflag:s8] =	ssyncset.s32 @!p0 $0xFFFFF086;
	s6 =	sadd.s32 @!p0 s3, s7;
	s7 =	simm.s32 @!p0 $0x108  }
0x21: {  	s3 =	sadd.s32 s3, s9;
	s6 =	sadd.s32 @!p0 $0x88, s6;
	s7 =	simm.s32 @p2 $0x1082  }
0x22: {  	[simem:s7], [sflag:s8] =	dma.local @!p0 [hbm:s6], $0xF7A  }
0x23: {  	s9 =	sor.u32 $0xD0000000, s2;
	s6 =	simm.s32 $0x108;
	_ =	swait.ge @!p0 [sflag:s8], $0x0  }
0x24: {  	s3 =	sadd.s32 $0x88, s3;
	s6 =	simm.s32 @!p1 $0x1082;
	[sflag:s4] =	ssyncset.s32 $0xFFFFF086  }
0x25: {  	[simem:s6], [sflag:s4] =	dma.local [hbm:s3], $0xF7A  }
0x26: {  	[smem:$0x3F9D] =	sst s1;
	(tag) =	ssettag s2;
	_ =	strace s9  }
0x27: {  	s1 =	sld [smem:$0x3FAD]  }
0x28: {  	s2 =	sld [smem:$0x3FAE]  }
0x29: {  	s4 =	sld [smem:$0x3FB0]  }
0x2a: {  	p0 =	seq.s32 s5, $0x0;
	s5 =	sld [smem:$0x3FB1]  }
0x2b: {  	s6 =	sld [smem:$0x3FB2]  }
0x2c: {  	s7 =	sld [smem:$0x3FB3]  }
0x2d: {  	s3 =	simm.s32 $0x108;
	s8 =	sld [smem:$0x3FB4]  }
0x2e: {  	s3 =	simm.s32 @!p0 $0x1082;
	s9 =	sld [smem:$0x3FB5]  }
0x2f: {  	lr =	sadd.s32 s0, s3;
	s0 =	sld [smem:$0x3FAC]  }
0x30: {  	s3 =	sld [smem:$0x3FAF]  }
0x31: {  	[smem:$0x3FB8] =	sst s10  }
0x32: {  	s10 =	sld [smem:$0x3FB6];
	_ =	sdelay $0x3  }
0x33: {  	p0 =	seq.s32 s10, $0x1;
	s10 =	sld [smem:$0x3FB8];
	_ =	sdelay $0x3  }
0x34: {  	[smem:$0x3FB8] =	sst s10  }
0x35: {  	s10 =	sld [smem:$0x3FB7];
	_ =	sdelay $0x3  }
0x36: {  	p1 =	seq.s32 s10, $0x1;
	s10 =	sld [smem:$0x3FB8];
	_ =	sdelay $0x3  }
0x37: {  	[smem:$0x3FB8] =	sst s10  }
0x38: {  	s10 =	sld [smem:$0x3FB9]  }
0x39: {  	_ = 	snop;
	(pc) =	sbr.ind lr, $3  }
0x3a: {  	_ = 	snop  }
0x3b: {  	_ = 	snop  }
0x3c: {  	p2 =	seq.s32 s10, $0x1;
	s10 =	sld [smem:$0x3FB8]  }
0x3d: {  	_ =	shalt  }
0x3e: {  	_ =	shalt  }
0x3f: {  	_ =	shalt  }
0x40: {  	_ =	shalt  }
0x41: {  	_ =	shalt  }
0x42: {  	_ =	shalt  }
0x43: {  	_ =	shalt  }
0x44: {  	_ =	shalt  }
0x45: {  	_ =	shalt  }
0x46: {  	_ =	shalt  }
0x47: {  	_ =	shalt  }
0x48: {  	_ =	shalt  }
0x49: {  	_ =	shalt  }
0x4a: {  	_ =	shalt  }
0x4b: {  	_ =	shalt  }
0x4c: {  	_ =	shalt  }
0x4d: {  	_ =	shalt  }
0x4e: {  	_ =	shalt  }
0x4f: {  	_ =	shalt  }
0x50: {  	_ =	shalt  }
0x51: {  	_ =	shalt  }
0x52: {  	_ =	shalt  }
0x53: {  	_ =	shalt  }
0x54: {  	_ =	shalt  }
0x55: {  	_ =	shalt  }
0x56: {  	_ =	shalt  }
0x57: {  	_ =	shalt  }
0x58: {  	_ =	shalt  }
0x59: {  	_ =	shalt  }
0x5a: {  	_ =	shalt  }
0x5b: {  	_ =	shalt  }
0x5c: {  	_ =	shalt  }
0x5d: {  	_ =	shalt  }
0x5e: {  	_ =	shalt  }
0x5f: {  	_ =	shalt  }
0x60: {  	_ =	shalt  }
0x61: {  	_ =	shalt  }
0x62: {  	_ =	shalt  }
0x63: {  	_ =	shalt  }
0x64: {  	_ =	shalt  }
0x65: {  	_ =	shalt  }
0x66: {  	_ =	shalt  }
0x67: {  	_ =	shalt  }
0x68: {  	_ =	shalt  }
0x69: {  	_ =	shalt  }
0x6a: {  	_ =	shalt  }
0x6b: {  	_ =	shalt  }
0x6c: {  	_ =	shalt  }
0x6d: {  	_ =	shalt  }
0x6e: {  	_ =	shalt  }
0x6f: {  	_ =	shalt  }
0x70: {  	_ =	shalt  }
0x71: {  	_ =	shalt  }
0x72: {  	_ =	shalt  }
0x73: {  	_ =	shalt  }
0x74: {  	_ =	shalt  }
0x75: {  	_ =	shalt  }
0x76: {  	_ =	shalt  }
0x77: {  	_ =	shalt  }
0x78: {  	_ =	shalt  }
0x79: {  	_ =	shalt  }
0x7a: {  	_ =	shalt  }
0x7b: {  	_ =	shalt  }
0x7c: {  	_ =	shalt  }
0x7d: {  	_ =	shalt  }
0x7e: {  	_ =	shalt  }
0x7f: {  	_ =	shalt  }
0x80: {  	_ =	shalt  }
0x81: {  	_ =	shalt  }
0x82: {  	_ =	shalt  }
0x83: {  	_ =	shalt  }
0x84: {  	_ =	shalt  }
0x85: {  	_ =	shalt  }
0x86: {  	_ =	shalt  }
0x87: {  	_ =	shalt  }
.Lfunc_end0:
.L_simem_size_0:
called_computation_lowered:
.L_overlay_start_0:
0x88: {  	s2 =	sld [smem:$0x3FD9]  }
0x89: {  	s3 =	sld [smem:$0x3FFE];
	_ =	sdelay $0x1  }
0x8a: {  	s1 =	srdreg.scid  }
0x8b: {  	s0 =	sand.u32 $0x1, s1  }
0x8c: {  	s17 =	sshll.u32 s0, $0xA;
	s2 =	sadd.s32 s3, s2  }
0x8d: {  	s2 =	sadd.s32 s2, s17  }
0x8e: {  	[smem:$0x3FC4] =	sst s2  }
0x8f: {  	_ = 	snop  }
0x90: {  	s2 =	sld [smem:$0x3FC9]  }
0x91: {  	s18 =	sld [smem:$0x3FC7];
	(tm) =	ssettm $0x1  }
0x92: {  	s4 =	sld [smem:$0x3FFB];
	_ =	sdelay $0x3  }
0x93: {  	_ =	strace s4  }
0x94: {  	s4 =	sld [smem:$0x3FFC];
	_ =	sdelay $0x3  }
0x95: {  	_ =	strace s4  }
0x96: {  	s4 =	sld [smem:$0x3FFD];
	_ =	sdelay $0x3  }
0x97: {  	_ =	strace s4  }
0x98: {  	_ =	strace $0x8FFFFFFF  }
0x99: {  	s19 =	sld [smem:$0x3FDB];
	_ =	sdelay $0x1  }
0x9a: {  	s5 =	simm.s32 $_scs_section_size  }
0x9b: {  	s6 =	simm.s32 $_size__tile_overlayer_lowered;
	s7 =	simm.s32 $_tile_overlayer_lowered  }
0x9c: {  	s22 =	simm.s32 $0x1BFF;
	s21 =	sshll.u32 s7, $0x1;
	s4 =	sadd.s32 s5, s19  }
0x9d: {  	s8 =	simm.s32 $0x0;
	s20 =	sshll.u32 s6, $0x1;
	s6 =	sadd.s32 s21, s4  }
0x9e: {  	[timem:s8], [sflag:s22] =	dma.local [hbm:s6], s20  }
0x9f: {  	_ =	swait.ge [sflag:s22], s20  }
0xa0: {  	s5 =	ssub.s32 $0x0, s20;
	[sflag:s22] =	ssyncset.done $0x0  }
0xa1: {  	[sflag:s22] =	ssyncadd.s32 s5;
	_ =	sdelay $0x1  }
0xa2: {  	s23 =	simm.s32 $0x1B8B  }
0xa3: {  	_ =	swait.ge [sflag:s23], $0x1  }
0xa4: {  	[sflag:s23] =	ssyncset.done $0x0  }
0xa5: {  	s25 =	simm.s32 $0x1B8E;
	s24 =	sld [smem:$0x3FFE];
	[sflag:s23] =	ssyncadd.s32 $0xFFFFFFFF  }
0xa6: {  	s26 =	simm.s32 $execute0_lowered;
	[smem:$0x3FD2] =	sst s25  }
0xa7: {  	s6 =	sshll.u32 s26, $0x1;
	_ =	strace $0x80000046;
	[dreg:$0x1] =	wrdreg $0xFFFFFFFF  }
0xa8: {  	s28 =	simm.s32 $_size_execute0_lowered;
	s4 =	sadd.s32 s4, s6;
	[dreg:$0x0] =	wrdreg $0x0  }
0xa9: {  	s6 =	sshll.u32 s28, $0x1;
	[dreg:$0x2] =	wrdreg s4  }
0xaa: {  	[dreg:$0x3] =	wrdreg s6  }
0xab: {  	[dreg:$0x4] =	wrdreg $0xC0  }
0xac: {  	_ =	task [dreg:s8], $0x5FFFF  }
0xad: {  	[dreg:$0x1] =	wrdreg $0xFFFFFFFF  }
0xae: {  	[dreg:$0x0] =	wrdreg $0x60  }
0xaf: {  	[dreg:$0x2] =	wrdreg s2  }
0xb0: {  	[dreg:$0x3] =	wrdreg s18  }
0xb1: {  	[dreg:$0x4] =	wrdreg s24  }
0xb2: {  	[dreg:$0x5] =	wrdreg $0x9  }
0xb3: {  	_ =	task.clear_ibuf [dreg:s8], $0x6FFFF;
	_ =	strace $0x90000046  }
0xb4: {  	s29 =	simm.s32 $0x9;
	_ =	strace $0x80000048  }
0xb5: {  	_ =	swait.ge [sflag:s29], $0x1  }
0xb6: {  	[sflag:s29] =	ssyncadd.s32 $0xFFFFFFFF  }
0xb7: {  	_ =	strace $0x90000048  }
0xb8: {  	_ =	sfence  }
0xb9: {  	s30 =	sld [smem:$0x0];
	_ =	sdelay $0x2  }
0xba: {  	s31 =	sshll.u32 s1, $0xD;
	s1 =	sshrl.u32 s1, $0x2  }
0xbb: {  	s3 =	sand.u32 $0x4000, s31;
	s1 =	sadd.s32 s1, s30  }
0xbc: {  	s0 =	sor.u32 s3, s0;
	s1 =	sshll.u32 s1, $0x11  }
0xbd: {  	s0 =	sor.u32 s1, s0  }
0xbe: {  	s0 =	sadd.s32 $0x8F2B, s0  }
0xbf: {  	[sflag:s0] =	ssyncadd.remote.s32 $0x1  }
0xc0: {  	_ =	sfence.sel $0xFFFF  }
0xc1: {  	[dreg:$0x0] =	wrdreg $0xFFFFFFFF;
	(pc) =	sbr.abs _section_cstart, $3  }
0xc2: {  	[dreg:$0x1] =	wrdreg $0xFFFFFFFF  }
0xc3: {  	_ =	task.clear_ibuf [dreg:s8], $0x2FFFF;
	_ =	strace $0x9FFFFFFF  }
0xc4: {  	(tm) =	ssettm $0x7FFFFFFF  }
0xc5: {  	_ =	shalt  }
tec
execute0_lowered:
.L_overlay_start_1:
0x0: {  	(tag) =	ssettag $0x1  }
0x1: {  	s0 =	rddreg [dreg:$0x0]  }
0x2: {  	s2 =	rddreg [dreg:$0x1]  }
0x3: {  	s1 =	rddreg [dreg:$0x2]  }
0x4: {  	s4 =	srdreg.scid;
	s3 =	stileid.u32  }
0x5: {  	s29 =	simm.s32 $0x0;
	s7 =	simm.s32 $0x3;
	s8 =	simm.s32 $0x400  }
0x6: {  	s9 =	simm.s32 $0x7A1400;
	s10 =	simm.s32 $0x200;
	s11 =	simm.s32 $0x1200  }
0x7: {  	s12 =	simm.s32 $0x2200;
	s13 =	simm.s32 $0x3200;
	s14 =	simm.s32 $0x4200  }
0x8: {  	s15 =	simm.s32 $0x5200;
	s16 =	simm.s32 $0x6200;
	s17 =	simm.s32 $0x7200  }
0x9: {  	s18 =	simm.s32 $0x8200;
	s19 =	simm.s32 $0x9200;
	s20 =	simm.s32 $0xA200  }
0xa: {  	s21 =	simm.s32 $0xB200;
	s22 =	simm.s32 $0xC200;
	s23 =	simm.s32 $0xD200  }
0xb: {  	s24 =	simm.s32 $0xE200;
	s25 =	simm.s32 $0xF200;
	s28 =	simm.s32 $0x2  }
0xc: {  	s4 =	sand.u32 $0x1, s4;
	s5 =	sshll.u32 s3, $0x1;
	[smem:$0x7FF] =	sst s29  }
0xd: {  	s30 =	simm.s32 $0x0;
	s5 =	sor.u32 s4, s5;
	_ =	strace $0x80000047  }
0xe: {  	v0 =	vlaneseq.u32;
	s4 =	ssub.s32 $0x2, s4;
	s6 =	sshll.u32 s5, $0xB;
	s5 =	sshll.u32 s5, $0x6  }
0xf: {  	v0 =	vmul.u32 $0x80, v0;
	s26 =	sshrl.u32 s4, $0x1;
	s1 =	sadd.s32 s6, s1;
	s0 =	sadd.s32 s0, s5  }
0x10: {  	s6 =	ssub.s32 s4, s26;
	[dreg:$0x4] =	wrdreg s0;
	s31 =	sadd.s32 $0xA00, s1  }
0x11: {  	v1 =	vor.u32 $0x800, v0;
	s26 =	simm.s32 $0x1;
	s6 =	smax.u32 s6, $0x1;
	[dreg:$0x5] =	wrdreg s31  }
.LBB2_1:
0x12: {  	s0 =	rddreg [dreg:$0x4]  }
0x13: {  	[tilespmem:s29], [sflag:$0x3] =	stream.linear.gather [hbm4b:s0+s29], $0x200, $0x38;
	[tilespmem:$0x14200] =	vst v63  }
0x14: {  	_ =	swait.ge [sflag:s7], $0x200  }
0x15: {  	[sflag:s7] =	ssyncset.done $0x0  }
0x16: {  	[sflag:s7] =	ssyncadd.s32 $0xFFFFFE00  }
0x17: {  	v2 =	vld [tilespmem:$0x0];
	_ =	sdelay $0x4  }
0x18: {  	v2 =	vand.u32 $0xFFFFFF80, v2  }
0x19: {  	v2 =	vadd.s32 s2, v2  }
0x1a: {  	(v2sf) =	vpush v2, $0x0;
	_ =	sdelay $0x1  }
0x1b: {  	(v2sf) =	vpush v2, $0x1;
	_ =	sdelay $0x1  }
0x1c: {  	(v2sf) =	vpush v2, $0x2;
	_ =	sdelay $0x1  }
0x1d: {  	(v2sf) =	vpush v2, $0x3;
	_ =	sdelay $0x1  }
0x1e: {  	(v2sf) =	vpush v2, $0x4;
	_ =	sdelay $0x1  }
0x1f: {  	(v2sf) =	vpush v2, $0x5;
	_ =	sdelay $0x1  }
0x20: {  	(v2sf) =	vpush v2, $0x6;
	_ =	sdelay $0x1  }
0x21: {  	(v2sf) =	vpush v2, $0x7  }
0x22: {  	s5 =	spop (v2sf)  }
0x23: {  	[tilespmem:s10], [sflag:$0x1] =	stream.strided.gather [hbm4b:s5+s8], $0x1000, s9, s8, $0x38;
	[tilespmem:$0x14200] =	vst v63  }
0x24: {  	s29 =	spop (v2sf)  }
0x25: {  	[tilespmem:s11], [sflag:$0x1] =	stream.strided.gather [hbm4b:s29+s8], $0x1000, s9, s8, $0x38;
	[tilespmem:$0x14200] =	vst v63  }
0x26: {  	s1 =	spop (v2sf)  }
0x27: {  	[tilespmem:s12], [sflag:$0x1] =	stream.strided.gather [hbm4b:s1+s8], $0x1000, s9, s8, $0x38;
	[tilespmem:$0x14200] =	vst v63  }
0x28: {  	s3 =	spop (v2sf)  }
0x29: {  	[tilespmem:s13], [sflag:$0x1] =	stream.strided.gather [hbm4b:s3+s8], $0x1000, s9, s8, $0x38;
	[tilespmem:$0x14200] =	vst v63  }
0x2a: {  	s4 =	spop (v2sf)  }
0x2b: {  	[tilespmem:s14], [sflag:$0x1] =	stream.strided.gather [hbm4b:s4+s8], $0x1000, s9, s8, $0x38;
	[tilespmem:$0x14200] =	vst v63  }
0x2c: {  	s5 =	spop (v2sf)  }
0x2d: {  	[tilespmem:s15], [sflag:$0x1] =	stream.strided.gather [hbm4b:s5+s8], $0x1000, s9, s8, $0x38;
	[tilespmem:$0x14200] =	vst v63  }
0x2e: {  	s29 =	spop (v2sf)  }
0x2f: {  	[tilespmem:s16], [sflag:$0x1] =	stream.strided.gather [hbm4b:s29+s8], $0x1000, s9, s8, $0x38;
	[tilespmem:$0x14200] =	vst v63  }
0x30: {  	s1 =	spop (v2sf);
	s3 =	simm.s32 $0x0  }
0x31: {  	[tilespmem:s17], [sflag:$0x1] =	stream.strided.gather [hbm4b:s1+s8], $0x1000, s9, s8, $0x38;
	[tilespmem:$0x14200] =	vst v63  }
0x32: {  	v2 =	vld [tilespmem:s3+$0x0];
	_ =	sdelay $0x4  }
0x33: {  	v3 =	vand.u32 $0xFFFFFF80, v2  }
0x34: {  	v3 =	vadd.s32 s2, v3  }
0x35: {  	(v2sf) =	vpush v3, $0x8;
	_ =	sdelay $0x1  }
0x36: {  	(v2sf) =	vpush v3, $0x9;
	_ =	sdelay $0x1  }
0x37: {  	(v2sf) =	vpush v3, $0xA;
	_ =	sdelay $0x1  }
0x38: {  	(v2sf) =	vpush v3, $0xB;
	_ =	sdelay $0x1  }
0x39: {  	(v2sf) =	vpush v3, $0xC;
	_ =	sdelay $0x1  }
0x3a: {  	(v2sf) =	vpush v3, $0xD;
	_ =	sdelay $0x1  }
0x3b: {  	(v2sf) =	vpush v3, $0xE;
	_ =	sdelay $0x1  }
0x3c: {  	(v2sf) =	vpush v3, $0xF  }
0x3d: {  	s4 =	spop (v2sf)  }
0x3e: {  	[tilespmem:s18], [sflag:$0x2] =	stream.strided.gather [hbm4b:s4+s8], $0x1000, s9, s8, $0x38;
	[tilespmem:$0x14200] =	vst v63  }
0x3f: {  	s5 =	spop (v2sf)  }
0x40: {  	[tilespmem:s19], [sflag:$0x2] =	stream.strided.gather [hbm4b:s5+s8], $0x1000, s9, s8, $0x38;
	[tilespmem:$0x14200] =	vst v63  }
0x41: {  	s29 =	spop (v2sf)  }
0x42: {  	[tilespmem:s20], [sflag:$0x2] =	stream.strided.gather [hbm4b:s29+s8], $0x1000, s9, s8, $0x38;
	[tilespmem:$0x14200] =	vst v63  }
0x43: {  	s1 =	spop (v2sf)  }
0x44: {  	[tilespmem:s21], [sflag:$0x2] =	stream.strided.gather [hbm4b:s1+s8], $0x1000, s9, s8, $0x38;
	[tilespmem:$0x14200] =	vst v63  }
0x45: {  	s3 =	spop (v2sf)  }
0x46: {  	[tilespmem:s22], [sflag:$0x2] =	stream.strided.gather [hbm4b:s3+s8], $0x1000, s9, s8, $0x38;
	[tilespmem:$0x14200] =	vst v63  }
0x47: {  	s4 =	spop (v2sf)  }
0x48: {  	[tilespmem:s23], [sflag:$0x2] =	stream.strided.gather [hbm4b:s4+s8], $0x1000, s9, s8, $0x38;
	[tilespmem:$0x14200] =	vst v63  }
0x49: {  	s5 =	spop (v2sf)  }
0x4a: {  	[tilespmem:s24], [sflag:$0x2] =	stream.strided.gather [hbm4b:s5+s8], $0x1000, s9, s8, $0x38;
	[tilespmem:$0x14200] =	vst v63  }
0x4b: {  	s29 =	spop (v2sf)  }
0x4c: {  	[tilespmem:s25], [sflag:$0x2] =	stream.strided.gather [hbm4b:s29+s8], $0x1000, s9, s8, $0x38;
	[tilespmem:$0x14200] =	vst v63  }
0x4d: {  	_ =	swait.ge [sflag:s26], $0x1000  }
0x4e: {  	[sflag:s26] =	ssyncset.done $0x0  }
0x4f: {  	[sflag:s26] =	ssyncadd.s32 $0xFFFFF000  }
0x50: {  	_ =	swait.ge [sflag:s26], $0x1000  }
0x51: {  	[sflag:s26] =	ssyncset.done $0x0  }
0x52: {  	[sflag:s26] =	ssyncadd.s32 $0xFFFFF000  }
0x53: {  	_ =	swait.ge [sflag:s26], $0x1000  }
0x54: {  	[sflag:s26] =	ssyncset.done $0x0  }
0x55: {  	[sflag:s26] =	ssyncadd.s32 $0xFFFFF000  }
0x56: {  	_ =	swait.ge [sflag:s26], $0x1000  }
0x57: {  	[sflag:s26] =	ssyncset.done $0x0  }
0x58: {  	[sflag:s26] =	ssyncadd.s32 $0xFFFFF000  }
0x59: {  	_ =	swait.ge [sflag:s26], $0x1000  }
0x5a: {  	[sflag:s26] =	ssyncset.done $0x0  }
0x5b: {  	[sflag:s26] =	ssyncadd.s32 $0xFFFFF000  }
0x5c: {  	_ =	swait.ge [sflag:s26], $0x1000  }
0x5d: {  	v2 =	vand.u32 $0x7F, v2;
	[sflag:s26] =	ssyncset.done $0x0  }
0x5e: {  	v3 =	vbroadcast v2, $0x0;
	[sflag:s26] =	ssyncadd.s32 $0xFFFFF000  }
0x5f: {  	_ =	swait.ge [sflag:s26], $0x1000  }
0x60: {  	v4 =	vor.u32 v0, v3;
	[sflag:s26] =	ssyncset.done $0x0  }
0x61: {  	v3 =	vor.u32 v1, v3;
	[sflag:s26] =	ssyncadd.s32 $0xFFFFF000  }
0x62: {  	_ =	swait.ge [sflag:s26], $0x1000  }
0x63: {  	[sflag:s26] =	ssyncset.done $0x0  }
0x64: {  	[sflag:s26] =	ssyncadd.s32 $0xFFFFF000  }
0x65: {  	v5 =	vbroadcast v2, $0x1;
	v4 =	vld.idx.msk [tilespmem:v4+s10+$0x0], $0xffff  }
0x66: {  	v3 =	vld.idx.msk [tilespmem:v3+s10+$0x0], $0xffff  }
0x67: {  	v6 =	vor.u32 v0, v5  }
0x68: {  	v5 =	vor.u32 v1, v5  }
0x69: {  	s31 =	simm.s32 $0x10300  }
0x6a: {  	[tilespmem:s31+$0xFFFFFF00] =	vst v4  }
0x6b: {  	[tilespmem:s31+$0xFFFFFF10] =	vst v3  }
0x6c: {  	v3 =	vbroadcast v2, $0x2;
	v4 =	vld.idx.msk [tilespmem:v6+s11+$0x0], $0xffff  }
0x6d: {  	v5 =	vld.idx.msk [tilespmem:v5+s11+$0x0], $0xffff  }
0x6e: {  	v6 =	vor.u32 v0, v3  }
0x6f: {  	v3 =	vor.u32 v1, v3;
	_ =	sdelay $0x1  }
0x70: {  	[tilespmem:s31+$0xFFFFFF20] =	vst v4  }
0x71: {  	[tilespmem:s31+$0xFFFFFF30] =	vst v5  }
0x72: {  	v4 =	vbroadcast v2, $0x3;
	v5 =	vld.idx.msk [tilespmem:v6+s12+$0x0], $0xffff  }
0x73: {  	v3 =	vld.idx.msk [tilespmem:v3+s12+$0x0], $0xffff  }
0x74: {  	v6 =	vor.u32 v0, v4  }
0x75: {  	v4 =	vor.u32 v1, v4;
	_ =	sdelay $0x1  }
0x76: {  	[tilespmem:s31+$0xFFFFFF40] =	vst v5  }
0x77: {  	[tilespmem:s31+$0xFFFFFF50] =	vst v3  }
0x78: {  	v3 =	vbroadcast v2, $0x4;
	v5 =	vld.idx.msk [tilespmem:v6+s13+$0x0], $0xffff  }
0x79: {  	v4 =	vld.idx.msk [tilespmem:v4+s13+$0x0], $0xffff  }
0x7a: {  	v6 =	vor.u32 v0, v3  }
0x7b: {  	v3 =	vor.u32 v1, v3;
	_ =	sdelay $0x1  }
0x7c: {  	[tilespmem:s31+$0xFFFFFF60] =	vst v5  }
0x7d: {  	[tilespmem:s31+$0xFFFFFF70] =	vst v4  }
0x7e: {  	v4 =	vbroadcast v2, $0x5;
	v5 =	vld.idx.msk [tilespmem:v6+s14+$0x0], $0xffff  }
0x7f: {  	v3 =	vld.idx.msk [tilespmem:v3+s14+$0x0], $0xffff  }
0x80: {  	v6 =	vor.u32 v0, v4  }
0x81: {  	v4 =	vor.u32 v1, v4;
	_ =	sdelay $0x1  }
0x82: {  	[tilespmem:s31+$0xFFFFFF80] =	vst v5  }
0x83: {  	[tilespmem:s31+$0xFFFFFF90] =	vst v3  }
0x84: {  	v3 =	vbroadcast v2, $0x6;
	v5 =	vld.idx.msk [tilespmem:v6+s15+$0x0], $0xffff  }
0x85: {  	v4 =	vld.idx.msk [tilespmem:v4+s15+$0x0], $0xffff  }
0x86: {  	v6 =	vor.u32 v0, v3  }
0x87: {  	v3 =	vor.u32 v1, v3;
	_ =	sdelay $0x1  }
0x88: {  	[tilespmem:s31+$0xFFFFFFA0] =	vst v5  }
0x89: {  	[tilespmem:s31+$0xFFFFFFB0] =	vst v4  }
0x8a: {  	v4 =	vbroadcast v2, $0x7;
	v5 =	vld.idx.msk [tilespmem:v6+s16+$0x0], $0xffff  }
0x8b: {  	v3 =	vld.idx.msk [tilespmem:v3+s16+$0x0], $0xffff  }
0x8c: {  	v6 =	vor.u32 v0, v4  }
0x8d: {  	v4 =	vor.u32 v1, v4;
	_ =	sdelay $0x1  }
0x8e: {  	[tilespmem:s31+$0xFFFFFFC0] =	vst v5  }
0x8f: {  	[tilespmem:s31+$0xFFFFFFD0] =	vst v3  }
0x90: {  	v3 =	vld.idx.msk [tilespmem:v6+s17+$0x0], $0xffff  }
0x91: {  	v4 =	vld.idx.msk [tilespmem:v4+s17+$0x0], $0xffff;
	_ =	sdelay $0x3  }
0x92: {  	p0 =	por $0x0, $0x0;
	[tilespmem:s31+$0xFFFFFFE0] =	vst v3  }
0x93: {  	s0 =	simm.s32 @!p0 $0x0;
	[tilespmem:s31+$0xFFFFFFF0] =	vst v4  }
0x94: {  	v3 =	vld @!p0 [tilespmem:s0+$0x10];
	_ =	sdelay $0x4  }
0x95: {  	v3 =	vand.u32 @!p0 $0xFFFFFF80, v3  }
0x96: {  	v3 =	vadd.s32 @!p0 s2, v3  }
0x97: {  	(v2sf) =	vpush @!p0 v3, $0x0;
	_ =	sdelay $0x1  }
0x98: {  	(v2sf) =	vpush @!p0 v3, $0x1;
	_ =	sdelay $0x1  }
0x99: {  	(v2sf) =	vpush @!p0 v3, $0x2;
	_ =	sdelay $0x1  }
0x9a: {  	(v2sf) =	vpush @!p0 v3, $0x3;
	_ =	sdelay $0x1  }
0x9b: {  	(v2sf) =	vpush @!p0 v3, $0x4;
	_ =	sdelay $0x1  }
0x9c: {  	(v2sf) =	vpush @!p0 v3, $0x5;
	_ =	sdelay $0x1  }
0x9d: {  	(v2sf) =	vpush @!p0 v3, $0x6;
	_ =	sdelay $0x1  }
0x9e: {  	s1 =	simm.s32 @!p0 $0x400;
	(v2sf) =	vpush @!p0 v3, $0x7  }
0x9f: {  	s29 =	simm.s32 @!p0 $0x7A1400;
	s0 =	simm.s32 @!p0 $0x200;
	s3 =	spop @!p0 (v2sf)  }
0xa0: {  	[tilespmem:s0], [sflag:$0x1] =	stream.strided.gather @!p0 [hbm4b:s3+s1], $0x1000, s29, s1, $0x38;
	[tilespmem:$0x14200] =	vst v63  }
0xa1: {  	s0 =	simm.s32 @!p0 $0x1200;
	s3 =	spop @!p0 (v2sf)  }
0xa2: {  	[tilespmem:s0], [sflag:$0x1] =	stream.strided.gather @!p0 [hbm4b:s3+s1], $0x1000, s29, s1, $0x38;
	[tilespmem:$0x14200] =	vst v63  }
0xa3: {  	s0 =	simm.s32 @!p0 $0x2200;
	s3 =	spop @!p0 (v2sf)  }
0xa4: {  	[tilespmem:s0], [sflag:$0x1] =	stream.strided.gather @!p0 [hbm4b:s3+s1], $0x1000, s29, s1, $0x38;
	[tilespmem:$0x14200] =	vst v63  }
0xa5: {  	s0 =	simm.s32 @!p0 $0x3200;
	s3 =	spop @!p0 (v2sf)  }
0xa6: {  	[tilespmem:s0], [sflag:$0x1] =	stream.strided.gather @!p0 [hbm4b:s3+s1], $0x1000, s29, s1, $0x38;
	[tilespmem:$0x14200] =	vst v63  }
0xa7: {  	s0 =	simm.s32 @!p0 $0x4200;
	s3 =	spop @!p0 (v2sf)  }
0xa8: {  	[tilespmem:s0], [sflag:$0x1] =	stream.strided.gather @!p0 [hbm4b:s3+s1], $0x1000, s29, s1, $0x38;
	[tilespmem:$0x14200] =	vst v63  }
0xa9: {  	s0 =	simm.s32 @!p0 $0x5200;
	s3 =	spop @!p0 (v2sf)  }
0xaa: {  	[tilespmem:s0], [sflag:$0x1] =	stream.strided.gather @!p0 [hbm4b:s3+s1], $0x1000, s29, s1, $0x38;
	[tilespmem:$0x14200] =	vst v63  }
0xab: {  	s0 =	simm.s32 @!p0 $0x6200;
	s3 =	spop @!p0 (v2sf)  }
0xac: {  	[tilespmem:s0], [sflag:$0x1] =	stream.strided.gather @!p0 [hbm4b:s3+s1], $0x1000, s29, s1, $0x38;
	[tilespmem:$0x14200] =	vst v63  }
0xad: {  	s0 =	simm.s32 @!p0 $0x7200;
	s3 =	spop @!p0 (v2sf)  }
0xae: {  	[tilespmem:s0], [sflag:$0x1] =	stream.strided.gather @!p0 [hbm4b:s3+s1], $0x1000, s29, s1, $0x38;
	[tilespmem:$0x14200] =	vst v63  }
0xaf: {  	_ =	swait.ge [sflag:s28], $0x1000  }
0xb0: {  	[sflag:s28] =	ssyncset.done $0x0  }
0xb1: {  	[sflag:s28] =	ssyncadd.s32 $0xFFFFF000  }
0xb2: {  	_ =	swait.ge [sflag:s28], $0x1000  }
0xb3: {  	[sflag:s28] =	ssyncset.done $0x0  }
0xb4: {  	[sflag:s28] =	ssyncadd.s32 $0xFFFFF000  }
0xb5: {  	_ =	swait.ge [sflag:s28], $0x1000  }
0xb6: {  	[sflag:s28] =	ssyncset.done $0x0  }
0xb7: {  	[sflag:s28] =	ssyncadd.s32 $0xFFFFF000  }
0xb8: {  	_ =	swait.ge [sflag:s28], $0x1000  }
0xb9: {  	[sflag:s28] =	ssyncset.done $0x0  }
0xba: {  	[sflag:s28] =	ssyncadd.s32 $0xFFFFF000  }
0xbb: {  	_ =	swait.ge [sflag:s28], $0x1000  }
0xbc: {  	[sflag:s28] =	ssyncset.done $0x0  }
0xbd: {  	[sflag:s28] =	ssyncadd.s32 $0xFFFFF000  }
0xbe: {  	_ =	swait.ge [sflag:s28], $0x1000  }
0xbf: {  	[sflag:s28] =	ssyncset.done $0x0  }
0xc0: {  	v3 =	vbroadcast v2, $0x8;
	[sflag:s28] =	ssyncadd.s32 $0xFFFFF000  }
0xc1: {  	_ =	swait.ge [sflag:s28], $0x1000  }
0xc2: {  	v4 =	vor.u32 v0, v3;
	[sflag:s28] =	ssyncset.done $0x0  }
0xc3: {  	v3 =	vor.u32 v1, v3;
	[sflag:s28] =	ssyncadd.s32 $0xFFFFF000  }
0xc4: {  	_ =	swait.ge [sflag:s28], $0x1000  }
0xc5: {  	[sflag:s28] =	ssyncset.done $0x0  }
0xc6: {  	[sflag:s28] =	ssyncadd.s32 $0xFFFFF000  }
0xc7: {  	v5 =	vbroadcast v2, $0x9;
	v4 =	vld.idx.msk [tilespmem:v4+s18+$0x0], $0xffff  }
0xc8: {  	v3 =	vld.idx.msk [tilespmem:v3+s18+$0x0], $0xffff  }
0xc9: {  	v6 =	vor.u32 v0, v5  }
0xca: {  	v5 =	vor.u32 v1, v5;
	_ =	sdelay $0x1  }
0xcb: {  	[tilespmem:s31+$0x0] =	vst v4  }
0xcc: {  	[tilespmem:s31+$0x10] =	vst v3  }
0xcd: {  	v3 =	vbroadcast v2, $0xA;
	v4 =	vld.idx.msk [tilespmem:v6+s19+$0x0], $0xffff  }
0xce: {  	v5 =	vld.idx.msk [tilespmem:v5+s19+$0x0], $0xffff  }
0xcf: {  	v6 =	vor.u32 v0, v3  }
0xd0: {  	v3 =	vor.u32 v1, v3;
	_ =	sdelay $0x1  }
0xd1: {  	[tilespmem:s31+$0x20] =	vst v4  }
0xd2: {  	[tilespmem:s31+$0x30] =	vst v5  }
0xd3: {  	v4 =	vbroadcast v2, $0xB;
	v5 =	vld.idx.msk [tilespmem:v6+s20+$0x0], $0xffff  }
0xd4: {  	v3 =	vld.idx.msk [tilespmem:v3+s20+$0x0], $0xffff  }
0xd5: {  	v6 =	vor.u32 v0, v4  }
0xd6: {  	v4 =	vor.u32 v1, v4;
	_ =	sdelay $0x1  }
0xd7: {  	[tilespmem:s31+$0x40] =	vst v5  }
0xd8: {  	[tilespmem:s31+$0x50] =	vst v3  }
0xd9: {  	v3 =	vbroadcast v2, $0xC;
	v5 =	vld.idx.msk [tilespmem:v6+s21+$0x0], $0xffff  }
0xda: {  	v4 =	vld.idx.msk [tilespmem:v4+s21+$0x0], $0xffff  }
0xdb: {  	v6 =	vor.u32 v0, v3  }
0xdc: {  	v3 =	vor.u32 v1, v3;
	_ =	sdelay $0x1  }
0xdd: {  	[tilespmem:s31+$0x60] =	vst v5  }
0xde: {  	[tilespmem:s31+$0x70] =	vst v4  }
0xdf: {  	v4 =	vbroadcast v2, $0xD;
	v5 =	vld.idx.msk [tilespmem:v6+s22+$0x0], $0xffff  }
0xe0: {  	v3 =	vld.idx.msk [tilespmem:v3+s22+$0x0], $0xffff  }
0xe1: {  	v6 =	vor.u32 v0, v4  }
0xe2: {  	v7 =	vor.u32 v1, v4;
	_ =	sdelay $0x1  }
0xe3: {  	[tilespmem:s31+$0x80] =	vst v5  }
0xe4: {  	[tilespmem:s31+$0x90] =	vst v3  }
0xe5: {  	v8 =	vbroadcast v2, $0xE;
	v4 =	vld.idx.msk [tilespmem:v6+s23+$0x0], $0xffff  }
0xe6: {  	v5 =	vld.idx.msk [tilespmem:v7+s23+$0x0], $0xffff  }
0xe7: {  	v6 =	vor.u32 v0, v8  }
0xe8: {  	s1 =	simm.s32 $0x40;
	s0 =	simm.s32 $0x10300;
	v2 =	vbroadcast v2, $0xF;
	v3 =	vor.u32 v1, v8  }
.LBB2_2:
0xe9: {  	s31 =	sadd.s32 $0x200, s31;
	s29 =	smov.u32 s1;
	s1 =	sadd.s32 $0x40, s1  }
0xea: {  	p0 =	sne.s32 s1, $0x800;
	[tilespmem:s0+$0xA0] =	vst v4  }
0xeb: {  	[tilespmem:s0+$0xB0] =	vst v5  }
0xec: {  	v4 =	vld.idx.msk [tilespmem:v6+s24+$0x0], $0xffff  }
0xed: {  	v3 =	vld.idx.msk [tilespmem:v3+s24+$0x0], $0xffff;
	_ =	sdelay $0x1  }
0xee: {  	v5 =	vor.u32 v0, v2  }
0xef: {  	v2 =	vor.u32 v1, v2;
	_ =	sdelay $0x1  }
0xf0: {  	[tilespmem:s0+$0xC0] =	vst v4  }
0xf1: {  	[tilespmem:s0+$0xD0] =	vst v3  }
0xf2: {  	v3 =	vld.idx.msk [tilespmem:v5+s25+$0x0], $0xffff  }
0xf3: {  	v2 =	vld.idx.msk [tilespmem:v2+s25+$0x0], $0xffff;
	_ =	sdelay $0x3  }
0xf4: {  	s3 =	sshra.s32 s29, $0x2  }
0xf5: {  	[tilespmem:s0+$0xE0] =	vst v3  }
0xf6: {  	[tilespmem:s0+$0xF0] =	vst v2;
	s0 =	smov.u32 s31  }
0xf7: {  	v2 =	vld [tilespmem:s3+$0x0];
	_ =	sdelay $0x4  }
0xf8: {  	v3 =	vand.u32 $0xFFFFFF80, v2;
	v2 =	vand.u32 $0x7F, v2  }
0xf9: {  	v16 =	vadd.s32 s2, v3;
	v17 =	vbroadcast v2, $0x0;
	v18 =	vbroadcast v2, $0x1  }
0xfa: {  	v15 =	vbroadcast v2, $0x2;
	v14 =	vbroadcast v2, $0x3;
	(v2sf) =	vpush v16, $0x8  }
0xfb: {  	v13 =	vbroadcast v2, $0x4;
	v12 =	vbroadcast v2, $0x5  }
0xfc: {  	v11 =	vbroadcast v2, $0x6;
	v10 =	vbroadcast v2, $0x7;
	(v2sf) =	vpush v16, $0x9  }
0xfd: {  	v9 =	vbroadcast v2, $0x8;
	v8 =	vbroadcast v2, $0x9  }
0xfe: {  	v7 =	vbroadcast v2, $0xA;
	v6 =	vbroadcast v2, $0xB;
	(v2sf) =	vpush v16, $0xA  }
0xff: {  	v5 =	vbroadcast v2, $0xC;
	v4 =	vbroadcast v2, $0xD  }
0x100: {  	v3 =	vbroadcast v2, $0xE;
	v2 =	vbroadcast v2, $0xF;
	(v2sf) =	vpush v16, $0xB;
	_ =	sdelay $0x1  }
0x101: {  	(v2sf) =	vpush v16, $0xC;
	_ =	sdelay $0x1  }
0x102: {  	(v2sf) =	vpush v16, $0xD;
	_ =	sdelay $0x1  }
0x103: {  	(v2sf) =	vpush v16, $0xE;
	_ =	sdelay $0x1  }
0x104: {  	(v2sf) =	vpush v16, $0xF  }
0x105: {  	s3 =	spop (v2sf)  }
0x106: {  	[tilespmem:s18], [sflag:$0x2] =	stream.strided.gather [hbm4b:s3+s8], $0x1000, s9, s8, $0x38;
	[tilespmem:$0x14200] =	vst v63  }
0x107: {  	s3 =	spop (v2sf)  }
0x108: {  	[tilespmem:s19], [sflag:$0x2] =	stream.strided.gather [hbm4b:s3+s8], $0x1000, s9, s8, $0x38;
	[tilespmem:$0x14200] =	vst v63  }
0x109: {  	s3 =	spop (v2sf)  }
0x10a: {  	[tilespmem:s20], [sflag:$0x2] =	stream.strided.gather [hbm4b:s3+s8], $0x1000, s9, s8, $0x38;
	[tilespmem:$0x14200] =	vst v63  }
0x10b: {  	s3 =	spop (v2sf)  }
0x10c: {  	[tilespmem:s21], [sflag:$0x2] =	stream.strided.gather [hbm4b:s3+s8], $0x1000, s9, s8, $0x38;
	[tilespmem:$0x14200] =	vst v63  }
0x10d: {  	s3 =	spop (v2sf)  }
0x10e: {  	[tilespmem:s22], [sflag:$0x2] =	stream.strided.gather [hbm4b:s3+s8], $0x1000, s9, s8, $0x38;
	[tilespmem:$0x14200] =	vst v63  }
0x10f: {  	s3 =	spop (v2sf)  }
0x110: {  	[tilespmem:s23], [sflag:$0x2] =	stream.strided.gather [hbm4b:s3+s8], $0x1000, s9, s8, $0x38;
	[tilespmem:$0x14200] =	vst v63  }
0x111: {  	s3 =	spop (v2sf)  }
0x112: {  	[tilespmem:s24], [sflag:$0x2] =	stream.strided.gather [hbm4b:s3+s8], $0x1000, s9, s8, $0x38;
	[tilespmem:$0x14200] =	vst v63  }
0x113: {  	s3 =	spop (v2sf)  }
0x114: {  	[tilespmem:s25], [sflag:$0x2] =	stream.strided.gather [hbm4b:s3+s8], $0x1000, s9, s8, $0x38;
	[tilespmem:$0x14200] =	vst v63  }
0x115: {  	_ =	swait.ge [sflag:s26], $0x1000  }
0x116: {  	[sflag:s26] =	ssyncset.done $0x0  }
0x117: {  	[sflag:s26] =	ssyncadd.s32 $0xFFFFF000  }
0x118: {  	_ =	swait.ge [sflag:s26], $0x1000  }
0x119: {  	[sflag:s26] =	ssyncset.done $0x0  }
0x11a: {  	[sflag:s26] =	ssyncadd.s32 $0xFFFFF000  }
0x11b: {  	_ =	swait.ge [sflag:s26], $0x1000  }
0x11c: {  	[sflag:s26] =	ssyncset.done $0x0  }
0x11d: {  	[sflag:s26] =	ssyncadd.s32 $0xFFFFF000  }
0x11e: {  	_ =	swait.ge [sflag:s26], $0x1000  }
0x11f: {  	[sflag:s26] =	ssyncset.done $0x0  }
0x120: {  	[sflag:s26] =	ssyncadd.s32 $0xFFFFF000  }
0x121: {  	_ =	swait.ge [sflag:s26], $0x1000  }
0x122: {  	[sflag:s26] =	ssyncset.done $0x0  }
0x123: {  	[sflag:s26] =	ssyncadd.s32 $0xFFFFF000  }
0x124: {  	_ =	swait.ge [sflag:s26], $0x1000  }
0x125: {  	[sflag:s26] =	ssyncset.done $0x0  }
0x126: {  	[sflag:s26] =	ssyncadd.s32 $0xFFFFF000  }
0x127: {  	_ =	swait.ge [sflag:s26], $0x1000  }
0x128: {  	v16 =	vor.u32 v0, v17;
	[sflag:s26] =	ssyncset.done $0x0  }
0x129: {  	v17 =	vor.u32 v1, v17;
	[sflag:s26] =	ssyncadd.s32 $0xFFFFF000  }
0x12a: {  	_ =	swait.ge [sflag:s26], $0x1000  }
0x12b: {  	[sflag:s26] =	ssyncset.done $0x0  }
0x12c: {  	[sflag:s26] =	ssyncadd.s32 $0xFFFFF000  }
0x12d: {  	v16 =	vld.idx.msk [tilespmem:v16+s10+$0x0], $0xffff  }
0x12e: {  	v17 =	vld.idx.msk [tilespmem:v17+s10+$0x0], $0xffff;
	_ =	sdelay $0x1  }
0x12f: {  	v19 =	vor.u32 v0, v18  }
0x130: {  	v18 =	vor.u32 v1, v18;
	_ =	sdelay $0x1  }
0x131: {  	[tilespmem:s31+$0xFFFFFF00] =	vst v16  }
0x132: {  	[tilespmem:s31+$0xFFFFFF10] =	vst v17  }
0x133: {  	v16 =	vld.idx.msk [tilespmem:v19+s11+$0x0], $0xffff  }
0x134: {  	v17 =	vld.idx.msk [tilespmem:v18+s11+$0x0], $0xffff;
	_ =	sdelay $0x1  }
0x135: {  	v18 =	vor.u32 v0, v15  }
0x136: {  	v15 =	vor.u32 v1, v15;
	_ =	sdelay $0x1  }
0x137: {  	[tilespmem:s31+$0xFFFFFF20] =	vst v16  }
0x138: {  	[tilespmem:s31+$0xFFFFFF30] =	vst v17  }
0x139: {  	v16 =	vld.idx.msk [tilespmem:v18+s12+$0x0], $0xffff  }
0x13a: {  	v15 =	vld.idx.msk [tilespmem:v15+s12+$0x0], $0xffff;
	_ =	sdelay $0x1  }
0x13b: {  	v17 =	vor.u32 v0, v14  }
0x13c: {  	v14 =	vor.u32 v1, v14;
	_ =	sdelay $0x1  }
0x13d: {  	[tilespmem:s31+$0xFFFFFF40] =	vst v16  }
0x13e: {  	[tilespmem:s31+$0xFFFFFF50] =	vst v15  }
0x13f: {  	v15 =	vld.idx.msk [tilespmem:v17+s13+$0x0], $0xffff  }
0x140: {  	v14 =	vld.idx.msk [tilespmem:v14+s13+$0x0], $0xffff;
	_ =	sdelay $0x1  }
0x141: {  	v16 =	vor.u32 v0, v13  }
0x142: {  	v13 =	vor.u32 v1, v13;
	_ =	sdelay $0x1  }
0x143: {  	[tilespmem:s31+$0xFFFFFF60] =	vst v15  }
0x144: {  	[tilespmem:s31+$0xFFFFFF70] =	vst v14  }
0x145: {  	v14 =	vld.idx.msk [tilespmem:v16+s14+$0x0], $0xffff  }
0x146: {  	v13 =	vld.idx.msk [tilespmem:v13+s14+$0x0], $0xffff;
	_ =	sdelay $0x1  }
0x147: {  	v15 =	vor.u32 v0, v12  }
0x148: {  	v12 =	vor.u32 v1, v12;
	_ =	sdelay $0x1  }
0x149: {  	[tilespmem:s31+$0xFFFFFF80] =	vst v14  }
0x14a: {  	[tilespmem:s31+$0xFFFFFF90] =	vst v13  }
0x14b: {  	v13 =	vld.idx.msk [tilespmem:v15+s15+$0x0], $0xffff  }
0x14c: {  	v12 =	vld.idx.msk [tilespmem:v12+s15+$0x0], $0xffff;
	_ =	sdelay $0x1  }
0x14d: {  	v14 =	vor.u32 v0, v11  }
0x14e: {  	v11 =	vor.u32 v1, v11;
	_ =	sdelay $0x1  }
0x14f: {  	[tilespmem:s31+$0xFFFFFFA0] =	vst v13  }
0x150: {  	[tilespmem:s31+$0xFFFFFFB0] =	vst v12  }
0x151: {  	v12 =	vld.idx.msk [tilespmem:v14+s16+$0x0], $0xffff  }
0x152: {  	v11 =	vld.idx.msk [tilespmem:v11+s16+$0x0], $0xffff;
	_ =	sdelay $0x1  }
0x153: {  	v13 =	vor.u32 v0, v10  }
0x154: {  	v10 =	vor.u32 v1, v10;
	_ =	sdelay $0x1  }
0x155: {  	[tilespmem:s31+$0xFFFFFFC0] =	vst v12  }
0x156: {  	[tilespmem:s31+$0xFFFFFFD0] =	vst v11  }
0x157: {  	v11 =	vld.idx.msk [tilespmem:v13+s17+$0x0], $0xffff  }
0x158: {  	v10 =	vld.idx.msk [tilespmem:v10+s17+$0x0], $0xffff;
	_ =	sdelay $0x4  }
0x159: {  	p1 =	seq.s32 s29, $0x7C0;
	[tilespmem:s31+$0xFFFFFFE0] =	vst v11  }
0x15a: {  	s3 =	sshra.s32 @!p1 s29, $0x2;
	[tilespmem:s31+$0xFFFFFFF0] =	vst v10  }
0x15b: {  	v10 =	vld @!p1 [tilespmem:s3+$0x10];
	_ =	sdelay $0x4  }
0x15c: {  	v10 =	vand.u32 @!p1 $0xFFFFFF80, v10  }
0x15d: {  	v10 =	vadd.s32 @!p1 s2, v10  }
0x15e: {  	(v2sf) =	vpush @!p1 v10, $0x0;
	_ =	sdelay $0x1  }
0x15f: {  	(v2sf) =	vpush @!p1 v10, $0x1;
	_ =	sdelay $0x1  }
0x160: {  	(v2sf) =	vpush @!p1 v10, $0x2;
	_ =	sdelay $0x1  }
0x161: {  	(v2sf) =	vpush @!p1 v10, $0x3;
	_ =	sdelay $0x1  }
0x162: {  	(v2sf) =	vpush @!p1 v10, $0x4;
	_ =	sdelay $0x1  }
0x163: {  	(v2sf) =	vpush @!p1 v10, $0x5;
	_ =	sdelay $0x1  }
0x164: {  	(v2sf) =	vpush @!p1 v10, $0x6;
	_ =	sdelay $0x1  }
0x165: {  	s3 =	simm.s32 @!p1 $0x200;
	(v2sf) =	vpush @!p1 v10, $0x7  }
0x166: {  	s4 =	simm.s32 @!p1 $0x7A1400;
	s29 =	simm.s32 @!p1 $0x400;
	s5 =	spop @!p1 (v2sf)  }
0x167: {  	[tilespmem:s3], [sflag:$0x1] =	stream.strided.gather @!p1 [hbm4b:s5+s29], $0x1000, s4, s29, $0x38;
	[tilespmem:$0x14200] =	vst v63  }
0x168: {  	s3 =	simm.s32 @!p1 $0x1200;
	s5 =	spop @!p1 (v2sf)  }
0x169: {  	[tilespmem:s3], [sflag:$0x1] =	stream.strided.gather @!p1 [hbm4b:s5+s29], $0x1000, s4, s29, $0x38;
	[tilespmem:$0x14200] =	vst v63  }
0x16a: {  	s3 =	simm.s32 @!p1 $0x2200;
	s5 =	spop @!p1 (v2sf)  }
0x16b: {  	[tilespmem:s3], [sflag:$0x1] =	stream.strided.gather @!p1 [hbm4b:s5+s29], $0x1000, s4, s29, $0x38;
	[tilespmem:$0x14200] =	vst v63  }
0x16c: {  	s3 =	simm.s32 @!p1 $0x3200;
	s5 =	spop @!p1 (v2sf)  }
0x16d: {  	[tilespmem:s3], [sflag:$0x1] =	stream.strided.gather @!p1 [hbm4b:s5+s29], $0x1000, s4, s29, $0x38;
	[tilespmem:$0x14200] =	vst v63  }
0x16e: {  	s3 =	simm.s32 @!p1 $0x4200;
	s5 =	spop @!p1 (v2sf)  }
0x16f: {  	[tilespmem:s3], [sflag:$0x1] =	stream.strided.gather @!p1 [hbm4b:s5+s29], $0x1000, s4, s29, $0x38;
	[tilespmem:$0x14200] =	vst v63  }
0x170: {  	s3 =	simm.s32 @!p1 $0x5200;
	s5 =	spop @!p1 (v2sf)  }
0x171: {  	[tilespmem:s3], [sflag:$0x1] =	stream.strided.gather @!p1 [hbm4b:s5+s29], $0x1000, s4, s29, $0x38;
	[tilespmem:$0x14200] =	vst v63  }
0x172: {  	s3 =	simm.s32 @!p1 $0x6200;
	s5 =	spop @!p1 (v2sf)  }
0x173: {  	[tilespmem:s3], [sflag:$0x1] =	stream.strided.gather @!p1 [hbm4b:s5+s29], $0x1000, s4, s29, $0x38;
	[tilespmem:$0x14200] =	vst v63  }
0x174: {  	s3 =	simm.s32 @!p1 $0x7200;
	s5 =	spop @!p1 (v2sf)  }
0x175: {  	[tilespmem:s3], [sflag:$0x1] =	stream.strided.gather @!p1 [hbm4b:s5+s29], $0x1000, s4, s29, $0x38;
	[tilespmem:$0x14200] =	vst v63  }
0x176: {  	_ =	swait.ge [sflag:s28], $0x1000  }
0x177: {  	[sflag:s28] =	ssyncset.done $0x0  }
0x178: {  	[sflag:s28] =	ssyncadd.s32 $0xFFFFF000  }
0x179: {  	_ =	swait.ge [sflag:s28], $0x1000  }
0x17a: {  	[sflag:s28] =	ssyncset.done $0x0  }
0x17b: {  	[sflag:s28] =	ssyncadd.s32 $0xFFFFF000  }
0x17c: {  	_ =	swait.ge [sflag:s28], $0x1000  }
0x17d: {  	[sflag:s28] =	ssyncset.done $0x0  }
0x17e: {  	[sflag:s28] =	ssyncadd.s32 $0xFFFFF000  }
0x17f: {  	_ =	swait.ge [sflag:s28], $0x1000  }
0x180: {  	[sflag:s28] =	ssyncset.done $0x0  }
0x181: {  	[sflag:s28] =	ssyncadd.s32 $0xFFFFF000  }
0x182: {  	_ =	swait.ge [sflag:s28], $0x1000  }
0x183: {  	[sflag:s28] =	ssyncset.done $0x0  }
0x184: {  	[sflag:s28] =	ssyncadd.s32 $0xFFFFF000  }
0x185: {  	_ =	swait.ge [sflag:s28], $0x1000  }
0x186: {  	[sflag:s28] =	ssyncset.done $0x0  }
0x187: {  	[sflag:s28] =	ssyncadd.s32 $0xFFFFF000  }
0x188: {  	_ =	swait.ge [sflag:s28], $0x1000  }
0x189: {  	v10 =	vor.u32 v0, v9;
	[sflag:s28] =	ssyncset.done $0x0  }
0x18a: {  	v9 =	vor.u32 v1, v9;
	[sflag:s28] =	ssyncadd.s32 $0xFFFFF000  }
0x18b: {  	_ =	swait.ge [sflag:s28], $0x1000  }
0x18c: {  	[sflag:s28] =	ssyncset.done $0x0  }
0x18d: {  	[sflag:s28] =	ssyncadd.s32 $0xFFFFF000  }
0x18e: {  	v10 =	vld.idx.msk [tilespmem:v10+s18+$0x0], $0xffff  }
0x18f: {  	v9 =	vld.idx.msk [tilespmem:v9+s18+$0x0], $0xffff;
	_ =	sdelay $0x1  }
0x190: {  	v11 =	vor.u32 v0, v8  }
0x191: {  	v8 =	vor.u32 v1, v8;
	_ =	sdelay $0x1  }
0x192: {  	[tilespmem:s31+$0x0] =	vst v10  }
0x193: {  	[tilespmem:s31+$0x10] =	vst v9  }
0x194: {  	v9 =	vld.idx.msk [tilespmem:v11+s19+$0x0], $0xffff  }
0x195: {  	v8 =	vld.idx.msk [tilespmem:v8+s19+$0x0], $0xffff;
	_ =	sdelay $0x1  }
0x196: {  	v10 =	vor.u32 v0, v7  }
0x197: {  	v7 =	vor.u32 v1, v7;
	_ =	sdelay $0x1  }
0x198: {  	[tilespmem:s31+$0x20] =	vst v9  }
0x199: {  	[tilespmem:s31+$0x30] =	vst v8  }
0x19a: {  	v8 =	vld.idx.msk [tilespmem:v10+s20+$0x0], $0xffff  }
0x19b: {  	v7 =	vld.idx.msk [tilespmem:v7+s20+$0x0], $0xffff;
	_ =	sdelay $0x1  }
0x19c: {  	v9 =	vor.u32 v0, v6  }
0x19d: {  	v6 =	vor.u32 v1, v6;
	_ =	sdelay $0x1  }
0x19e: {  	[tilespmem:s31+$0x40] =	vst v8  }
0x19f: {  	[tilespmem:s31+$0x50] =	vst v7  }
0x1a0: {  	v7 =	vld.idx.msk [tilespmem:v9+s21+$0x0], $0xffff  }
0x1a1: {  	v6 =	vld.idx.msk [tilespmem:v6+s21+$0x0], $0xffff;
	_ =	sdelay $0x1  }
0x1a2: {  	v8 =	vor.u32 v0, v5  }
0x1a3: {  	v5 =	vor.u32 v1, v5;
	_ =	sdelay $0x1  }
0x1a4: {  	[tilespmem:s31+$0x60] =	vst v7  }
0x1a5: {  	[tilespmem:s31+$0x70] =	vst v6  }
0x1a6: {  	v6 =	vld.idx.msk [tilespmem:v8+s22+$0x0], $0xffff  }
0x1a7: {  	v5 =	vld.idx.msk [tilespmem:v5+s22+$0x0], $0xffff;
	_ =	sdelay $0x1  }
0x1a8: {  	v7 =	vor.u32 v0, v4  }
0x1a9: {  	v8 =	vor.u32 v1, v4;
	_ =	sdelay $0x1  }
0x1aa: {  	[tilespmem:s31+$0x80] =	vst v6  }
0x1ab: {  	[tilespmem:s31+$0x90] =	vst v5  }
.Ltmp0:
0x1ac: {  	v4 =	vld.idx.msk [tilespmem:v7+s23+$0x0], $0xffff;
	(pc) =	sbr.rel @p0 .LBB2_2-.Ltmp0, $3  }
0x1ad: {  	v5 =	vld.idx.msk [tilespmem:v8+s23+$0x0], $0xffff;
	_ =	sdelay $0x1  }
0x1ae: {  	v6 =	vor.u32 v0, v3  }
0x1af: {  	v3 =	vor.u32 v1, v3  }
0x1b0: {  	_ =	sdelay $0x1  }
0x1b1: {  	[tilespmem:s0+$0xA0] =	vst v4  }
0x1b2: {  	[tilespmem:s0+$0xB0] =	vst v5  }
0x1b3: {  	v4 =	vld.idx.msk [tilespmem:v6+s24+$0x0], $0xffff  }
0x1b4: {  	v3 =	vld.idx.msk [tilespmem:v3+s24+$0x0], $0xffff  }
0x1b5: {  	v63 =	vor.u32 v0, v2  }
0x1b6: {  	v2 =	vor.u32 v1, v2;
	_ =	sdelay $0x1  }
0x1b7: {  	[tilespmem:s0+$0xC0] =	vst v4  }
0x1b8: {  	[tilespmem:s0+$0xD0] =	vst v3  }
0x1b9: {  	v3 =	vld.idx.msk [tilespmem:v63+s25+$0x0], $0xffff  }
0x1ba: {  	v2 =	vld.idx.msk [tilespmem:v2+s25+$0x0], $0xffff;
	_ =	sdelay $0x2  }
0x1bb: {  	s30 =	sadd.s32 $0x1, s30  }
0x1bc: {  	s29 =	simm.s32 $0x0;
	p0 =	sne.s32 s30, s6;
	[tilespmem:s0+$0xE0] =	vst v3  }
.Ltmp1:
0x1bd: {  	s31 =	rddreg [dreg:$0x5];
	s1 =	simm.s32 $0x10200;
	[tilespmem:s0+$0xF0] =	vst v2;
	(pc) =	sbr.rel @p0 .LBB2_1-.Ltmp1, $4  }
0x1be: {  	[hbm4b:s31+s29] =	stream.linear.scatter [tilespmem:s1], [sflag:$0x3], $0x4000, $0x38;
	[tilespmem:$0x14200] =	vst v63  }
0x1bf: {  	_ =	swait.ge [sflag:s7], $0x4000  }
0x1c0: {  	[sflag:s7] =	ssyncset.done $0x0  }
0x1c1: {  	[sflag:s7] =	ssyncadd.s32 $0xFFFFC000  }
0x1c2: {  	_ =	sfence.sel $0x180000  }
0x1c3: {  	[bflag:$0x0] =	sbarrier.arrive $0xFFFF  }
0x1c4: {  	_ =	strace $0x90000047  }
0x1c5: {  	s0 =	stileid.u32;
	[bflag:$0x2] =	sbarrier.arrive $0xFFFF  }
0x1c6: {  	p0 =	sne.s32 s0, $0x0;
	s0 =	rddreg [dreg:$0x3]  }
0x1c7: {  	s0 =	sadd.s32 @!p0 $0x100000, s0  }
0x1c8: {  	[sflag:s0] =	ssyncadd.tile.s32 @!p0 $0x1;
	_ =	shalt  }
.Lfunc_end2:
_tile_overlayer_lowered:
.L_overlay_start_2:
0x1c9: {  	(tag) =	ssettag $0x2  }
0x1ca: {  	s0 =	rddreg [dreg:$0x0];
	s2 =	stileid.u32  }
0x1cb: {  	s1 =	rddreg [dreg:$0x1];
	p0 =	sne.s32 s2, $0x0  }
0x1cc: {  	s3 =	rddreg [dreg:$0x2];
	[bflag:$0x3] =	sbarrier.arrive $0xFFFF;
	s2 =	simm.s32 @!p0 $0x1C03  }
0x1cd: {  	[timem:s3], [sflag:s2] =	dma.local @!p0 [hbm:s0], s1  }
0x1ce: {  	s0 =	simm.s32 @!p0 $0x3  }
0x1cf: {  	_ =	swait.ge @!p0 [sflag:s0], s1  }
0x1d0: {  	s1 =	ssub.s32 @!p0 $0x0, s1;
	[sflag:s0] =	ssyncset.done @!p0 $0x0  }
0x1d1: {  	[sflag:s0] =	ssyncadd.s32 @!p0 s1  }
0x1d2: {  	[bflag:$0x3] =	sbarrier.arrive $0xFFFF  }
0x1d3: {  	_ =	shalt  }

// kernel: kernel.7.cloned.1.call-start
scs
__scs_entry_jumppad:
0x0: {  	(pc) =	sbr.rel $0x88, $3  }
0x1: {  	(tag) =	ssettag $0x0;
	lr =	simm.s32 $0x1  }
0x2: {  	[smem:$0x3F9D] =	sst lr;
	_ =	strace $0xD0000000  }
0x3: {  	_ = 	snop  }
0x4: {  	_ = 	snop  }
0x5: {  	_ = 	snop  }
0x6: {  	_ = 	snop  }
0x7: {  	_ = 	snop  }
__scs_overlays_trampoline_lowered:
0x8: {  	[smem:$0x3FAC] =	sst s0  }
0x9: {  	[smem:$0x3FAD] =	sst s1  }
0xa: {  	[smem:$0x3FAE] =	sst s2  }
0xb: {  	[smem:$0x3FAF] =	sst s3  }
0xc: {  	[smem:$0x3FB0] =	sst s4  }
0xd: {  	[smem:$0x3FB1] =	sst s5  }
0xe: {  	[smem:$0x3FB2] =	sst s6  }
0xf: {  	[smem:$0x3FB3] =	sst s7  }
0x10: {  	[smem:$0x3FB4] =	sst s8  }
0x11: {  	[smem:$0x3FB5] =	sst s9;
	s0 =	simm.s32 @!p0 $0x0  }
0x12: {  	s1 =	sld [smem:$0x3F9B];
	s0 =	simm.s32 @p0 $0x1  }
0x13: {  	[smem:$0x3FB6] =	sst s0;
	s0 =	simm.s32 @!p1 $0x0  }
0x14: {  	s2 =	sld [smem:$0x3F9A];
	s0 =	simm.s32 @p1 $0x1  }
0x15: {  	[smem:$0x3FB7] =	sst s0;
	s0 =	simm.s32 @!p2 $0x0  }
0x16: {  	s3 =	sld [smem:$0x3FDB];
	s0 =	simm.s32 @p2 $0x1  }
0x17: {  	s4 =	simm.s32 $0x1BF5;
	[smem:$0x3FB9] =	sst s0  }
0x18: {  	s0 =	sld [smem:$0x3F9C];
	_ =	swait.ge [sflag:s4], $0x0  }
0x19: {  	s7 =	sld [smem:$0x3F9D]  }
0x1a: {  	s8 =	sadd.s32 $0xFFFFE003, lr  }
0x1b: {  	s9 =	sadd.s32 $0xFFFFFEF7, lr;
	s5 =	simm.s32 $0xFFFFFFFF;
	p2 =	slt.u32 s8, $0xFFFFF086  }
0x1c: {  	p1 =	slt.u32 s9, $0xF7A;
	s5 =	simm.s32 @!p2 $0x0  }
0x1d: {  	s5 =	simm.s32 @p1 $0x1;
	p0 =	seq.s32 s7, s2  }
0x1e: {  	s7 =	smul.u32 @!p0 $0xF7A, s2;
	p2 =	seq.s32 @!p0 s5, $0x0  }
0x1f: {  	s9 =	smul.u32 $0xF7A, s1;
	s8 =	simm.s32 @!p0 $0x1BF5;
	p2 =	por !p2, p0  }
0x20: {  	[sflag:s8] =	ssyncset.s32 @!p0 $0xFFFFF086;
	s6 =	sadd.s32 @!p0 s3, s7;
	s7 =	simm.s32 @!p0 $0x108  }
0x21: {  	s3 =	sadd.s32 s3, s9;
	s6 =	sadd.s32 @!p0 $0x88, s6;
	s7 =	simm.s32 @p2 $0x1082  }
0x22: {  	[simem:s7], [sflag:s8] =	dma.local @!p0 [hbm:s6], $0xF7A  }
0x23: {  	s9 =	sor.u32 $0xD0000000, s2;
	s6 =	simm.s32 $0x108;
	_ =	swait.ge @!p0 [sflag:s8], $0x0  }
0x24: {  	s3 =	sadd.s32 $0x88, s3;
	s6 =	simm.s32 @!p1 $0x1082;
	[sflag:s4] =	ssyncset.s32 $0xFFFFF086  }
0x25: {  	[simem:s6], [sflag:s4] =	dma.local [hbm:s3], $0xF7A  }
0x26: {  	[smem:$0x3F9D] =	sst s1;
	(tag) =	ssettag s2;
	_ =	strace s9  }
0x27: {  	s1 =	sld [smem:$0x3FAD]  }
0x28: {  	s2 =	sld [smem:$0x3FAE]  }
0x29: {  	s4 =	sld [smem:$0x3FB0]  }
0x2a: {  	p0 =	seq.s32 s5, $0x0;
	s5 =	sld [smem:$0x3FB1]  }
0x2b: {  	s6 =	sld [smem:$0x3FB2]  }
0x2c: {  	s7 =	sld [smem:$0x3FB3]  }
0x2d: {  	s3 =	simm.s32 $0x108;
	s8 =	sld [smem:$0x3FB4]  }
0x2e: {  	s3 =	simm.s32 @!p0 $0x1082;
	s9 =	sld [smem:$0x3FB5]  }
0x2f: {  	lr =	sadd.s32 s0, s3;
	s0 =	sld [smem:$0x3FAC]  }
0x30: {  	s3 =	sld [smem:$0x3FAF]  }
0x31: {  	[smem:$0x3FB8] =	sst s10  }
0x32: {  	s10 =	sld [smem:$0x3FB6];
	_ =	sdelay $0x3  }
0x33: {  	p0 =	seq.s32 s10, $0x1;
	s10 =	sld [smem:$0x3FB8];
	_ =	sdelay $0x3  }
0x34: {  	[smem:$0x3FB8] =	sst s10  }
0x35: {  	s10 =	sld [smem:$0x3FB7];
	_ =	sdelay $0x3  }
0x36: {  	p1 =	seq.s32 s10, $0x1;
	s10 =	sld [smem:$0x3FB8];
	_ =	sdelay $0x3  }
0x37: {  	[smem:$0x3FB8] =	sst s10  }
0x38: {  	s10 =	sld [smem:$0x3FB9]  }
0x39: {  	_ = 	snop;
	(pc) =	sbr.ind lr, $3  }
0x3a: {  	_ = 	snop  }
0x3b: {  	_ = 	snop  }
0x3c: {  	p2 =	seq.s32 s10, $0x1;
	s10 =	sld [smem:$0x3FB8]  }
0x3d: {  	_ =	shalt  }
0x3e: {  	_ =	shalt  }
0x3f: {  	_ =	shalt  }
0x40: {  	_ =	shalt  }
0x41: {  	_ =	shalt  }
0x42: {  	_ =	shalt  }
0x43: {  	_ =	shalt  }
0x44: {  	_ =	shalt  }
0x45: {  	_ =	shalt  }
0x46: {  	_ =	shalt  }
0x47: {  	_ =	shalt  }
0x48: {  	_ =	shalt  }
0x49: {  	_ =	shalt  }
0x4a: {  	_ =	shalt  }
0x4b: {  	_ =	shalt  }
0x4c: {  	_ =	shalt  }
0x4d: {  	_ =	shalt  }
0x4e: {  	_ =	shalt  }
0x4f: {  	_ =	shalt  }
0x50: {  	_ =	shalt  }
0x51: {  	_ =	shalt  }
0x52: {  	_ =	shalt  }
0x53: {  	_ =	shalt  }
0x54: {  	_ =	shalt  }
0x55: {  	_ =	shalt  }
0x56: {  	_ =	shalt  }
0x57: {  	_ =	shalt  }
0x58: {  	_ =	shalt  }
0x59: {  	_ =	shalt  }
0x5a: {  	_ =	shalt  }
0x5b: {  	_ =	shalt  }
0x5c: {  	_ =	shalt  }
0x5d: {  	_ =	shalt  }
0x5e: {  	_ =	shalt  }
0x5f: {  	_ =	shalt  }
0x60: {  	_ =	shalt  }
0x61: {  	_ =	shalt  }
0x62: {  	_ =	shalt  }
0x63: {  	_ =	shalt  }
0x64: {  	_ =	shalt  }
0x65: {  	_ =	shalt  }
0x66: {  	_ =	shalt  }
0x67: {  	_ =	shalt  }
0x68: {  	_ =	shalt  }
0x69: {  	_ =	shalt  }
0x6a: {  	_ =	shalt  }
0x6b: {  	_ =	shalt  }
0x6c: {  	_ =	shalt  }
0x6d: {  	_ =	shalt  }
0x6e: {  	_ =	shalt  }
0x6f: {  	_ =	shalt  }
0x70: {  	_ =	shalt  }
0x71: {  	_ =	shalt  }
0x72: {  	_ =	shalt  }
0x73: {  	_ =	shalt  }
0x74: {  	_ =	shalt  }
0x75: {  	_ =	shalt  }
0x76: {  	_ =	shalt  }
0x77: {  	_ =	shalt  }
0x78: {  	_ =	shalt  }
0x79: {  	_ =	shalt  }
0x7a: {  	_ =	shalt  }
0x7b: {  	_ =	shalt  }
0x7c: {  	_ =	shalt  }
0x7d: {  	_ =	shalt  }
0x7e: {  	_ =	shalt  }
0x7f: {  	_ =	shalt  }
0x80: {  	_ =	shalt  }
0x81: {  	_ =	shalt  }
0x82: {  	_ =	shalt  }
0x83: {  	_ =	shalt  }
0x84: {  	_ =	shalt  }
0x85: {  	_ =	shalt  }
0x86: {  	_ =	shalt  }
0x87: {  	_ =	shalt  }
.Lfunc_end0:
.L_simem_size_0:
called_computation.1_lowered:
.L_overlay_start_0:
0x88: {  	s2 =	sld [smem:$0x3FD9]  }
0x89: {  	s3 =	sld [smem:$0x3FFE];
	_ =	sdelay $0x1  }
0x8a: {  	s1 =	srdreg.scid  }
0x8b: {  	s0 =	sand.u32 $0x1, s1  }
0x8c: {  	s17 =	sshll.u32 s0, $0xA;
	s2 =	sadd.s32 s3, s2  }
0x8d: {  	s2 =	sadd.s32 s2, s17  }
0x8e: {  	[smem:$0x3FC4] =	sst s2  }
0x8f: {  	_ = 	snop  }
0x90: {  	s2 =	sld [smem:$0x3FC8]  }
0x91: {  	s18 =	sld [smem:$0x3FD0];
	(tm) =	ssettm $0x1  }
0x92: {  	s4 =	sld [smem:$0x3FFB];
	_ =	sdelay $0x3  }
0x93: {  	_ =	strace s4  }
0x94: {  	s4 =	sld [smem:$0x3FFC];
	_ =	sdelay $0x3  }
0x95: {  	_ =	strace s4  }
0x96: {  	s4 =	sld [smem:$0x3FFD];
	_ =	sdelay $0x3  }
0x97: {  	_ =	strace s4  }
0x98: {  	_ =	strace $0x8FFFFFFF  }
0x99: {  	s19 =	sld [smem:$0x3FDB];
	_ =	sdelay $0x1  }
0x9a: {  	s5 =	simm.s32 $_scs_section_size  }
0x9b: {  	s6 =	simm.s32 $_size__tile_overlayer_lowered;
	s7 =	simm.s32 $_tile_overlayer_lowered  }
0x9c: {  	s22 =	simm.s32 $0x1BFF;
	s21 =	sshll.u32 s7, $0x1;
	s4 =	sadd.s32 s5, s19  }
0x9d: {  	s8 =	simm.s32 $0x0;
	s20 =	sshll.u32 s6, $0x1;
	s6 =	sadd.s32 s21, s4  }
0x9e: {  	[timem:s8], [sflag:s22] =	dma.local [hbm:s6], s20  }
0x9f: {  	_ =	swait.ge [sflag:s22], s20  }
0xa0: {  	s5 =	ssub.s32 $0x0, s20;
	[sflag:s22] =	ssyncset.done $0x0  }
0xa1: {  	[sflag:s22] =	ssyncadd.s32 s5;
	_ =	sdelay $0x1  }
0xa2: {  	s23 =	simm.s32 $0x1B8B  }
0xa3: {  	_ =	swait.ge [sflag:s23], $0x1  }
0xa4: {  	[sflag:s23] =	ssyncset.done $0x0  }
0xa5: {  	s25 =	simm.s32 $0x1B8E;
	s24 =	sld [smem:$0x3FFE];
	[sflag:s23] =	ssyncadd.s32 $0xFFFFFFFF  }
0xa6: {  	s26 =	simm.s32 $execute0_lowered;
	[smem:$0x3FD2] =	sst s25  }
0xa7: {  	s6 =	sshll.u32 s26, $0x1;
	_ =	strace $0x80000049;
	[dreg:$0x1] =	wrdreg $0xFFFFFFFF  }
0xa8: {  	s28 =	simm.s32 $_size_execute0_lowered;
	s4 =	sadd.s32 s4, s6;
	[dreg:$0x0] =	wrdreg $0x0  }
0xa9: {  	s6 =	sshll.u32 s28, $0x1;
	[dreg:$0x2] =	wrdreg s4  }
0xaa: {  	[dreg:$0x3] =	wrdreg s6  }
0xab: {  	[dreg:$0x4] =	wrdreg $0xC0  }
0xac: {  	_ =	task [dreg:s8], $0x5FFFF  }
0xad: {  	[dreg:$0x1] =	wrdreg $0xFFFFFFFF  }
0xae: {  	[dreg:$0x0] =	wrdreg $0x60  }
0xaf: {  	[dreg:$0x2] =	wrdreg s2  }
0xb0: {  	[dreg:$0x3] =	wrdreg s24  }
0xb1: {  	[dreg:$0x4] =	wrdreg s18  }
0xb2: {  	[dreg:$0x5] =	wrdreg $0x9  }
0xb3: {  	_ =	task.clear_ibuf [dreg:s8], $0x6FFFF;
	_ =	strace $0x90000049  }
0xb4: {  	s29 =	simm.s32 $0x9;
	_ =	strace $0x8000004B  }
0xb5: {  	_ =	swait.ge [sflag:s29], $0x1  }
0xb6: {  	[sflag:s29] =	ssyncadd.s32 $0xFFFFFFFF  }
0xb7: {  	_ =	strace $0x9000004B  }
0xb8: {  	_ =	sfence  }
0xb9: {  	s30 =	sld [smem:$0x0];
	_ =	sdelay $0x2  }
0xba: {  	s31 =	sshll.u32 s1, $0xD;
	s1 =	sshrl.u32 s1, $0x2  }
0xbb: {  	s3 =	sand.u32 $0x4000, s31;
	s1 =	sadd.s32 s1, s30  }
0xbc: {  	s0 =	sor.u32 s3, s0;
	s1 =	sshll.u32 s1, $0x11  }
0xbd: {  	s0 =	sor.u32 s1, s0  }
0xbe: {  	s0 =	sadd.s32 $0x8F2B, s0  }
0xbf: {  	[sflag:s0] =	ssyncadd.remote.s32 $0x1  }
0xc0: {  	_ =	sfence.sel $0xFFFF  }
0xc1: {  	[dreg:$0x0] =	wrdreg $0xFFFFFFFF;
	(pc) =	sbr.abs _section_cstart, $3  }
0xc2: {  	[dreg:$0x1] =	wrdreg $0xFFFFFFFF  }
0xc3: {  	_ =	task.clear_ibuf [dreg:s8], $0x2FFFF;
	_ =	strace $0x9FFFFFFF  }
0xc4: {  	(tm) =	ssettm $0x7FFFFFFF  }
0xc5: {  	_ =	shalt  }
tec
execute0_lowered:
.L_overlay_start_1:
0x0: {  	(tag) =	ssettag $0x1  }
0x1: {  	s4 =	rddreg [dreg:$0x0]  }
0x2: {  	s5 =	rddreg [dreg:$0x1]  }
0x3: {  	s9 =	rddreg [dreg:$0x2]  }
0x4: {  	s0 =	rddreg [dreg:$0x3];
	s2 =	simm.s32 $0x0  }
0x5: {  	s3 =	srdreg.scid;
	s1 =	stileid.u32;
	s12 =	simm.s32 $0x80  }
0x6: {  	s13 =	simm.s32 $0x100;
	s14 =	simm.s32 $0x180;
	s15 =	simm.s32 $0x4200  }
0x7: {  	s16 =	simm.s32 $0x200;
	s17 =	simm.s32 $0x1200;
	s18 =	simm.s32 $0x2200  }
0x8: {  	s19 =	simm.s32 $0x3200;
	s20 =	simm.s32 $0x1;
	s21 =	simm.s32 $0x8200  }
0x9: {  	s22 =	simm.s32 $0x0;
	s6 =	sand.u32 $0x1, s3;
	s7 =	sshll.u32 s1, $0x1  }
0xa: {  	[smem:$0x7FF] =	sst s2;
	s3 =	sadd.s32 $0x197400, s5;
	s7 =	sor.u32 s6, s7  }
0xb: {  	_ =	strace $0x8000004A;
	s6 =	ssub.s32 $0x2, s6;
	s8 =	sshll.u32 s7, $0xB  }
0xc: {  	s10 =	sshrl.u32 s6, $0x1;
	s11 =	sshll.u32 s7, $0x6;
	s8 =	sadd.s32 s8, s5  }
0xd: {  	v0 =	vlaneseq.u32;
	s10 =	ssub.s32 s6, s10;
	s4 =	sadd.s32 s4, s11;
	s9 =	sadd.s32 s9, s11  }
0xe: {  	v0 =	vmul.u32 $0x20, v0;
	s11 =	simm.s32 $0x2;
	s5 =	sadd.s32 $0x10, s4;
	s6 =	sadd.s32 $0x20, s4  }
0xf: {  	s7 =	sadd.s32 $0x30, s4;
	s8 =	sadd.s32 $0xA00, s8;
	s10 =	smax.u32 s10, $0x1  }
.LBB2_1:
0x10: {  	[tilespmem:s2], [sflag:$0x2] =	stream.linear.gather [hbm4b:s4+s2], $0x80, $0x38;
	[tilespmem:$0x8400] =	vst v63  }
0x11: {  	_ =	swait.ge [sflag:s11], $0x80  }
0x12: {  	[sflag:s11] =	ssyncset.done $0x0  }
0x13: {  	[sflag:s11] =	ssyncadd.s32 $0xFFFFFF80  }
0x14: {  	[tilespmem:s12], [sflag:$0x2] =	stream.linear.gather [hbm4b:s5+s2], $0x80, $0x38;
	[tilespmem:$0x8400] =	vst v63  }
0x15: {  	_ =	swait.ge [sflag:s11], $0x80  }
0x16: {  	[sflag:s11] =	ssyncset.done $0x0  }
0x17: {  	[sflag:s11] =	ssyncadd.s32 $0xFFFFFF80  }
0x18: {  	[tilespmem:s13], [sflag:$0x2] =	stream.linear.gather [hbm4b:s6+s2], $0x80, $0x38;
	[tilespmem:$0x8400] =	vst v63  }
0x19: {  	_ =	swait.ge [sflag:s11], $0x80  }
0x1a: {  	[sflag:s11] =	ssyncset.done $0x0  }
0x1b: {  	[sflag:s11] =	ssyncadd.s32 $0xFFFFFF80  }
0x1c: {  	[tilespmem:s14], [sflag:$0x2] =	stream.linear.gather [hbm4b:s7+s2], $0x80, $0x38;
	[tilespmem:$0x8400] =	vst v63  }
0x1d: {  	_ =	swait.ge [sflag:s11], $0x80  }
0x1e: {  	[sflag:s11] =	ssyncset.done $0x0  }
0x1f: {  	[sflag:s11] =	ssyncadd.s32 $0xFFFFFF80  }
0x20: {  	[tilespmem:s15], [sflag:$0x1] =	stream.linear.gather [hbm4b:s8+s2], $0x4000, $0x38;
	[tilespmem:$0x8400] =	vst v63  }
0x21: {  	_ = 	snop  }
0x22: {  	[tilespmem:s16], [sflag:$0x1] =	stream.indirect.gather [hbm4b:s3+s12], $0x20, s2, s12, $0xb8;
	[tilespmem:$0x8400] =	vst v63  }
0x23: {  	_ = 	snop  }
0x24: {  	[tilespmem:s17], [sflag:$0x1] =	stream.indirect.gather [hbm4b:s3+s12], $0x20, s12, s12, $0xb8;
	[tilespmem:$0x8400] =	vst v63  }
0x25: {  	_ = 	snop  }
0x26: {  	[tilespmem:s18], [sflag:$0x1] =	stream.indirect.gather [hbm4b:s3+s12], $0x20, s13, s12, $0xb8;
	[tilespmem:$0x8400] =	vst v63  }
0x27: {  	_ = 	snop  }
0x28: {  	[tilespmem:s19], [sflag:$0x1] =	stream.indirect.gather [hbm4b:s3+s12], $0x20, s14, s12, $0xb8;
	[tilespmem:$0x8400] =	vst v63  }
0x29: {  	_ =	swait.ge [sflag:s20], $0x4000  }
0x2a: {  	[sflag:s20] =	ssyncset.done $0x0  }
0x2b: {  	[sflag:s20] =	ssyncadd.s32 $0xFFFFC000  }
0x2c: {  	_ =	swait.ge [sflag:s20], $0x1000  }
0x2d: {  	[sflag:s20] =	ssyncset.done $0x0  }
0x2e: {  	[sflag:s20] =	ssyncadd.s32 $0xFFFFF000  }
0x2f: {  	_ =	swait.ge [sflag:s20], $0x1000  }
0x30: {  	[sflag:s20] =	ssyncset.done $0x0  }
0x31: {  	v1 =	vmov s2;
	[sflag:s20] =	ssyncadd.s32 $0xFFFFF000  }
0x32: {  	v1 =	vshll.u32 v1, $0x5;
	_ =	swait.ge [sflag:s20], $0x1000  }
0x33: {  	v1 =	vor.u32 v0, v1;
	[sflag:s20] =	ssyncset.done $0x0  }
0x34: {  	[sflag:s20] =	ssyncadd.s32 $0xFFFFF000  }
0x35: {  	v2 =	vor.u32 $0x1, v1;
	_ =	swait.ge [sflag:s20], $0x1000  }
0x36: {  	[sflag:s20] =	ssyncset.done $0x0  }
0x37: {  	v3 =	vor.u32 $0x2, v1;
	[sflag:s20] =	ssyncadd.s32 $0xFFFFF000  }
0x38: {  	v4 =	vld.idx.msk [tilespmem:v1+s16+$0x0], $0xffff  }
0x39: {  	v6 =	vor.u32 $0x3, v1;
	v5 =	vld.idx.msk [tilespmem:v1+s15+$0x0], $0xffff  }
0x3a: {  	v7 =	vld.idx.msk [tilespmem:v2+s15+$0x0], $0xffff  }
0x3b: {  	v8 =	vor.u32 $0x4, v1;
	v2 =	vld.idx.msk [tilespmem:v2+s16+$0x0], $0xffff  }
0x3c: {  	v9 =	vld.idx.msk [tilespmem:v3+s15+$0x0], $0xffff  }
0x3d: {  	v10 =	vor.u32 $0x5, v1;
	v3 =	vld.idx.msk [tilespmem:v3+s16+$0x0], $0xffff  }
0x3e: {  	v11 =	vld.idx.msk [tilespmem:v6+s15+$0x0], $0xffff;
	v4 =	vmul.f32 v4, v5  }
0x3f: {  	v5 =	vld.idx.msk [tilespmem:v6+s16+$0x0], $0xffff;
	v6 =	vor.u32 $0x6, v1  }
0x40: {  	v12 =	vld.idx.msk [tilespmem:v8+s15+$0x0], $0xffff;
	v2 =	vmul.f32 v2, v7;
	v4 =	vadd.f32 $0.0e+00, v4  }
0x41: {  	v25 =	vor.u32 $0x7, v1;
	v7 =	vld.idx.msk [tilespmem:v8+s16+$0x0], $0xffff  }
0x42: {  	v13 =	vld.idx.msk [tilespmem:v10+s15+$0x0], $0xffff;
	v3 =	vmul.f32 v3, v9;
	v2 =	vadd.f32 v2, v4  }
0x43: {  	v26 =	vor.u32 $0x8, v1;
	v4 =	vld.idx.msk [tilespmem:v10+s16+$0x0], $0xffff  }
0x44: {  	v27 =	vld.idx.msk [tilespmem:v6+s15+$0x0], $0xffff;
	v2 =	vadd.f32 v3, v2;
	v3 =	vmul.f32 v5, v11  }
0x45: {  	v5 =	vld.idx.msk [tilespmem:v6+s16+$0x0], $0xffff;
	v6 =	vor.u32 $0x9, v1  }
0x46: {  	v28 =	vld.idx.msk [tilespmem:v25+s15+$0x0], $0xffff;
	v2 =	vadd.f32 v3, v2;
	v3 =	vmul.f32 v7, v12  }
0x47: {  	v29 =	vor.u32 $0xA, v1;
	v7 =	vld.idx.msk [tilespmem:v25+s16+$0x0], $0xffff  }
0x48: {  	v30 =	vld.idx.msk [tilespmem:v26+s15+$0x0], $0xffff;
	v2 =	vadd.f32 v3, v2;
	v3 =	vmul.f32 v4, v13  }
0x49: {  	v31 =	vor.u32 $0xB, v1;
	v4 =	vld.idx.msk [tilespmem:v26+s16+$0x0], $0xffff  }
0x4a: {  	v32 =	vld.idx.msk [tilespmem:v6+s15+$0x0], $0xffff;
	v2 =	vadd.f32 v3, v2;
	v3 =	vmul.f32 v5, v27  }
0x4b: {  	v5 =	vld.idx.msk [tilespmem:v6+s16+$0x0], $0xffff;
	v6 =	vor.u32 $0xC, v1  }
0x4c: {  	v33 =	vld.idx.msk [tilespmem:v29+s15+$0x0], $0xffff;
	v2 =	vadd.f32 v3, v2;
	v3 =	vmul.f32 v7, v28  }
0x4d: {  	v34 =	vor.u32 $0xD, v1;
	v7 =	vld.idx.msk [tilespmem:v29+s16+$0x0], $0xffff  }
0x4e: {  	v35 =	vld.idx.msk [tilespmem:v31+s15+$0x0], $0xffff;
	v2 =	vadd.f32 v3, v2;
	v3 =	vmul.f32 v4, v30  }
0x4f: {  	v36 =	vor.u32 $0xE, v1;
	v4 =	vld.idx.msk [tilespmem:v31+s16+$0x0], $0xffff  }
0x50: {  	v37 =	vld.idx.msk [tilespmem:v6+s15+$0x0], $0xffff;
	v2 =	vadd.f32 v3, v2;
	v3 =	vmul.f32 v5, v32  }
0x51: {  	v5 =	vld.idx.msk [tilespmem:v6+s16+$0x0], $0xffff;
	v6 =	vor.u32 $0xF, v1  }
0x52: {  	v38 =	vld.idx.msk [tilespmem:v34+s15+$0x0], $0xffff;
	v2 =	vadd.f32 v3, v2;
	v3 =	vmul.f32 v7, v33  }
0x53: {  	v39 =	vor.u32 $0x10, v1;
	v7 =	vld.idx.msk [tilespmem:v34+s16+$0x0], $0xffff  }
0x54: {  	v40 =	vld.idx.msk [tilespmem:v36+s15+$0x0], $0xffff;
	v2 =	vadd.f32 v3, v2;
	v3 =	vmul.f32 v4, v35  }
0x55: {  	v41 =	vor.u32 $0x11, v1;
	v4 =	vld.idx.msk [tilespmem:v36+s16+$0x0], $0xffff  }
0x56: {  	v42 =	vld.idx.msk [tilespmem:v6+s15+$0x0], $0xffff;
	v2 =	vadd.f32 v3, v2;
	v3 =	vmul.f32 v5, v37  }
0x57: {  	v5 =	vld.idx.msk [tilespmem:v6+s16+$0x0], $0xffff;
	v6 =	vor.u32 $0x12, v1  }
0x58: {  	v43 =	vld.idx.msk [tilespmem:v39+s15+$0x0], $0xffff;
	v2 =	vadd.f32 v3, v2;
	v3 =	vmul.f32 v7, v38  }
0x59: {  	v44 =	vor.u32 $0x13, v1;
	v7 =	vld.idx.msk [tilespmem:v39+s16+$0x0], $0xffff  }
0x5a: {  	v45 =	vld.idx.msk [tilespmem:v41+s15+$0x0], $0xffff;
	v2 =	vadd.f32 v3, v2;
	v3 =	vmul.f32 v4, v40  }
0x5b: {  	v46 =	vor.u32 $0x14, v1;
	v4 =	vld.idx.msk [tilespmem:v41+s16+$0x0], $0xffff  }
0x5c: {  	v47 =	vld.idx.msk [tilespmem:v6+s15+$0x0], $0xffff;
	v2 =	vadd.f32 v3, v2;
	v3 =	vmul.f32 v5, v42  }
0x5d: {  	v5 =	vld.idx.msk [tilespmem:v6+s16+$0x0], $0xffff;
	v6 =	vor.u32 $0x15, v1  }
0x5e: {  	v48 =	vld.idx.msk [tilespmem:v44+s15+$0x0], $0xffff;
	v2 =	vadd.f32 v3, v2;
	v3 =	vmul.f32 v7, v43  }
0x5f: {  	v49 =	vor.u32 $0x16, v1;
	v7 =	vld.idx.msk [tilespmem:v44+s16+$0x0], $0xffff  }
0x60: {  	v50 =	vld.idx.msk [tilespmem:v46+s15+$0x0], $0xffff;
	v2 =	vadd.f32 v3, v2;
	v3 =	vmul.f32 v4, v45  }
0x61: {  	v51 =	vor.u32 $0x17, v1;
	v4 =	vld.idx.msk [tilespmem:v46+s16+$0x0], $0xffff  }
0x62: {  	v52 =	vld.idx.msk [tilespmem:v6+s15+$0x0], $0xffff;
	v2 =	vadd.f32 v3, v2;
	v3 =	vmul.f32 v5, v47  }
0x63: {  	v5 =	vld.idx.msk [tilespmem:v6+s16+$0x0], $0xffff;
	v6 =	vor.u32 $0x18, v1  }
0x64: {  	v53 =	vld.idx.msk [tilespmem:v49+s15+$0x0], $0xffff;
	v2 =	vadd.f32 v3, v2;
	v3 =	vmul.f32 v7, v48  }
0x65: {  	v54 =	vor.u32 $0x19, v1;
	v7 =	vld.idx.msk [tilespmem:v49+s16+$0x0], $0xffff  }
0x66: {  	v55 =	vld.idx.msk [tilespmem:v51+s15+$0x0], $0xffff;
	v2 =	vadd.f32 v3, v2;
	v3 =	vmul.f32 v4, v50  }
0x67: {  	v56 =	vor.u32 $0x1A, v1;
	v4 =	vld.idx.msk [tilespmem:v51+s16+$0x0], $0xffff  }
0x68: {  	v57 =	vld.idx.msk [tilespmem:v6+s15+$0x0], $0xffff;
	v2 =	vadd.f32 v3, v2;
	v3 =	vmul.f32 v5, v52  }
0x69: {  	v5 =	vld.idx.msk [tilespmem:v6+s16+$0x0], $0xffff;
	v6 =	vor.u32 $0x1B, v1  }
0x6a: {  	v58 =	vld.idx.msk [tilespmem:v54+s15+$0x0], $0xffff;
	v2 =	vadd.f32 v3, v2;
	v3 =	vmul.f32 v7, v53  }
0x6b: {  	v59 =	vor.u32 $0x1C, v1;
	v7 =	vld.idx.msk [tilespmem:v54+s16+$0x0], $0xffff  }
0x6c: {  	v60 =	vld.idx.msk [tilespmem:v56+s15+$0x0], $0xffff;
	v2 =	vadd.f32 v3, v2;
	v3 =	vmul.f32 v4, v55  }
0x6d: {  	v61 =	vor.u32 $0x1D, v1;
	v4 =	vld.idx.msk [tilespmem:v56+s16+$0x0], $0xffff  }
0x6e: {  	v62 =	vld.idx.msk [tilespmem:v6+s15+$0x0], $0xffff;
	v2 =	vadd.f32 v3, v2;
	v3 =	vmul.f32 v5, v57  }
0x6f: {  	v5 =	vld.idx.msk [tilespmem:v6+s16+$0x0], $0xffff;
	v6 =	vor.u32 $0x1E, v1  }
0x70: {  	v63 =	vld.idx.msk [tilespmem:v59+s15+$0x0], $0xffff;
	v2 =	vadd.f32 v3, v2;
	v3 =	vmul.f32 v7, v58  }
0x71: {  	v1 =	vor.u32 $0x1F, v1;
	v7 =	vld.idx.msk [tilespmem:v59+s16+$0x0], $0xffff  }
0x72: {  	v15 =	vld.idx.msk [tilespmem:v61+s15+$0x0], $0xffff;
	v2 =	vadd.f32 v3, v2;
	v3 =	vmul.f32 v4, v60  }
0x73: {  	v4 =	vld.idx.msk [tilespmem:v61+s16+$0x0], $0xffff  }
0x74: {  	v16 =	vld.idx.msk [tilespmem:v6+s15+$0x0], $0xffff;
	v2 =	vadd.f32 v3, v2;
	v3 =	vmul.f32 v5, v62  }
0x75: {  	v5 =	vld.idx.msk [tilespmem:v6+s16+$0x0], $0xffff  }
0x76: {  	v6 =	vld.idx.msk [tilespmem:v1+s15+$0x0], $0xffff;
	v2 =	vadd.f32 v3, v2;
	v3 =	vmul.f32 v7, v63  }
0x77: {  	v7 =	vld.idx.msk [tilespmem:v1+s16+$0x0], $0xffff  }
0x78: {  	v1 =	vadd.f32 v3, v2;
	v2 =	vmul.f32 v4, v15  }
0x79: {  	s23 =	simm.s32 $0x10  }
0x7a: {  	v3 =	vmov s23;
	v4 =	vmul.f32 v5, v16;
	v2 =	vadd.f32 v2, v1  }
0x7b: {  	v1 =	vshll.u32 v3, $0x5  }
0x7c: {  	v1 =	vor.u32 v0, v1;
	v3 =	vmul.f32 v7, v6;
	v2 =	vadd.f32 v4, v2;
	_ =	sdelay $0x1  }
0x7d: {  	v4 =	vor.u32 $0x1, v1;
	v2 =	vadd.f32 v3, v2;
	_ =	sdelay $0x1  }
0x7e: {  	v3 =	vor.u32 $0x2, v1;
	[tilespmem:s21+$0x0] =	vst v2  }
0x7f: {  	v2 =	vld.idx.msk [tilespmem:v1+s16+$0x0], $0xffff  }
0x80: {  	v6 =	vor.u32 $0x3, v1;
	v5 =	vld.idx.msk [tilespmem:v1+s15+$0x0], $0xffff  }
0x81: {  	v7 =	vld.idx.msk [tilespmem:v4+s15+$0x0], $0xffff  }
0x82: {  	v17 =	vor.u32 $0x4, v1;
	v4 =	vld.idx.msk [tilespmem:v4+s16+$0x0], $0xffff  }
0x83: {  	v18 =	vld.idx.msk [tilespmem:v3+s15+$0x0], $0xffff  }
0x84: {  	v19 =	vor.u32 $0x5, v1;
	v3 =	vld.idx.msk [tilespmem:v3+s16+$0x0], $0xffff  }
0x85: {  	v20 =	vld.idx.msk [tilespmem:v6+s15+$0x0], $0xffff;
	v2 =	vmul.f32 v2, v5  }
0x86: {  	v5 =	vld.idx.msk [tilespmem:v6+s16+$0x0], $0xffff;
	v6 =	vor.u32 $0x6, v1  }
0x87: {  	v21 =	vld.idx.msk [tilespmem:v17+s15+$0x0], $0xffff;
	v4 =	vmul.f32 v4, v7;
	v2 =	vadd.f32 $0.0e+00, v2  }
0x88: {  	v22 =	vor.u32 $0x7, v1;
	v7 =	vld.idx.msk [tilespmem:v17+s16+$0x0], $0xffff  }
0x89: {  	v23 =	vld.idx.msk [tilespmem:v19+s15+$0x0], $0xffff;
	v3 =	vmul.f32 v3, v18;
	v2 =	vadd.f32 v4, v2  }
0x8a: {  	v24 =	vor.u32 $0x8, v1;
	v4 =	vld.idx.msk [tilespmem:v19+s16+$0x0], $0xffff  }
0x8b: {  	v25 =	vld.idx.msk [tilespmem:v6+s15+$0x0], $0xffff;
	v2 =	vadd.f32 v3, v2;
	v3 =	vmul.f32 v5, v20  }
0x8c: {  	v5 =	vld.idx.msk [tilespmem:v6+s16+$0x0], $0xffff;
	v6 =	vor.u32 $0x9, v1  }
0x8d: {  	v26 =	vld.idx.msk [tilespmem:v22+s15+$0x0], $0xffff;
	v2 =	vadd.f32 v3, v2;
	v3 =	vmul.f32 v7, v21  }
0x8e: {  	v27 =	vor.u32 $0xA, v1;
	v7 =	vld.idx.msk [tilespmem:v22+s16+$0x0], $0xffff  }
0x8f: {  	v28 =	vld.idx.msk [tilespmem:v24+s15+$0x0], $0xffff;
	v2 =	vadd.f32 v3, v2;
	v3 =	vmul.f32 v4, v23  }
0x90: {  	v29 =	vor.u32 $0xB, v1;
	v4 =	vld.idx.msk [tilespmem:v24+s16+$0x0], $0xffff  }
0x91: {  	v30 =	vld.idx.msk [tilespmem:v6+s15+$0x0], $0xffff;
	v2 =	vadd.f32 v3, v2;
	v3 =	vmul.f32 v5, v25  }
0x92: {  	v5 =	vld.idx.msk [tilespmem:v6+s16+$0x0], $0xffff;
	v6 =	vor.u32 $0xC, v1  }
0x93: {  	v31 =	vld.idx.msk [tilespmem:v27+s15+$0x0], $0xffff;
	v2 =	vadd.f32 v3, v2;
	v3 =	vmul.f32 v7, v26  }
0x94: {  	v32 =	vor.u32 $0xD, v1;
	v7 =	vld.idx.msk [tilespmem:v27+s16+$0x0], $0xffff  }
0x95: {  	v33 =	vld.idx.msk [tilespmem:v29+s15+$0x0], $0xffff;
	v2 =	vadd.f32 v3, v2;
	v3 =	vmul.f32 v4, v28  }
0x96: {  	v34 =	vor.u32 $0xE, v1;
	v4 =	vld.idx.msk [tilespmem:v29+s16+$0x0], $0xffff  }
0x97: {  	v35 =	vld.idx.msk [tilespmem:v6+s15+$0x0], $0xffff;
	v2 =	vadd.f32 v3, v2;
	v3 =	vmul.f32 v5, v30  }
0x98: {  	v5 =	vld.idx.msk [tilespmem:v6+s16+$0x0], $0xffff;
	v6 =	vor.u32 $0xF, v1  }
0x99: {  	v36 =	vld.idx.msk [tilespmem:v32+s15+$0x0], $0xffff;
	v2 =	vadd.f32 v3, v2;
	v3 =	vmul.f32 v7, v31  }
0x9a: {  	v37 =	vor.u32 $0x10, v1;
	v7 =	vld.idx.msk [tilespmem:v32+s16+$0x0], $0xffff  }
0x9b: {  	v38 =	vld.idx.msk [tilespmem:v34+s15+$0x0], $0xffff;
	v2 =	vadd.f32 v3, v2;
	v3 =	vmul.f32 v4, v33  }
0x9c: {  	v39 =	vor.u32 $0x11, v1;
	v4 =	vld.idx.msk [tilespmem:v34+s16+$0x0], $0xffff  }
0x9d: {  	v40 =	vld.idx.msk [tilespmem:v6+s15+$0x0], $0xffff;
	v2 =	vadd.f32 v3, v2;
	v3 =	vmul.f32 v5, v35  }
0x9e: {  	v5 =	vld.idx.msk [tilespmem:v6+s16+$0x0], $0xffff;
	v6 =	vor.u32 $0x12, v1  }
0x9f: {  	v41 =	vld.idx.msk [tilespmem:v37+s15+$0x0], $0xffff;
	v2 =	vadd.f32 v3, v2;
	v3 =	vmul.f32 v7, v36  }
0xa0: {  	v42 =	vor.u32 $0x13, v1;
	v7 =	vld.idx.msk [tilespmem:v37+s16+$0x0], $0xffff  }
0xa1: {  	v43 =	vld.idx.msk [tilespmem:v39+s15+$0x0], $0xffff;
	v2 =	vadd.f32 v3, v2;
	v3 =	vmul.f32 v4, v38  }
0xa2: {  	v44 =	vor.u32 $0x14, v1;
	v4 =	vld.idx.msk [tilespmem:v39+s16+$0x0], $0xffff  }
0xa3: {  	v45 =	vld.idx.msk [tilespmem:v6+s15+$0x0], $0xffff;
	v2 =	vadd.f32 v3, v2;
	v3 =	vmul.f32 v5, v40  }
0xa4: {  	v5 =	vld.idx.msk [tilespmem:v6+s16+$0x0], $0xffff;
	v6 =	vor.u32 $0x15, v1  }
0xa5: {  	v46 =	vld.idx.msk [tilespmem:v42+s15+$0x0], $0xffff;
	v2 =	vadd.f32 v3, v2;
	v3 =	vmul.f32 v7, v41  }
0xa6: {  	v47 =	vor.u32 $0x16, v1;
	v7 =	vld.idx.msk [tilespmem:v42+s16+$0x0], $0xffff  }
0xa7: {  	v48 =	vld.idx.msk [tilespmem:v44+s15+$0x0], $0xffff;
	v2 =	vadd.f32 v3, v2;
	v3 =	vmul.f32 v4, v43  }
0xa8: {  	v49 =	vor.u32 $0x17, v1;
	v4 =	vld.idx.msk [tilespmem:v44+s16+$0x0], $0xffff  }
0xa9: {  	v50 =	vld.idx.msk [tilespmem:v6+s15+$0x0], $0xffff;
	v2 =	vadd.f32 v3, v2;
	v3 =	vmul.f32 v5, v45  }
0xaa: {  	v5 =	vld.idx.msk [tilespmem:v6+s16+$0x0], $0xffff;
	v6 =	vor.u32 $0x18, v1  }
0xab: {  	v51 =	vld.idx.msk [tilespmem:v47+s15+$0x0], $0xffff;
	v2 =	vadd.f32 v3, v2;
	v3 =	vmul.f32 v7, v46  }
0xac: {  	v52 =	vor.u32 $0x19, v1;
	v7 =	vld.idx.msk [tilespmem:v47+s16+$0x0], $0xffff  }
0xad: {  	v53 =	vld.idx.msk [tilespmem:v49+s15+$0x0], $0xffff;
	v2 =	vadd.f32 v3, v2;
	v3 =	vmul.f32 v4, v48  }
0xae: {  	v54 =	vor.u32 $0x1A, v1;
	v4 =	vld.idx.msk [tilespmem:v49+s16+$0x0], $0xffff  }
0xaf: {  	v55 =	vld.idx.msk [tilespmem:v6+s15+$0x0], $0xffff;
	v2 =	vadd.f32 v3, v2;
	v3 =	vmul.f32 v5, v50  }
0xb0: {  	v5 =	vld.idx.msk [tilespmem:v6+s16+$0x0], $0xffff;
	v6 =	vor.u32 $0x1B, v1  }
0xb1: {  	v56 =	vld.idx.msk [tilespmem:v52+s15+$0x0], $0xffff;
	v2 =	vadd.f32 v3, v2;
	v3 =	vmul.f32 v7, v51  }
0xb2: {  	v57 =	vor.u32 $0x1C, v1;
	v7 =	vld.idx.msk [tilespmem:v52+s16+$0x0], $0xffff  }
0xb3: {  	v58 =	vld.idx.msk [tilespmem:v54+s15+$0x0], $0xffff;
	v2 =	vadd.f32 v3, v2;
	v3 =	vmul.f32 v4, v53  }
0xb4: {  	v4 =	vld.idx.msk [tilespmem:v54+s16+$0x0], $0xffff  }
0xb5: {  	v60 =	vld.idx.msk [tilespmem:v6+s15+$0x0], $0xffff;
	v2 =	vadd.f32 v3, v2;
	v3 =	vmul.f32 v5, v55  }
0xb6: {  	v59 =	vor.u32 $0x1D, v1;
	v5 =	vld.idx.msk [tilespmem:v6+s16+$0x0], $0xffff  }
0xb7: {  	v61 =	vld.idx.msk [tilespmem:v57+s15+$0x0], $0xffff;
	v2 =	vadd.f32 v3, v2;
	v3 =	vmul.f32 v7, v56  }
0xb8: {  	v6 =	vor.u32 $0x1E, v1;
	v7 =	vld.idx.msk [tilespmem:v57+s16+$0x0], $0xffff  }
0xb9: {  	v2 =	vadd.f32 v3, v2;
	v3 =	vmul.f32 v4, v58  }
0xba: {  	v1 =	vor.u32 $0x1F, v1  }
0xbb: {  	v62 =	vld.idx.msk [tilespmem:v59+s15+$0x0], $0xffff;
	v2 =	vadd.f32 v3, v2;
	v3 =	vmul.f32 v5, v60  }
0xbc: {  	v4 =	vld.idx.msk [tilespmem:v59+s16+$0x0], $0xffff  }
0xbd: {  	v63 =	vld.idx.msk [tilespmem:v6+s15+$0x0], $0xffff;
	v2 =	vadd.f32 v3, v2;
	v3 =	vmul.f32 v7, v61  }
0xbe: {  	v5 =	vld.idx.msk [tilespmem:v6+s16+$0x0], $0xffff  }
0xbf: {  	v6 =	vadd.f32 v3, v2;
	v2 =	vld.idx.msk [tilespmem:v1+s15+$0x0], $0xffff  }
0xc0: {  	v3 =	vld.idx.msk [tilespmem:v1+s16+$0x0], $0xffff  }
0xc1: {  	v4 =	vmul.f32 v4, v62  }
0xc2: {  	s31 =	simm.s32 $0x20  }
0xc3: {  	v7 =	vmov s31;
	v5 =	vmul.f32 v5, v63;
	v4 =	vadd.f32 v4, v6  }
0xc4: {  	s24 =	simm.s32 $0x30;
	s23 =	simm.s32 $0x8200;
	v1 =	vshll.u32 v7, $0x5  }
.LBB2_2:
0xc5: {  	p0 =	sne.s32 s24, $0x1F0;
	v1 =	vor.u32 v0, v1;
	v4 =	vadd.f32 v5, v4;
	v2 =	vmul.f32 v3, v2;
	_ =	sdelay $0x1  }
0xc6: {  	v3 =	vor.u32 $0x1, v1;
	v2 =	vadd.f32 v2, v4  }
0xc7: {  	s23 =	sadd.s32 $0x10, s23  }
0xc8: {  	v4 =	vor.u32 $0x2, v1;
	[tilespmem:s23+$0x0] =	vst v2  }
0xc9: {  	v2 =	vld.idx.msk [tilespmem:v1+s16+$0x0], $0xffff  }
0xca: {  	v6 =	vor.u32 $0x3, v1;
	v5 =	vld.idx.msk [tilespmem:v1+s15+$0x0], $0xffff  }
0xcb: {  	v7 =	vld.idx.msk [tilespmem:v3+s15+$0x0], $0xffff  }
0xcc: {  	v8 =	vor.u32 $0x4, v1;
	v3 =	vld.idx.msk [tilespmem:v3+s16+$0x0], $0xffff  }
0xcd: {  	v9 =	vld.idx.msk [tilespmem:v4+s15+$0x0], $0xffff  }
0xce: {  	v10 =	vor.u32 $0x5, v1;
	v4 =	vld.idx.msk [tilespmem:v4+s16+$0x0], $0xffff  }
0xcf: {  	v11 =	vld.idx.msk [tilespmem:v6+s15+$0x0], $0xffff  }
0xd0: {  	v2 =	vmul.f32 v2, v5;
	v5 =	vld.idx.msk [tilespmem:v6+s16+$0x0], $0xffff;
	v6 =	vor.u32 $0x6, v1  }
0xd1: {  	v12 =	vld.idx.msk [tilespmem:v8+s15+$0x0], $0xffff  }
0xd2: {  	v2 =	vadd.f32 $0.0e+00, v2;
	v3 =	vmul.f32 v3, v7;
	v7 =	vld.idx.msk [tilespmem:v8+s16+$0x0], $0xffff;
	v8 =	vor.u32 $0x7, v1  }
0xd3: {  	v13 =	vld.idx.msk [tilespmem:v10+s15+$0x0], $0xffff  }
0xd4: {  	v2 =	vadd.f32 v3, v2;
	v3 =	vmul.f32 v4, v9;
	v9 =	vor.u32 $0x8, v1;
	v4 =	vld.idx.msk [tilespmem:v10+s16+$0x0], $0xffff  }
0xd5: {  	v10 =	vld.idx.msk [tilespmem:v6+s15+$0x0], $0xffff  }
0xd6: {  	v2 =	vadd.f32 v3, v2;
	v3 =	vmul.f32 v5, v11;
	v5 =	vld.idx.msk [tilespmem:v6+s16+$0x0], $0xffff;
	v6 =	vor.u32 $0x9, v1  }
0xd7: {  	v11 =	vld.idx.msk [tilespmem:v8+s15+$0x0], $0xffff  }
0xd8: {  	v2 =	vadd.f32 v3, v2;
	v3 =	vmul.f32 v7, v12;
	v7 =	vld.idx.msk [tilespmem:v8+s16+$0x0], $0xffff;
	v8 =	vor.u32 $0xA, v1  }
0xd9: {  	v12 =	vld.idx.msk [tilespmem:v9+s15+$0x0], $0xffff  }
0xda: {  	v2 =	vadd.f32 v3, v2;
	v3 =	vmul.f32 v4, v13;
	v4 =	vld.idx.msk [tilespmem:v9+s16+$0x0], $0xffff;
	v9 =	vor.u32 $0xB, v1  }
0xdb: {  	v13 =	vld.idx.msk [tilespmem:v6+s15+$0x0], $0xffff  }
0xdc: {  	v2 =	vadd.f32 v3, v2;
	v3 =	vmul.f32 v5, v10;
	v5 =	vld.idx.msk [tilespmem:v6+s16+$0x0], $0xffff;
	v6 =	vor.u32 $0xC, v1  }
0xdd: {  	v10 =	vld.idx.msk [tilespmem:v8+s15+$0x0], $0xffff  }
0xde: {  	v2 =	vadd.f32 v3, v2;
	v3 =	vmul.f32 v7, v11;
	v7 =	vld.idx.msk [tilespmem:v8+s16+$0x0], $0xffff;
	v8 =	vor.u32 $0xD, v1  }
0xdf: {  	v11 =	vld.idx.msk [tilespmem:v9+s15+$0x0], $0xffff  }
0xe0: {  	v2 =	vadd.f32 v3, v2;
	v3 =	vmul.f32 v4, v12;
	v4 =	vld.idx.msk [tilespmem:v9+s16+$0x0], $0xffff;
	v9 =	vor.u32 $0xE, v1  }
0xe1: {  	v12 =	vld.idx.msk [tilespmem:v6+s15+$0x0], $0xffff  }
0xe2: {  	v2 =	vadd.f32 v3, v2;
	v3 =	vmul.f32 v5, v13;
	v5 =	vld.idx.msk [tilespmem:v6+s16+$0x0], $0xffff;
	v6 =	vor.u32 $0xF, v1  }
0xe3: {  	v13 =	vld.idx.msk [tilespmem:v8+s15+$0x0], $0xffff  }
0xe4: {  	v2 =	vadd.f32 v3, v2;
	v3 =	vmul.f32 v7, v10;
	v7 =	vld.idx.msk [tilespmem:v8+s16+$0x0], $0xffff;
	v8 =	vor.u32 $0x10, v1  }
0xe5: {  	v10 =	vld.idx.msk [tilespmem:v9+s15+$0x0], $0xffff  }
0xe6: {  	v2 =	vadd.f32 v3, v2;
	v3 =	vmul.f32 v4, v11;
	v4 =	vld.idx.msk [tilespmem:v9+s16+$0x0], $0xffff;
	v9 =	vor.u32 $0x11, v1  }
0xe7: {  	v11 =	vld.idx.msk [tilespmem:v6+s15+$0x0], $0xffff  }
0xe8: {  	v2 =	vadd.f32 v3, v2;
	v3 =	vmul.f32 v5, v12;
	v5 =	vld.idx.msk [tilespmem:v6+s16+$0x0], $0xffff;
	v6 =	vor.u32 $0x12, v1  }
0xe9: {  	v12 =	vld.idx.msk [tilespmem:v8+s15+$0x0], $0xffff  }
0xea: {  	v2 =	vadd.f32 v3, v2;
	v3 =	vmul.f32 v7, v13;
	v7 =	vld.idx.msk [tilespmem:v8+s16+$0x0], $0xffff;
	v8 =	vor.u32 $0x13, v1  }
0xeb: {  	v13 =	vld.idx.msk [tilespmem:v9+s15+$0x0], $0xffff  }
0xec: {  	v2 =	vadd.f32 v3, v2;
	v3 =	vmul.f32 v4, v10;
	v4 =	vld.idx.msk [tilespmem:v9+s16+$0x0], $0xffff;
	v9 =	vor.u32 $0x14, v1  }
0xed: {  	v10 =	vld.idx.msk [tilespmem:v6+s15+$0x0], $0xffff  }
0xee: {  	v2 =	vadd.f32 v3, v2;
	v3 =	vmul.f32 v5, v11;
	v5 =	vld.idx.msk [tilespmem:v6+s16+$0x0], $0xffff;
	v6 =	vor.u32 $0x15, v1  }
0xef: {  	v11 =	vld.idx.msk [tilespmem:v8+s15+$0x0], $0xffff  }
0xf0: {  	v2 =	vadd.f32 v3, v2;
	v3 =	vmul.f32 v7, v12;
	v7 =	vld.idx.msk [tilespmem:v8+s16+$0x0], $0xffff;
	v8 =	vor.u32 $0x16, v1  }
0xf1: {  	v12 =	vld.idx.msk [tilespmem:v9+s15+$0x0], $0xffff  }
0xf2: {  	v2 =	vadd.f32 v3, v2;
	v3 =	vmul.f32 v4, v13;
	v4 =	vld.idx.msk [tilespmem:v9+s16+$0x0], $0xffff;
	v9 =	vor.u32 $0x17, v1  }
0xf3: {  	v13 =	vld.idx.msk [tilespmem:v6+s15+$0x0], $0xffff  }
0xf4: {  	v2 =	vadd.f32 v3, v2;
	v3 =	vmul.f32 v5, v10;
	v5 =	vld.idx.msk [tilespmem:v6+s16+$0x0], $0xffff;
	v6 =	vor.u32 $0x18, v1  }
0xf5: {  	v10 =	vld.idx.msk [tilespmem:v8+s15+$0x0], $0xffff  }
0xf6: {  	v2 =	vadd.f32 v3, v2;
	v3 =	vmul.f32 v7, v11;
	v7 =	vld.idx.msk [tilespmem:v8+s16+$0x0], $0xffff;
	v8 =	vor.u32 $0x19, v1  }
0xf7: {  	v11 =	vld.idx.msk [tilespmem:v9+s15+$0x0], $0xffff  }
0xf8: {  	v2 =	vadd.f32 v3, v2;
	v3 =	vmul.f32 v4, v12;
	v4 =	vld.idx.msk [tilespmem:v9+s16+$0x0], $0xffff;
	v9 =	vor.u32 $0x1A, v1  }
0xf9: {  	v12 =	vld.idx.msk [tilespmem:v6+s15+$0x0], $0xffff  }
0xfa: {  	v2 =	vadd.f32 v3, v2;
	v3 =	vmul.f32 v5, v13;
	v5 =	vld.idx.msk [tilespmem:v6+s16+$0x0], $0xffff;
	v6 =	vor.u32 $0x1B, v1  }
0xfb: {  	v13 =	vld.idx.msk [tilespmem:v8+s15+$0x0], $0xffff  }
0xfc: {  	v2 =	vadd.f32 v3, v2;
	v3 =	vmul.f32 v7, v10;
	v7 =	vld.idx.msk [tilespmem:v8+s16+$0x0], $0xffff;
	v8 =	vor.u32 $0x1C, v1  }
0xfd: {  	v10 =	vld.idx.msk [tilespmem:v9+s15+$0x0], $0xffff  }
0xfe: {  	v2 =	vadd.f32 v3, v2;
	v3 =	vmul.f32 v4, v11;
	v4 =	vld.idx.msk [tilespmem:v9+s16+$0x0], $0xffff;
	v9 =	vor.u32 $0x1D, v1  }
0xff: {  	v11 =	vld.idx.msk [tilespmem:v6+s15+$0x0], $0xffff  }
0x100: {  	v2 =	vadd.f32 v3, v2;
	v3 =	vmul.f32 v5, v12;
	v5 =	vld.idx.msk [tilespmem:v6+s16+$0x0], $0xffff;
	v6 =	vor.u32 $0x1E, v1  }
0x101: {  	v12 =	vld.idx.msk [tilespmem:v8+s15+$0x0], $0xffff  }
0x102: {  	v1 =	vor.u32 $0x1F, v1;
	v2 =	vadd.f32 v3, v2;
	v3 =	vmul.f32 v7, v13;
	v7 =	vld.idx.msk [tilespmem:v8+s16+$0x0], $0xffff  }
0x103: {  	v8 =	vld.idx.msk [tilespmem:v9+s15+$0x0], $0xffff  }
0x104: {  	v2 =	vadd.f32 v3, v2;
	v3 =	vmul.f32 v4, v10;
	v4 =	vld.idx.msk [tilespmem:v9+s16+$0x0], $0xffff  }
0x105: {  	v9 =	vld.idx.msk [tilespmem:v6+s15+$0x0], $0xffff  }
0x106: {  	v3 =	vadd.f32 v3, v2;
	v5 =	vmul.f32 v5, v11;
	v6 =	vld.idx.msk [tilespmem:v6+s16+$0x0], $0xffff  }
0x107: {  	v2 =	vld.idx.msk [tilespmem:v1+s15+$0x0], $0xffff  }
0x108: {  	v5 =	vadd.f32 v5, v3;
	v7 =	vmul.f32 v7, v12;
	v3 =	vld.idx.msk [tilespmem:v1+s16+$0x0], $0xffff  }
.Ltmp0:
0x109: {  	(pc) =	sbr.rel @p0 .LBB2_2-.Ltmp0, $3  }
0x10a: {  	v1 =	vadd.f32 v7, v5;
	v4 =	vmul.f32 v4, v8;
	_ =	sdelay $0x1  }
0x10b: {  	v7 =	vmov s24;
	v4 =	vadd.f32 v4, v1;
	v5 =	vmul.f32 v6, v9  }
0x10c: {  	s24 =	sadd.s32 $0x10, s24;
	v1 =	vshll.u32 v7, $0x5  }
0x10d: {  	v1 =	vor.u32 v0, v1;
	v4 =	vadd.f32 v5, v4;
	v2 =	vmul.f32 v3, v2;
	_ =	sdelay $0x1  }
0x10e: {  	v3 =	vor.u32 $0x1, v1;
	v2 =	vadd.f32 v2, v4  }
0x10f: {  	s23 =	sadd.s32 $0x10, s23  }
0x110: {  	v31 =	vor.u32 $0x2, v1;
	[tilespmem:s23+$0x0] =	vst v2  }
0x111: {  	v2 =	vld.idx.msk [tilespmem:v1+s16+$0x0], $0xffff  }
0x112: {  	v6 =	vor.u32 $0x3, v1;
	v32 =	vld.idx.msk [tilespmem:v1+s15+$0x0], $0xffff  }
0x113: {  	v7 =	vld.idx.msk [tilespmem:v3+s15+$0x0], $0xffff  }
0x114: {  	v8 =	vor.u32 $0x4, v1;
	v3 =	vld.idx.msk [tilespmem:v3+s16+$0x0], $0xffff  }
0x115: {  	v9 =	vld.idx.msk [tilespmem:v31+s15+$0x0], $0xffff  }
0x116: {  	v10 =	vor.u32 $0x5, v1;
	v4 =	vld.idx.msk [tilespmem:v31+s16+$0x0], $0xffff  }
0x117: {  	v11 =	vld.idx.msk [tilespmem:v6+s15+$0x0], $0xffff;
	v2 =	vmul.f32 v2, v32  }
0x118: {  	v34 =	vor.u32 $0x6, v1;
	v33 =	vld.idx.msk [tilespmem:v6+s16+$0x0], $0xffff  }
0x119: {  	v12 =	vld.idx.msk [tilespmem:v8+s15+$0x0], $0xffff;
	v3 =	vmul.f32 v3, v7;
	v2 =	vadd.f32 $0.0e+00, v2  }
0x11a: {  	v36 =	vor.u32 $0x7, v1;
	v35 =	vld.idx.msk [tilespmem:v8+s16+$0x0], $0xffff  }
0x11b: {  	v13 =	vld.idx.msk [tilespmem:v10+s15+$0x0], $0xffff;
	v2 =	vadd.f32 v3, v2;
	v3 =	vmul.f32 v4, v9  }
0x11c: {  	v38 =	vor.u32 $0x8, v1;
	v37 =	vld.idx.msk [tilespmem:v10+s16+$0x0], $0xffff  }
0x11d: {  	v39 =	vld.idx.msk [tilespmem:v34+s15+$0x0], $0xffff;
	v2 =	vadd.f32 v3, v2;
	v3 =	vmul.f32 v33, v11  }
0x11e: {  	v41 =	vor.u32 $0x9, v1;
	v40 =	vld.idx.msk [tilespmem:v34+s16+$0x0], $0xffff  }
0x11f: {  	v42 =	vld.idx.msk [tilespmem:v36+s15+$0x0], $0xffff;
	v2 =	vadd.f32 v3, v2;
	v3 =	vmul.f32 v35, v12  }
0x120: {  	v44 =	vor.u32 $0xA, v1;
	v43 =	vld.idx.msk [tilespmem:v36+s16+$0x0], $0xffff  }
0x121: {  	v45 =	vld.idx.msk [tilespmem:v38+s15+$0x0], $0xffff;
	v2 =	vadd.f32 v3, v2;
	v3 =	vmul.f32 v37, v13  }
0x122: {  	v47 =	vor.u32 $0xB, v1;
	v46 =	vld.idx.msk [tilespmem:v38+s16+$0x0], $0xffff  }
0x123: {  	v48 =	vld.idx.msk [tilespmem:v41+s15+$0x0], $0xffff;
	v2 =	vadd.f32 v3, v2;
	v3 =	vmul.f32 v40, v39  }
0x124: {  	v50 =	vor.u32 $0xC, v1;
	v49 =	vld.idx.msk [tilespmem:v41+s16+$0x0], $0xffff  }
0x125: {  	v51 =	vld.idx.msk [tilespmem:v44+s15+$0x0], $0xffff;
	v2 =	vadd.f32 v3, v2;
	v3 =	vmul.f32 v43, v42  }
0x126: {  	v53 =	vor.u32 $0xD, v1;
	v52 =	vld.idx.msk [tilespmem:v44+s16+$0x0], $0xffff  }
0x127: {  	v54 =	vld.idx.msk [tilespmem:v47+s15+$0x0], $0xffff;
	v2 =	vadd.f32 v3, v2;
	v3 =	vmul.f32 v46, v45  }
0x128: {  	v56 =	vor.u32 $0xE, v1;
	v55 =	vld.idx.msk [tilespmem:v47+s16+$0x0], $0xffff  }
0x129: {  	v57 =	vld.idx.msk [tilespmem:v50+s15+$0x0], $0xffff;
	v2 =	vadd.f32 v3, v2;
	v3 =	vmul.f32 v49, v48  }
0x12a: {  	v59 =	vor.u32 $0xF, v1;
	v58 =	vld.idx.msk [tilespmem:v50+s16+$0x0], $0xffff  }
0x12b: {  	v60 =	vld.idx.msk [tilespmem:v53+s15+$0x0], $0xffff;
	v2 =	vadd.f32 v3, v2;
	v3 =	vmul.f32 v52, v51  }
0x12c: {  	v62 =	vor.u32 $0x10, v1;
	v61 =	vld.idx.msk [tilespmem:v53+s16+$0x0], $0xffff  }
0x12d: {  	v63 =	vld.idx.msk [tilespmem:v56+s15+$0x0], $0xffff;
	v2 =	vadd.f32 v3, v2;
	v3 =	vmul.f32 v55, v54  }
0x12e: {  	v17 =	vor.u32 $0x11, v1;
	v16 =	vld.idx.msk [tilespmem:v56+s16+$0x0], $0xffff  }
0x12f: {  	v18 =	vld.idx.msk [tilespmem:v59+s15+$0x0], $0xffff;
	v2 =	vadd.f32 v3, v2;
	v3 =	vmul.f32 v58, v57  }
0x130: {  	v20 =	vor.u32 $0x12, v1;
	v19 =	vld.idx.msk [tilespmem:v59+s16+$0x0], $0xffff  }
0x131: {  	v21 =	vld.idx.msk [tilespmem:v62+s15+$0x0], $0xffff;
	v2 =	vadd.f32 v3, v2;
	v3 =	vmul.f32 v61, v60  }
0x132: {  	v23 =	vor.u32 $0x13, v1;
	v22 =	vld.idx.msk [tilespmem:v62+s16+$0x0], $0xffff  }
0x133: {  	v24 =	vld.idx.msk [tilespmem:v17+s15+$0x0], $0xffff;
	v2 =	vadd.f32 v3, v2;
	v3 =	vmul.f32 v16, v63  }
0x134: {  	v26 =	vor.u32 $0x14, v1;
	v25 =	vld.idx.msk [tilespmem:v17+s16+$0x0], $0xffff  }
0x135: {  	v27 =	vld.idx.msk [tilespmem:v20+s15+$0x0], $0xffff;
	v2 =	vadd.f32 v3, v2;
	v3 =	vmul.f32 v19, v18  }
0x136: {  	v29 =	vor.u32 $0x15, v1;
	v28 =	vld.idx.msk [tilespmem:v20+s16+$0x0], $0xffff  }
0x137: {  	v30 =	vld.idx.msk [tilespmem:v23+s15+$0x0], $0xffff;
	v2 =	vadd.f32 v3, v2;
	v3 =	vmul.f32 v22, v21  }
0x138: {  	v31 =	vld.idx.msk [tilespmem:v23+s16+$0x0], $0xffff;
	v32 =	vor.u32 $0x16, v1  }
0x139: {  	v34 =	vld.idx.msk [tilespmem:v26+s16+$0x0], $0xffff;
	v2 =	vadd.f32 v3, v2;
	v3 =	vmul.f32 v25, v24  }
0x13a: {  	v33 =	vld.idx.msk [tilespmem:v26+s15+$0x0], $0xffff;
	v35 =	vor.u32 $0x17, v1  }
0x13b: {  	v36 =	vld.idx.msk [tilespmem:v29+s15+$0x0], $0xffff;
	v2 =	vadd.f32 v3, v2;
	v3 =	vmul.f32 v28, v27  }
0x13c: {  	v38 =	vor.u32 $0x18, v1;
	v37 =	vld.idx.msk [tilespmem:v29+s16+$0x0], $0xffff  }
0x13d: {  	v39 =	vld.idx.msk [tilespmem:v32+s15+$0x0], $0xffff;
	v2 =	vadd.f32 v3, v2;
	v3 =	vmul.f32 v31, v30  }
0x13e: {  	v41 =	vor.u32 $0x19, v1;
	v40 =	vld.idx.msk [tilespmem:v32+s16+$0x0], $0xffff  }
0x13f: {  	v42 =	vld.idx.msk [tilespmem:v35+s15+$0x0], $0xffff;
	v2 =	vadd.f32 v3, v2;
	v3 =	vmul.f32 v34, v33  }
0x140: {  	v44 =	vor.u32 $0x1A, v1;
	v43 =	vld.idx.msk [tilespmem:v35+s16+$0x0], $0xffff  }
0x141: {  	v45 =	vld.idx.msk [tilespmem:v38+s15+$0x0], $0xffff;
	v2 =	vadd.f32 v3, v2;
	v3 =	vmul.f32 v37, v36  }
0x142: {  	v47 =	vor.u32 $0x1B, v1;
	v46 =	vld.idx.msk [tilespmem:v38+s16+$0x0], $0xffff  }
0x143: {  	v48 =	vld.idx.msk [tilespmem:v41+s15+$0x0], $0xffff;
	v2 =	vadd.f32 v3, v2;
	v3 =	vmul.f32 v40, v39  }
0x144: {  	v50 =	vor.u32 $0x1C, v1;
	v49 =	vld.idx.msk [tilespmem:v41+s16+$0x0], $0xffff  }
0x145: {  	v51 =	vld.idx.msk [tilespmem:v44+s15+$0x0], $0xffff;
	v2 =	vadd.f32 v3, v2;
	v3 =	vmul.f32 v43, v42  }
0x146: {  	v53 =	vor.u32 $0x1D, v1;
	v52 =	vld.idx.msk [tilespmem:v44+s16+$0x0], $0xffff  }
0x147: {  	v54 =	vld.idx.msk [tilespmem:v47+s15+$0x0], $0xffff;
	v2 =	vadd.f32 v3, v2;
	v3 =	vmul.f32 v46, v45  }
0x148: {  	v56 =	vor.u32 $0x1E, v1;
	v55 =	vld.idx.msk [tilespmem:v47+s16+$0x0], $0xffff  }
0x149: {  	v57 =	vld.idx.msk [tilespmem:v50+s15+$0x0], $0xffff;
	v2 =	vadd.f32 v3, v2;
	v3 =	vmul.f32 v49, v48  }
0x14a: {  	v1 =	vor.u32 $0x1F, v1;
	v58 =	vld.idx.msk [tilespmem:v50+s16+$0x0], $0xffff  }
0x14b: {  	v59 =	vld.idx.msk [tilespmem:v53+s15+$0x0], $0xffff;
	v2 =	vadd.f32 v3, v2;
	v3 =	vmul.f32 v52, v51  }
0x14c: {  	v60 =	vld.idx.msk [tilespmem:v53+s16+$0x0], $0xffff  }
0x14d: {  	v62 =	vld.idx.msk [tilespmem:v56+s16+$0x0], $0xffff;
	v2 =	vadd.f32 v3, v2;
	v3 =	vmul.f32 v55, v54  }
0x14e: {  	v61 =	vld.idx.msk [tilespmem:v56+s15+$0x0], $0xffff  }
0x14f: {  	v63 =	vld.idx.msk [tilespmem:v1+s15+$0x0], $0xffff;
	v2 =	vadd.f32 v3, v2;
	v3 =	vmul.f32 v58, v57  }
0x150: {  	v1 =	vld.idx.msk [tilespmem:v1+s16+$0x0], $0xffff  }
0x151: {  	v2 =	vadd.f32 v3, v2;
	v3 =	vmul.f32 v60, v59;
	_ =	sdelay $0x1  }
0x152: {  	v2 =	vadd.f32 v3, v2;
	v3 =	vmul.f32 v62, v61;
	_ =	sdelay $0x1  }
0x153: {  	v1 =	vmul.f32 v1, v63;
	v2 =	vadd.f32 v3, v2;
	_ =	sdelay $0x1  }
0x154: {  	s22 =	sadd.s32 $0x1, s22;
	v1 =	vadd.f32 v1, v2  }
0x155: {  	p0 =	sne.s32 s22, s10;
	s23 =	sadd.s32 $0x10, s23  }
.Ltmp1:
0x156: {  	[tilespmem:s23+$0x0] =	vst v1;
	(pc) =	sbr.rel @p0 .LBB2_1-.Ltmp1, $4  }
0x157: {  	[hbm4b:s9+s2] =	stream.linear.scatter [tilespmem:s21], [sflag:$0x2], $0x200, $0x38;
	[tilespmem:$0x8400] =	vst v63  }
0x158: {  	_ =	swait.ge [sflag:s11], $0x200  }
0x159: {  	[sflag:s11] =	ssyncset.done $0x0  }
0x15a: {  	[sflag:s11] =	ssyncadd.s32 $0xFFFFFE00  }
0x15b: {  	_ =	sfence.sel $0x180000  }
0x15c: {  	[bflag:$0x0] =	sbarrier.arrive $0xFFFF  }
0x15d: {  	p0 =	sne.s32 s1, $0x0;
	_ =	strace $0x9000004A  }
0x15e: {  	s0 =	sadd.s32 @!p0 $0x100000, s0;
	[bflag:$0x2] =	sbarrier.arrive $0xFFFF  }
0x15f: {  	[sflag:s0] =	ssyncadd.tile.s32 @!p0 $0x1;
	_ =	shalt  }
.Lfunc_end2:
_tile_overlayer_lowered:
.L_overlay_start_2:
0x160: {  	(tag) =	ssettag $0x2  }
0x161: {  	s0 =	rddreg [dreg:$0x0];
	s2 =	stileid.u32  }
0x162: {  	s1 =	rddreg [dreg:$0x1];
	p0 =	sne.s32 s2, $0x0  }
0x163: {  	s3 =	rddreg [dreg:$0x2];
	[bflag:$0x3] =	sbarrier.arrive $0xFFFF;
	s2 =	simm.s32 @!p0 $0x1C02  }
0x164: {  	[timem:s3], [sflag:s2] =	dma.local @!p0 [hbm:s0], s1  }
0x165: {  	s0 =	simm.s32 @!p0 $0x2  }
0x166: {  	_ =	swait.ge @!p0 [sflag:s0], s1  }
0x167: {  	s1 =	ssub.s32 @!p0 $0x0, s1;
	[sflag:s0] =	ssyncset.done @!p0 $0x0  }
0x168: {  	[sflag:s0] =	ssyncadd.s32 @!p0 s1  }
0x169: {  	[bflag:$0x3] =	sbarrier.arrive $0xFFFF  }
0x16a: {  	_ =	shalt  }

</sc_bundles>
